<compile_context>
chip_gen: v7x
topology: tpu7x:2x2x1
jax: 0.10.2.dev20260603
libtpu: 0.0.44.dev20260713+nightly
codegen_flags: <defaults>
</compile_context>

<pallas_src>
import functools

import jax
import jax.numpy as jnp
from jax import lax
from jax.experimental import pallas as pl
from jax.experimental.pallas import tpu as pltpu
from jax.experimental.pallas import tpu_sc as plsc

_VOCAB = 1000000
_EMBED = 32
_BATCH = 4096
_HIST = 200
_TOTAL = _BATCH * _HIST

_NC = 2
_NS = 16
_NW = _NC * _NS
_PER_W = _TOTAL // _NW
_CHUNK = 800
_DEPTH = 4
_AHEAD = 2
_NCHUNKS = _PER_W // _CHUNK


def _sc_gather(idx_flat, table):
  mesh = plsc.VectorSubcoreMesh(core_axis_name="c", subcore_axis_name="s")

  @functools.partial(
      pl.kernel,
      mesh=mesh,
      out_type=jax.ShapeDtypeStruct((_TOTAL, _EMBED), jnp.float32),
      scratch_types=(
          [
              pltpu.VMEM((_PER_W,), jnp.int32),
              pltpu.VMEM((_DEPTH, _CHUNK, _EMBED), jnp.float32),
          ]
          + [pltpu.SemaphoreType.DMA] * (2 * _DEPTH)
      ),
      compiler_params=pltpu.CompilerParams(use_tc_tiling_on_sc=False),
  )
  def k(idx_hbm, table_hbm, out_hbm, idx_v, rows_v, *sems):
    wid = lax.axis_index("s") * _NC + lax.axis_index("c")
    base = wid * _PER_W
    gsem = sems[:_DEPTH]
    ssem = sems[_DEPTH:]

    pltpu.sync_copy(idx_hbm.at[pl.ds(base, _PER_W)], idx_v)

    def gather_start(i, b):
      return pltpu.async_copy(
          table_hbm.at[idx_v.at[pl.ds(i * _CHUNK, _CHUNK)]],
          rows_v.at[b], gsem[b])

    def store_start(i, b):
      return pltpu.async_copy(
          rows_v.at[b], out_hbm.at[pl.ds(base + i * _CHUNK, _CHUNK)],
          ssem[b])

    gathers = [None] * _DEPTH
    stores = [None] * _DEPTH
    for j in range(_AHEAD):
      gathers[j % _DEPTH] = gather_start(j, j % _DEPTH)
    for i in range(_NCHUNKS):
      b = i % _DEPTH
      nxt = i + _AHEAD
      if nxt < _NCHUNKS:
        nb = nxt % _DEPTH
        if stores[nb] is not None:
          stores[nb].wait()
          stores[nb] = None
        gathers[nb] = gather_start(nxt, nb)
      gathers[b].wait()
      stores[b] = store_start(i, b)
    for b in range(_DEPTH):
      if stores[b] is not None:
        stores[b].wait()

  return k(idx_flat, table)


def kernel(inputs, embeddings):
  idx_flat = inputs.reshape(-1).astype(jnp.int32)
  out = _sc_gather(idx_flat, embeddings)
  return out.reshape(_BATCH, _HIST, _EMBED)

# --- scband reference (transcript-rebuilt; emitter-appended) ---
"""Pipeline reference for scband-embedding-layer-26439818674742 (READ-ONLY COPY).

The authoritative reference and input builder live on the scoring server;
editing this copy changes nothing except your own understanding.
"""

import jax, jax.numpy as jnp
import numpy as np

VOCAB_SIZE = 1000000
EMBED_DIM = 32
BATCH = 4096
HIST = 200

def setup_inputs(seed: int = 0) -> dict:
    key = jax.random.key(seed)
    k_idx, k_tab = jax.random.split(key)
    inputs = jax.random.randint(k_idx, (BATCH, HIST), 0, VOCAB_SIZE, dtype=jnp.int64 if jax.config.jax_enable_x64 else jnp.int32)
    # RandomNormal(mean=0.0, stddev=0.1) initializer, matching the keras layer
    embeddings = jax.random.normal(k_tab, (VOCAB_SIZE, EMBED_DIM), dtype=jnp.float32) * 0.1
    return {"inputs": inputs, "embeddings": embeddings}

def reference(inputs, embeddings):
    # tf.nn.embedding_lookup(embeddings, inputs); no hidden_dim so no projection
    return jnp.take(embeddings, inputs, axis=0)

if __name__ == "__main__":
    import jax
    _d = setup_inputs()
    print(jax.jit(kernel)(*tuple(_d.values())))

</pallas_src>

<mosaic_0001>
#map = affine_map<(d0, d1) -> (0)>
#map1 = affine_map<(d0, d1) -> (0, 0)>
module attributes {stable_mosaic.version = 14 : i64} {
  func.func @k(%arg0: i32, %arg1: i32, %arg2: memref<819200xi32, #tpu.memory_space<hbm>>, %arg3: memref<1000000x32xf32, #tpu.memory_space<hbm>>, %arg4: memref<819200x32xf32, #tpu.memory_space<hbm>>, %arg5: memref<25600xi32, #tpu.memory_space<vmem>>, %arg6: memref<4x800x32xf32, #tpu.memory_space<vmem>>, %arg7: memref<!tpu.dma_semaphore, #tpu.memory_space<semaphore_mem>>, %arg8: memref<!tpu.dma_semaphore, #tpu.memory_space<semaphore_mem>>, %arg9: memref<!tpu.dma_semaphore, #tpu.memory_space<semaphore_mem>>, %arg10: memref<!tpu.dma_semaphore, #tpu.memory_space<semaphore_mem>>, %arg11: memref<!tpu.dma_semaphore, #tpu.memory_space<semaphore_mem>>, %arg12: memref<!tpu.dma_semaphore, #tpu.memory_space<semaphore_mem>>, %arg13: memref<!tpu.dma_semaphore, #tpu.memory_space<semaphore_mem>>, %arg14: memref<!tpu.dma_semaphore, #tpu.memory_space<semaphore_mem>>) attributes {dimension_semantics = [#tpu.dimension_semantics<core_parallel>, #tpu.dimension_semantics<subcore_parallel>], iteration_bounds = array<i64: 2, 16>, scalar_prefetch = 0 : i64, scratch_operands = 10 : i64, tpu.core_type = #tpu.core_type<sc_vector_subcore>, window_params = [{transform_indices = #map}, {transform_indices = #map1}, {transform_indices = #map1}]} {
    %mul3A = arith.constant 2 : i32
    %mul3A_0 = arith.muli %arg1, %mul3A : i32
    %add3A = arith.addi %mul3A_0, %arg0 : i32
    %mul3A_1 = arith.constant 25600 : i32
    %mul3A_2 = arith.muli %add3A, %mul3A_1 : i32
    "tpu.region"() ({
      %run_scoped3A = tpu.sem_alloc : memref<!tpu.dma_semaphore, #tpu.memory_space<semaphore_mem>>
      %dma_start3A_1537 = tpu.memref_slice %arg2[%mul3A_2] : memref<819200xi32, #tpu.memory_space<hbm>> -> memref<25600xi32, #tpu.memory_space<hbm>>
      %dma_start3A_1538 = tpu.memref_slice %arg2[%mul3A_2] : memref<819200xi32, #tpu.memory_space<hbm>> -> memref<25600xi32, #tpu.memory_space<hbm>>
      tpu.enqueue_dma source(%dma_start3A_1538 : memref<25600xi32, #tpu.memory_space<hbm>>) target(%arg5 : memref<25600xi32, #tpu.memory_space<vmem>>) target_semaphore(%run_scoped3A : memref<!tpu.dma_semaphore, #tpu.memory_space<semaphore_mem>>)
      %dma_wait3A_1539 = tpu.memref_slice %arg2[%mul3A_2] : memref<819200xi32, #tpu.memory_space<hbm>> -> memref<25600xi32, #tpu.memory_space<hbm>>
      %dma_wait3A_1540 = tpu.memref_slice %arg2[%mul3A_2] : memref<819200xi32, #tpu.memory_space<hbm>> -> memref<25600xi32, #tpu.memory_space<hbm>>
      tpu.wait_dma2 semaphore(%run_scoped3A : memref<!tpu.dma_semaphore, #tpu.memory_space<semaphore_mem>>) src(%dma_wait3A_1540 : memref<25600xi32, #tpu.memory_space<hbm>>) dst(%arg5 : memref<25600xi32, #tpu.memory_space<vmem>>)
      tpu.yield
    }) : () -> ()
    %dma_start3A = arith.constant 0 : i32
    %dma_start3A_3 = arith.constant 0 : i32
    %dma_start3A_4 = arith.constant 0 : i32
    %dma_start3A_5 = tpu.memref_slice %arg6[%dma_start3A, %dma_start3A_3, %dma_start3A_4] : memref<4x800x32xf32, #tpu.memory_space<vmem>> -> memref<1x800x32xf32, #tpu.memory_space<vmem>>
    %dma_start3A_6 = tpu.memref_squeeze %dma_start3A_5 : memref<1x800x32xf32, #tpu.memory_space<vmem>> -> memref<800x32xf32, #tpu.memory_space<vmem>>
    %dma_start3A_7 = arith.constant 0 : i32
    %dma_start3A_8 = tpu.memref_slice %arg5[%dma_start3A_7] : memref<25600xi32, #tpu.memory_space<vmem>> -> memref<800xi32, #tpu.memory_space<vmem>>
    %dma_start3A_9 = arith.constant 0 : i32
    %dma_start3A_10 = arith.constant 0 : i32
    %dma_start3A_11 = tpu.memref_slice %arg3[%dma_start3A_9, %dma_start3A_10] : memref<1000000x32xf32, #tpu.memory_space<hbm>> -> memref<1000000x32xf32, #tpu.memory_space<hbm>>
    tpu.enqueue_indirect_dma source(%dma_start3A_11 : memref<1000000x32xf32, #tpu.memory_space<hbm>>) target(%dma_start3A_6 : memref<800x32xf32, #tpu.memory_space<vmem>>) offsets(%dma_start3A_8 : memref<800xi32, #tpu.memory_space<vmem>>) semaphore(%arg7 : memref<!tpu.dma_semaphore, #tpu.memory_space<semaphore_mem>>)
    %dma_start3A_12 = arith.constant 1 : i32
    %dma_start3A_13 = arith.constant 0 : i32
    %dma_start3A_14 = arith.constant 0 : i32
    %dma_start3A_15 = tpu.memref_slice %arg6[%dma_start3A_12, %dma_start3A_13, %dma_start3A_14] : memref<4x800x32xf32, #tpu.memory_space<vmem>> -> memref<1x800x32xf32, #tpu.memory_space<vmem>>
    %dma_start3A_16 = tpu.memref_squeeze %dma_start3A_15 : memref<1x800x32xf32, #tpu.memory_space<vmem>> -> memref<800x32xf32, #tpu.memory_space<vmem>>
    %dma_start3A_17 = arith.constant 800 : i32
    %dma_start3A_18 = tpu.memref_slice %arg5[%dma_start3A_17] : memref<25600xi32, #tpu.memory_space<vmem>> -> memref<800xi32, #tpu.memory_space<vmem>>
    %dma_start3A_19 = arith.constant 0 : i32
    %dma_start3A_20 = arith.constant 0 : i32
    %dma_start3A_21 = tpu.memref_slice %arg3[%dma_start3A_19, %dma_start3A_20] : memref<1000000x32xf32, #tpu.memory_space<hbm>> -> memref<1000000x32xf32, #tpu.memory_space<hbm>>
    tpu.enqueue_indirect_dma source(%dma_start3A_21 : memref<1000000x32xf32, #tpu.memory_space<hbm>>) target(%dma_start3A_16 : memref<800x32xf32, #tpu.memory_space<vmem>>) offsets(%dma_start3A_18 : memref<800xi32, #tpu.memory_space<vmem>>) semaphore(%arg8 : memref<!tpu.dma_semaphore, #tpu.memory_space<semaphore_mem>>)
    %dma_start3A_22 = arith.constant 2 : i32
    %dma_start3A_23 = arith.constant 0 : i32
    %dma_start3A_24 = arith.constant 0 : i32
    %dma_start3A_25 = tpu.memref_slice %arg6[%dma_start3A_22, %dma_start3A_23, %dma_start3A_24] : memref<4x800x32xf32, #tpu.memory_space<vmem>> -> memref<1x800x32xf32, #tpu.memory_space<vmem>>
    %dma_start3A_26 = tpu.memref_squeeze %dma_start3A_25 : memref<1x800x32xf32, #tpu.memory_space<vmem>> -> memref<800x32xf32, #tpu.memory_space<vmem>>
    %dma_start3A_27 = arith.constant 1600 : i32
    %dma_start3A_28 = tpu.memref_slice %arg5[%dma_start3A_27] : memref<25600xi32, #tpu.memory_space<vmem>> -> memref<800xi32, #tpu.memory_space<vmem>>
    %dma_start3A_29 = arith.constant 0 : i32
    %dma_start3A_30 = arith.constant 0 : i32
    %dma_start3A_31 = tpu.memref_slice %arg3[%dma_start3A_29, %dma_start3A_30] : memref<1000000x32xf32, #tpu.memory_space<hbm>> -> memref<1000000x32xf32, #tpu.memory_space<hbm>>
    tpu.enqueue_indirect_dma source(%dma_start3A_31 : memref<1000000x32xf32, #tpu.memory_space<hbm>>) target(%dma_start3A_26 : memref<800x32xf32, #tpu.memory_space<vmem>>) offsets(%dma_start3A_28 : memref<800xi32, #tpu.memory_space<vmem>>) semaphore(%arg9 : memref<!tpu.dma_semaphore, #tpu.memory_space<semaphore_mem>>)
    %dma_wait3A = arith.constant 0 : i32
    %dma_wait3A_32 = arith.constant 0 : i32
    %dma_wait3A_33 = arith.constant 0 : i32
    %dma_wait3A_34 = tpu.memref_slice %arg6[%dma_wait3A, %dma_wait3A_32, %dma_wait3A_33] : memref<4x800x32xf32, #tpu.memory_space<vmem>> -> memref<1x800x32xf32, #tpu.memory_space<vmem>>
    %dma_wait3A_35 = tpu.memref_squeeze %dma_wait3A_34 : memref<1x800x32xf32, #tpu.memory_space<vmem>> -> memref<800x32xf32, #tpu.memory_space<vmem>>
    %dma_wait3A_36 = arith.constant 0 : i32
    %dma_wait3A_37 = tpu.memref_slice %arg5[%dma_wait3A_36] : memref<25600xi32, #tpu.memory_space<vmem>> -> memref<800xi32, #tpu.memory_space<vmem>>
    %dma_wait3A_38 = arith.constant 0 : i32
    %dma_wait3A_39 = arith.constant 0 : i32
    %dma_wait3A_40 = tpu.memref_slice %arg3[%dma_wait3A_38, %dma_wait3A_39] : memref<1000000x32xf32, #tpu.memory_space<hbm>> -> memref<1000000x32xf32, #tpu.memory_space<hbm>>
    tpu.wait_indirect_dma semaphore(%arg7 : memref<!tpu.dma_semaphore, #tpu.memory_space<semaphore_mem>>) src(%dma_wait3A_40 : memref<1000000x32xf32, #tpu.memory_space<hbm>>) dst(%dma_wait3A_35 : memref<800x32xf32, #tpu.memory_space<vmem>>)
    %add3A_41 = arith.constant 0 : i32
    %add3A_42 = arith.addi %mul3A_2, %add3A_41 : i32
    %dma_start3A_43 = arith.constant 0 : i32
    %dma_start3A_44 = arith.constant 0 : i32
    %dma_start3A_45 = arith.constant 0 : i32
    %dma_start3A_46 = tpu.memref_slice %arg6[%dma_start3A_43, %dma_start3A_44, %dma_start3A_45] : memref<4x800x32xf32, #tpu.memory_space<vmem>> -> memref<1x800x32xf32, #tpu.memory_space<vmem>>
    %dma_start3A_47 = tpu.memref_squeeze %dma_start3A_46 : memref<1x800x32xf32, #tpu.memory_space<vmem>> -> memref<800x32xf32, #tpu.memory_space<vmem>>
    %dma_start3A_48 = arith.constant 0 : i32
    %dma_start3A_49 = tpu.memref_slice %arg4[%add3A_42, %dma_start3A_48] : memref<819200x32xf32, #tpu.memory_space<hbm>> -> memref<800x32xf32, #tpu.memory_space<hbm>>
    %dma_start3A_50 = arith.constant 0 : i32
    %dma_start3A_51 = tpu.memref_slice %arg4[%add3A_42, %dma_start3A_50] : memref<819200x32xf32, #tpu.memory_space<hbm>> -> memref<800x32xf32, #tpu.memory_space<hbm>>
    %dma_start3A_52 = arith.constant 0 : i32
    %dma_start3A_53 = arith.constant 0 : i32
    %dma_start3A_54 = tpu.memref_slice %arg6[%dma_start3A_43, %dma_start3A_52, %dma_start3A_53] : memref<4x800x32xf32, #tpu.memory_space<vmem>> -> memref<1x800x32xf32, #tpu.memory_space<vmem>>
    %dma_start3A_55 = tpu.memref_squeeze %dma_start3A_54 : memref<1x800x32xf32, #tpu.memory_space<vmem>> -> memref<800x32xf32, #tpu.memory_space<vmem>>
    tpu.enqueue_dma source(%dma_start3A_55 : memref<800x32xf32, #tpu.memory_space<vmem>>) target(%dma_start3A_51 : memref<800x32xf32, #tpu.memory_space<hbm>>) target_semaphore(%arg11 : memref<!tpu.dma_semaphore, #tpu.memory_space<semaphore_mem>>)
    %dma_start3A_56 = arith.constant 3 : i32
    %dma_start3A_57 = arith.constant 0 : i32
    %dma_start3A_58 = arith.constant 0 : i32
    %dma_start3A_59 = tpu.memref_slice %arg6[%dma_start3A_56, %dma_start3A_57, %dma_start3A_58] : memref<4x800x32xf32, #tpu.memory_space<vmem>> -> memref<1x800x32xf32, #tpu.memory_space<vmem>>
    %dma_start3A_60 = tpu.memref_squeeze %dma_start3A_59 : memref<1x800x32xf32, #tpu.memory_space<vmem>> -> memref<800x32xf32, #tpu.memory_space<vmem>>
    %dma_start3A_61 = arith.constant 2400 : i32
    %dma_start3A_62 = tpu.memref_slice %arg5[%dma_start3A_61] : memref<25600xi32, #tpu.memory_space<vmem>> -> memref<800xi32, #tpu.memory_space<vmem>>
    %dma_start3A_63 = arith.constant 0 : i32
    %dma_start3A_64 = arith.constant 0 : i32
    %dma_start3A_65 = tpu.memref_slice %arg3[%dma_start3A_63, %dma_start3A_64] : memref<1000000x32xf32, #tpu.memory_space<hbm>> -> memref<1000000x32xf32, #tpu.memory_space<hbm>>
    tpu.enqueue_indirect_dma source(%dma_start3A_65 : memref<1000000x32xf32, #tpu.memory_space<hbm>>) target(%dma_start3A_60 : memref<800x32xf32, #tpu.memory_space<vmem>>) offsets(%dma_start3A_62 : memref<800xi32, #tpu.memory_space<vmem>>) semaphore(%arg10 : memref<!tpu.dma_semaphore, #tpu.memory_space<semaphore_mem>>)
    %dma_wait3A_66 = arith.constant 1 : i32
    %dma_wait3A_67 = arith.constant 0 : i32
    %dma_wait3A_68 = arith.constant 0 : i32
    %dma_wait3A_69 = tpu.memref_slice %arg6[%dma_wait3A_66, %dma_wait3A_67, %dma_wait3A_68] : memref<4x800x32xf32, #tpu.memory_space<vmem>> -> memref<1x800x32xf32, #tpu.memory_space<vmem>>
    %dma_wait3A_70 = tpu.memref_squeeze %dma_wait3A_69 : memref<1x800x32xf32, #tpu.memory_space<vmem>> -> memref<800x32xf32, #tpu.memory_space<vmem>>
    %dma_wait3A_71 = arith.constant 800 : i32
    %dma_wait3A_72 = tpu.memref_slice %arg5[%dma_wait3A_71] : memref<25600xi32, #tpu.memory_space<vmem>> -> memref<800xi32, #tpu.memory_space<vmem>>
    %dma_wait3A_73 = arith.constant 0 : i32
    %dma_wait3A_74 = arith.constant 0 : i32
    %dma_wait3A_75 = tpu.memref_slice %arg3[%dma_wait3A_73, %dma_wait3A_74] : memref<1000000x32xf32, #tpu.memory_space<hbm>> -> memref<1000000x32xf32, #tpu.memory_space<hbm>>
    tpu.wait_indirect_dma semaphore(%arg8 : memref<!tpu.dma_semaphore, #tpu.memory_space<semaphore_mem>>) src(%dma_wait3A_75 : memref<1000000x32xf32, #tpu.memory_space<hbm>>) dst(%dma_wait3A_70 : memref<800x32xf32, #tpu.memory_space<vmem>>)
    %add3A_76 = arith.constant 800 : i32
    %add3A_77 = arith.addi %mul3A_2, %add3A_76 : i32
    %dma_start3A_78 = arith.constant 1 : i32
    %dma_start3A_79 = arith.constant 0 : i32
    %dma_start3A_80 = arith.constant 0 : i32
    %dma_start3A_81 = tpu.memref_slice %arg6[%dma_start3A_78, %dma_start3A_79, %dma_start3A_80] : memref<4x800x32xf32, #tpu.memory_space<vmem>> -> memref<1x800x32xf32, #tpu.memory_space<vmem>>
    %dma_start3A_82 = tpu.memref_squeeze %dma_start3A_81 : memref<1x800x32xf32, #tpu.memory_space<vmem>> -> memref<800x32xf32, #tpu.memory_space<vmem>>
    %dma_start3A_83 = arith.constant 0 : i32
    %dma_start3A_84 = tpu.memref_slice %arg4[%add3A_77, %dma_start3A_83] : memref<819200x32xf32, #tpu.memory_space<hbm>> -> memref<800x32xf32, #tpu.memory_space<hbm>>
    %dma_start3A_85 = arith.constant 0 : i32
    %dma_start3A_86 = tpu.memref_slice %arg4[%add3A_77, %dma_start3A_85] : memref<819200x32xf32, #tpu.memory_space<hbm>> -> memref<800x32xf32, #tpu.memory_space<hbm>>
    %dma_start3A_87 = arith.constant 0 : i32
    %dma_start3A_88 = arith.constant 0 : i32
    %dma_start3A_89 = tpu.memref_slice %arg6[%dma_start3A_78, %dma_start3A_87, %dma_start3A_88] : memref<4x800x32xf32, #tpu.memory_space<vmem>> -> memref<1x800x32xf32, #tpu.memory_space<vmem>>
    %dma_start3A_90 = tpu.memref_squeeze %dma_start3A_89 : memref<1x800x32xf32, #tpu.memory_space<vmem>> -> memref<800x32xf32, #tpu.memory_space<vmem>>
    tpu.enqueue_dma source(%dma_start3A_90 : memref<800x32xf32, #tpu.memory_space<vmem>>) target(%dma_start3A_86 : memref<800x32xf32, #tpu.memory_space<hbm>>) target_semaphore(%arg12 : memref<!tpu.dma_semaphore, #tpu.memory_space<semaphore_mem>>)
    %dma_wait3A_91 = arith.constant 0 : i32
    %dma_wait3A_92 = arith.constant 0 : i32
    %dma_wait3A_93 = arith.constant 0 : i32
    %dma_wait3A_94 = tpu.memref_slice %arg6[%dma_wait3A_91, %dma_wait3A_92, %dma_wait3A_93] : memref<4x800x32xf32, #tpu.memory_space<vmem>> -> memref<1x800x32xf32, #tpu.memory_space<vmem>>
    %dma_wait3A_95 = tpu.memref_squeeze %dma_wait3A_94 : memref<1x800x32xf32, #tpu.memory_space<vmem>> -> memref<800x32xf32, #tpu.memory_space<vmem>>
    %dma_wait3A_96 = arith.constant 0 : i32
    %dma_wait3A_97 = tpu.memref_slice %arg4[%add3A_42, %dma_wait3A_96] : memref<819200x32xf32, #tpu.memory_space<hbm>> -> memref<800x32xf32, #tpu.memory_space<hbm>>
    %dma_wait3A_98 = arith.constant 0 : i32
    %dma_wait3A_99 = tpu.memref_slice %arg4[%add3A_42, %dma_wait3A_98] : memref<819200x32xf32, #tpu.memory_space<hbm>> -> memref<800x32xf32, #tpu.memory_space<hbm>>
    %dma_wait3A_100 = arith.constant 0 : i32
    %dma_wait3A_101 = arith.constant 0 : i32
    %dma_wait3A_102 = tpu.memref_slice %arg6[%dma_wait3A_91, %dma_wait3A_100, %dma_wait3A_101] : memref<4x800x32xf32, #tpu.memory_space<vmem>> -> memref<1x800x32xf32, #tpu.memory_space<vmem>>
    %dma_wait3A_103 = tpu.memref_squeeze %dma_wait3A_102 : memref<1x800x32xf32, #tpu.memory_space<vmem>> -> memref<800x32xf32, #tpu.memory_space<vmem>>
    tpu.wait_dma2 semaphore(%arg11 : memref<!tpu.dma_semaphore, #tpu.memory_space<semaphore_mem>>) src(%dma_wait3A_103 : memref<800x32xf32, #tpu.memory_space<vmem>>) dst(%dma_wait3A_99 : memref<800x32xf32, #tpu.memory_space<hbm>>)
    %dma_start3A_104 = arith.constant 0 : i32
    %dma_start3A_105 = arith.constant 0 : i32
    %dma_start3A_106 = arith.constant 0 : i32
    %dma_start3A_107 = tpu.memref_slice %arg6[%dma_start3A_104, %dma_start3A_105, %dma_start3A_106] : memref<4x800x32xf32, #tpu.memory_space<vmem>> -> memref<1x800x32xf32, #tpu.memory_space<vmem>>
    %dma_start3A_108 = tpu.memref_squeeze %dma_start3A_107 : memref<1x800x32xf32, #tpu.memory_space<vmem>> -> memref<800x32xf32, #tpu.memory_space<vmem>>
    %dma_start3A_109 = arith.constant 3200 : i32
    %dma_start3A_110 = tpu.memref_slice %arg5[%dma_start3A_109] : memref<25600xi32, #tpu.memory_space<vmem>> -> memref<800xi32, #tpu.memory_space<vmem>>
    %dma_start3A_111 = arith.constant 0 : i32
    %dma_start3A_112 = arith.constant 0 : i32
    %dma_start3A_113 = tpu.memref_slice %arg3[%dma_start3A_111, %dma_start3A_112] : memref<1000000x32xf32, #tpu.memory_space<hbm>> -> memref<1000000x32xf32, #tpu.memory_space<hbm>>
    tpu.enqueue_indirect_dma source(%dma_start3A_113 : memref<1000000x32xf32, #tpu.memory_space<hbm>>) target(%dma_start3A_108 : memref<800x32xf32, #tpu.memory_space<vmem>>) offsets(%dma_start3A_110 : memref<800xi32, #tpu.memory_space<vmem>>) semaphore(%arg7 : memref<!tpu.dma_semaphore, #tpu.memory_space<semaphore_mem>>)
    %dma_wait3A_114 = arith.constant 2 : i32
    %dma_wait3A_115 = arith.constant 0 : i32
    %dma_wait3A_116 = arith.constant 0 : i32
    %dma_wait3A_117 = tpu.memref_slice %arg6[%dma_wait3A_114, %dma_wait3A_115, %dma_wait3A_116] : memref<4x800x32xf32, #tpu.memory_space<vmem>> -> memref<1x800x32xf32, #tpu.memory_space<vmem>>
    %dma_wait3A_118 = tpu.memref_squeeze %dma_wait3A_117 : memref<1x800x32xf32, #tpu.memory_space<vmem>> -> memref<800x32xf32, #tpu.memory_space<vmem>>
    %dma_wait3A_119 = arith.constant 1600 : i32
    %dma_wait3A_120 = tpu.memref_slice %arg5[%dma_wait3A_119] : memref<25600xi32, #tpu.memory_space<vmem>> -> memref<800xi32, #tpu.memory_space<vmem>>
    %dma_wait3A_121 = arith.constant 0 : i32
    %dma_wait3A_122 = arith.constant 0 : i32
    %dma_wait3A_123 = tpu.memref_slice %arg3[%dma_wait3A_121, %dma_wait3A_122] : memref<1000000x32xf32, #tpu.memory_space<hbm>> -> memref<1000000x32xf32, #tpu.memory_space<hbm>>
    tpu.wait_indirect_dma semaphore(%arg9 : memref<!tpu.dma_semaphore, #tpu.memory_space<semaphore_mem>>) src(%dma_wait3A_123 : memref<1000000x32xf32, #tpu.memory_space<hbm>>) dst(%dma_wait3A_118 : memref<800x32xf32, #tpu.memory_space<vmem>>)
    %add3A_124 = arith.constant 1600 : i32
    %add3A_125 = arith.addi %mul3A_2, %add3A_124 : i32
    %dma_start3A_126 = arith.constant 2 : i32
    %dma_start3A_127 = arith.constant 0 : i32
    %dma_start3A_128 = arith.constant 0 : i32
    %dma_start3A_129 = tpu.memref_slice %arg6[%dma_start3A_126, %dma_start3A_127, %dma_start3A_128] : memref<4x800x32xf32, #tpu.memory_space<vmem>> -> memref<1x800x32xf32, #tpu.memory_space<vmem>>
    %dma_start3A_130 = tpu.memref_squeeze %dma_start3A_129 : memref<1x800x32xf32, #tpu.memory_space<vmem>> -> memref<800x32xf32, #tpu.memory_space<vmem>>
    %dma_start3A_131 = arith.constant 0 : i32
    %dma_start3A_132 = tpu.memref_slice %arg4[%add3A_125, %dma_start3A_131] : memref<819200x32xf32, #tpu.memory_space<hbm>> -> memref<800x32xf32, #tpu.memory_space<hbm>>
    %dma_start3A_133 = arith.constant 0 : i32
    %dma_start3A_134 = tpu.memref_slice %arg4[%add3A_125, %dma_start3A_133] : memref<819200x32xf32, #tpu.memory_space<hbm>> -> memref<800x32xf32, #tpu.memory_space<hbm>>
    %dma_start3A_135 = arith.constant 0 : i32
    %dma_start3A_136 = arith.constant 0 : i32
    %dma_start3A_137 = tpu.memref_slice %arg6[%dma_start3A_126, %dma_start3A_135, %dma_start3A_136] : memref<4x800x32xf32, #tpu.memory_space<vmem>> -> memref<1x800x32xf32, #tpu.memory_space<vmem>>
    %dma_start3A_138 = tpu.memref_squeeze %dma_start3A_137 : memref<1x800x32xf32, #tpu.memory_space<vmem>> -> memref<800x32xf32, #tpu.memory_space<vmem>>
    tpu.enqueue_dma source(%dma_start3A_138 : memref<800x32xf32, #tpu.memory_space<vmem>>) target(%dma_start3A_134 : memref<800x32xf32, #tpu.memory_space<hbm>>) target_semaphore(%arg13 : memref<!tpu.dma_semaphore, #tpu.memory_space<semaphore_mem>>)
    %dma_wait3A_139 = arith.constant 1 : i32
    %dma_wait3A_140 = arith.constant 0 : i32
    %dma_wait3A_141 = arith.constant 0 : i32
    %dma_wait3A_142 = tpu.memref_slice %arg6[%dma_wait3A_139, %dma_wait3A_140, %dma_wait3A_141] : memref<4x800x32xf32, #tpu.memory_space<vmem>> -> memref<1x800x32xf32, #tpu.memory_space<vmem>>
    %dma_wait3A_143 = tpu.memref_squeeze %dma_wait3A_142 : memref<1x800x32xf32, #tpu.memory_space<vmem>> -> memref<800x32xf32, #tpu.memory_space<vmem>>
    %dma_wait3A_144 = arith.constant 0 : i32
    %dma_wait3A_145 = tpu.memref_slice %arg4[%add3A_77, %dma_wait3A_144] : memref<819200x32xf32, #tpu.memory_space<hbm>> -> memref<800x32xf32, #tpu.memory_space<hbm>>
    %dma_wait3A_146 = arith.constant 0 : i32
    %dma_wait3A_147 = tpu.memref_slice %arg4[%add3A_77, %dma_wait3A_146] : memref<819200x32xf32, #tpu.memory_space<hbm>> -> memref<800x32xf32, #tpu.memory_space<hbm>>
    %dma_wait3A_148 = arith.constant 0 : i32
    %dma_wait3A_149 = arith.constant 0 : i32
    %dma_wait3A_150 = tpu.memref_slice %arg6[%dma_wait3A_139, %dma_wait3A_148, %dma_wait3A_149] : memref<4x800x32xf32, #tpu.memory_space<vmem>> -> memref<1x800x32xf32, #tpu.memory_space<vmem>>
    %dma_wait3A_151 = tpu.memref_squeeze %dma_wait3A_150 : memref<1x800x32xf32, #tpu.memory_space<vmem>> -> memref<800x32xf32, #tpu.memory_space<vmem>>
    tpu.wait_dma2 semaphore(%arg12 : memref<!tpu.dma_semaphore, #tpu.memory_space<semaphore_mem>>) src(%dma_wait3A_151 : memref<800x32xf32, #tpu.memory_space<vmem>>) dst(%dma_wait3A_147 : memref<800x32xf32, #tpu.memory_space<hbm>>)
    %dma_start3A_152 = arith.constant 1 : i32
    %dma_start3A_153 = arith.constant 0 : i32
    %dma_start3A_154 = arith.constant 0 : i32
    %dma_start3A_155 = tpu.memref_slice %arg6[%dma_start3A_152, %dma_start3A_153, %dma_start3A_154] : memref<4x800x32xf32, #tpu.memory_space<vmem>> -> memref<1x800x32xf32, #tpu.memory_space<vmem>>
    %dma_start3A_156 = tpu.memref_squeeze %dma_start3A_155 : memref<1x800x32xf32, #tpu.memory_space<vmem>> -> memref<800x32xf32, #tpu.memory_space<vmem>>
    %dma_start3A_157 = arith.constant 4000 : i32
    %dma_start3A_158 = tpu.memref_slice %arg5[%dma_start3A_157] : memref<25600xi32, #tpu.memory_space<vmem>> -> memref<800xi32, #tpu.memory_space<vmem>>
    %dma_start3A_159 = arith.constant 0 : i32
    %dma_start3A_160 = arith.constant 0 : i32
    %dma_start3A_161 = tpu.memref_slice %arg3[%dma_start3A_159, %dma_start3A_160] : memref<1000000x32xf32, #tpu.memory_space<hbm>> -> memref<1000000x32xf32, #tpu.memory_space<hbm>>
    tpu.enqueue_indirect_dma source(%dma_start3A_161 : memref<1000000x32xf32, #tpu.memory_space<hbm>>) target(%dma_start3A_156 : memref<800x32xf32, #tpu.memory_space<vmem>>) offsets(%dma_start3A_158 : memref<800xi32, #tpu.memory_space<vmem>>) semaphore(%arg8 : memref<!tpu.dma_semaphore, #tpu.memory_space<semaphore_mem>>)
    %dma_wait3A_162 = arith.constant 3 : i32
    %dma_wait3A_163 = arith.constant 0 : i32
    %dma_wait3A_164 = arith.constant 0 : i32
    %dma_wait3A_165 = tpu.memref_slice %arg6[%dma_wait3A_162, %dma_wait3A_163, %dma_wait3A_164] : memref<4x800x32xf32, #tpu.memory_space<vmem>> -> memref<1x800x32xf32, #tpu.memory_space<vmem>>
    %dma_wait3A_166 = tpu.memref_squeeze %dma_wait3A_165 : memref<1x800x32xf32, #tpu.memory_space<vmem>> -> memref<800x32xf32, #tpu.memory_space<vmem>>
    %dma_wait3A_167 = arith.constant 2400 : i32
    %dma_wait3A_168 = tpu.memref_slice %arg5[%dma_wait3A_167] : memref<25600xi32, #tpu.memory_space<vmem>> -> memref<800xi32, #tpu.memory_space<vmem>>
    %dma_wait3A_169 = arith.constant 0 : i32
    %dma_wait3A_170 = arith.constant 0 : i32
    %dma_wait3A_171 = tpu.memref_slice %arg3[%dma_wait3A_169, %dma_wait3A_170] : memref<1000000x32xf32, #tpu.memory_space<hbm>> -> memref<1000000x32xf32, #tpu.memory_space<hbm>>
    tpu.wait_indirect_dma semaphore(%arg10 : memref<!tpu.dma_semaphore, #tpu.memory_space<semaphore_mem>>) src(%dma_wait3A_171 : memref<1000000x32xf32, #tpu.memory_space<hbm>>) dst(%dma_wait3A_166 : memref<800x32xf32, #tpu.memory_space<vmem>>)
    %add3A_172 = arith.constant 2400 : i32
    %add3A_173 = arith.addi %mul3A_2, %add3A_172 : i32
    %dma_start3A_174 = arith.constant 3 : i32
    %dma_start3A_175 = arith.constant 0 : i32
    %dma_start3A_176 = arith.constant 0 : i32
    %dma_start3A_177 = tpu.memref_slice %arg6[%dma_start3A_174, %dma_start3A_175, %dma_start3A_176] : memref<4x800x32xf32, #tpu.memory_space<vmem>> -> memref<1x800x32xf32, #tpu.memory_space<vmem>>
    %dma_start3A_178 = tpu.memref_squeeze %dma_start3A_177 : memref<1x800x32xf32, #tpu.memory_space<vmem>> -> memref<800x32xf32, #tpu.memory_space<vmem>>
    %dma_start3A_179 = arith.constant 0 : i32
    %dma_start3A_180 = tpu.memref_slice %arg4[%add3A_173, %dma_start3A_179] : memref<819200x32xf32, #tpu.memory_space<hbm>> -> memref<800x32xf32, #tpu.memory_space<hbm>>
    %dma_start3A_181 = arith.constant 0 : i32
    %dma_start3A_182 = tpu.memref_slice %arg4[%add3A_173, %dma_start3A_181] : memref<819200x32xf32, #tpu.memory_space<hbm>> -> memref<800x32xf32, #tpu.memory_space<hbm>>
    %dma_start3A_183 = arith.constant 0 : i32
    %dma_start3A_184 = arith.constant 0 : i32
    %dma_start3A_185 = tpu.memref_slice %arg6[%dma_start3A_174, %dma_start3A_183, %dma_start3A_184] : memref<4x800x32xf32, #tpu.memory_space<vmem>> -> memref<1x800x32xf32, #tpu.memory_space<vmem>>
    %dma_start3A_186 = tpu.memref_squeeze %dma_start3A_185 : memref<1x800x32xf32, #tpu.memory_space<vmem>> -> memref<800x32xf32, #tpu.memory_space<vmem>>
    tpu.enqueue_dma source(%dma_start3A_186 : memref<800x32xf32, #tpu.memory_space<vmem>>) target(%dma_start3A_182 : memref<800x32xf32, #tpu.memory_space<hbm>>) target_semaphore(%arg14 : memref<!tpu.dma_semaphore, #tpu.memory_space<semaphore_mem>>)
    %dma_wait3A_187 = arith.constant 2 : i32
    %dma_wait3A_188 = arith.constant 0 : i32
    %dma_wait3A_189 = arith.constant 0 : i32
    %dma_wait3A_190 = tpu.memref_slice %arg6[%dma_wait3A_187, %dma_wait3A_188, %dma_wait3A_189] : memref<4x800x32xf32, #tpu.memory_space<vmem>> -> memref<1x800x32xf32, #tpu.memory_space<vmem>>
    %dma_wait3A_191 = tpu.memref_squeeze %dma_wait3A_190 : memref<1x800x32xf32, #tpu.memory_space<vmem>> -> memref<800x32xf32, #tpu.memory_space<vmem>>
    %dma_wait3A_192 = arith.constant 0 : i32
    %dma_wait3A_193 = tpu.memref_slice %arg4[%add3A_125, %dma_wait3A_192] : memref<819200x32xf32, #tpu.memory_space<hbm>> -> memref<800x32xf32, #tpu.memory_space<hbm>>
    %dma_wait3A_194 = arith.constant 0 : i32
    %dma_wait3A_195 = tpu.memref_slice %arg4[%add3A_125, %dma_wait3A_194] : memref<819200x32xf32, #tpu.memory_space<hbm>> -> memref<800x32xf32, #tpu.memory_space<hbm>>
    %dma_wait3A_196 = arith.constant 0 : i32
    %dma_wait3A_197 = arith.constant 0 : i32
    %dma_wait3A_198 = tpu.memref_slice %arg6[%dma_wait3A_187, %dma_wait3A_196, %dma_wait3A_197] : memref<4x800x32xf32, #tpu.memory_space<vmem>> -> memref<1x800x32xf32, #tpu.memory_space<vmem>>
    %dma_wait3A_199 = tpu.memref_squeeze %dma_wait3A_198 : memref<1x800x32xf32, #tpu.memory_space<vmem>> -> memref<800x32xf32, #tpu.memory_space<vmem>>
    tpu.wait_dma2 semaphore(%arg13 : memref<!tpu.dma_semaphore, #tpu.memory_space<semaphore_mem>>) src(%dma_wait3A_199 : memref<800x32xf32, #tpu.memory_space<vmem>>) dst(%dma_wait3A_195 : memref<800x32xf32, #tpu.memory_space<hbm>>)
    %dma_start3A_200 = arith.constant 2 : i32
    %dma_start3A_201 = arith.constant 0 : i32
    %dma_start3A_202 = arith.constant 0 : i32
    %dma_start3A_203 = tpu.memref_slice %arg6[%dma_start3A_200, %dma_start3A_201, %dma_start3A_202] : memref<4x800x32xf32, #tpu.memory_space<vmem>> -> memref<1x800x32xf32, #tpu.memory_space<vmem>>
    %dma_start3A_204 = tpu.memref_squeeze %dma_start3A_203 : memref<1x800x32xf32, #tpu.memory_space<vmem>> -> memref<800x32xf32, #tpu.memory_space<vmem>>
    %dma_start3A_205 = arith.constant 4800 : i32
    %dma_start3A_206 = tpu.memref_slice %arg5[%dma_start3A_205] : memref<25600xi32, #tpu.memory_space<vmem>> -> memref<800xi32, #tpu.memory_space<vmem>>
    %dma_start3A_207 = arith.constant 0 : i32
    %dma_start3A_208 = arith.constant 0 : i32
    %dma_start3A_209 = tpu.memref_slice %arg3[%dma_start3A_207, %dma_start3A_208] : memref<1000000x32xf32, #tpu.memory_space<hbm>> -> memref<1000000x32xf32, #tpu.memory_space<hbm>>
    tpu.enqueue_indirect_dma source(%dma_start3A_209 : memref<1000000x32xf32, #tpu.memory_space<hbm>>) target(%dma_start3A_204 : memref<800x32xf32, #tpu.memory_space<vmem>>) offsets(%dma_start3A_206 : memref<800xi32, #tpu.memory_space<vmem>>) semaphore(%arg9 : memref<!tpu.dma_semaphore, #tpu.memory_space<semaphore_mem>>)
    %dma_wait3A_210 = arith.constant 0 : i32
    %dma_wait3A_211 = arith.constant 0 : i32
    %dma_wait3A_212 = arith.constant 0 : i32
    %dma_wait3A_213 = tpu.memref_slice %arg6[%dma_wait3A_210, %dma_wait3A_211, %dma_wait3A_212] : memref<4x800x32xf32, #tpu.memory_space<vmem>> -> memref<1x800x32xf32, #tpu.memory_space<vmem>>
    %dma_wait3A_214 = tpu.memref_squeeze %dma_wait3A_213 : memref<1x800x32xf32, #tpu.memory_space<vmem>> -> memref<800x32xf32, #tpu.memory_space<vmem>>
    %dma_wait3A_215 = arith.constant 3200 : i32
    %dma_wait3A_216 = tpu.memref_slice %arg5[%dma_wait3A_215] : memref<25600xi32, #tpu.memory_space<vmem>> -> memref<800xi32, #tpu.memory_space<vmem>>
    %dma_wait3A_217 = arith.constant 0 : i32
    %dma_wait3A_218 = arith.constant 0 : i32
    %dma_wait3A_219 = tpu.memref_slice %arg3[%dma_wait3A_217, %dma_wait3A_218] : memref<1000000x32xf32, #tpu.memory_space<hbm>> -> memref<1000000x32xf32, #tpu.memory_space<hbm>>
    tpu.wait_indirect_dma semaphore(%arg7 : memref<!tpu.dma_semaphore, #tpu.memory_space<semaphore_mem>>) src(%dma_wait3A_219 : memref<1000000x32xf32, #tpu.memory_space<hbm>>) dst(%dma_wait3A_214 : memref<800x32xf32, #tpu.memory_space<vmem>>)
    %add3A_220 = arith.constant 3200 : i32
    %add3A_221 = arith.addi %mul3A_2, %add3A_220 : i32
    %dma_start3A_222 = arith.constant 0 : i32
    %dma_start3A_223 = arith.constant 0 : i32
    %dma_start3A_224 = arith.constant 0 : i32
    %dma_start3A_225 = tpu.memref_slice %arg6[%dma_start3A_222, %dma_start3A_223, %dma_start3A_224] : memref<4x800x32xf32, #tpu.memory_space<vmem>> -> memref<1x800x32xf32, #tpu.memory_space<vmem>>
    %dma_start3A_226 = tpu.memref_squeeze %dma_start3A_225 : memref<1x800x32xf32, #tpu.memory_space<vmem>> -> memref<800x32xf32, #tpu.memory_space<vmem>>
    %dma_start3A_227 = arith.constant 0 : i32
    %dma_start3A_228 = tpu.memref_slice %arg4[%add3A_221, %dma_start3A_227] : memref<819200x32xf32, #tpu.memory_space<hbm>> -> memref<800x32xf32, #tpu.memory_space<hbm>>
    %dma_start3A_229 = arith.constant 0 : i32
    %dma_start3A_230 = tpu.memref_slice %arg4[%add3A_221, %dma_start3A_229] : memref<819200x32xf32, #tpu.memory_space<hbm>> -> memref<800x32xf32, #tpu.memory_space<hbm>>
    %dma_start3A_231 = arith.constant 0 : i32
    %dma_start3A_232 = arith.constant 0 : i32
    %dma_start3A_233 = tpu.memref_slice %arg6[%dma_start3A_222, %dma_start3A_231, %dma_start3A_232] : memref<4x800x32xf32, #tpu.memory_space<vmem>> -> memref<1x800x32xf32, #tpu.memory_space<vmem>>
    %dma_start3A_234 = tpu.memref_squeeze %dma_start3A_233 : memref<1x800x32xf32, #tpu.memory_space<vmem>> -> memref<800x32xf32, #tpu.memory_space<vmem>>
    tpu.enqueue_dma source(%dma_start3A_234 : memref<800x32xf32, #tpu.memory_space<vmem>>) target(%dma_start3A_230 : memref<800x32xf32, #tpu.memory_space<hbm>>) target_semaphore(%arg11 : memref<!tpu.dma_semaphore, #tpu.memory_space<semaphore_mem>>)
    %dma_wait3A_235 = arith.constant 3 : i32
    %dma_wait3A_236 = arith.constant 0 : i32
    %dma_wait3A_237 = arith.constant 0 : i32
    %dma_wait3A_238 = tpu.memref_slice %arg6[%dma_wait3A_235, %dma_wait3A_236, %dma_wait3A_237] : memref<4x800x32xf32, #tpu.memory_space<vmem>> -> memref<1x800x32xf32, #tpu.memory_space<vmem>>
    %dma_wait3A_239 = tpu.memref_squeeze %dma_wait3A_238 : memref<1x800x32xf32, #tpu.memory_space<vmem>> -> memref<800x32xf32, #tpu.memory_space<vmem>>
    %dma_wait3A_240 = arith.constant 0 : i32
    %dma_wait3A_241 = tpu.memref_slice %arg4[%add3A_173, %dma_wait3A_240] : memref<819200x32xf32, #tpu.memory_space<hbm>> -> memref<800x32xf32, #tpu.memory_space<hbm>>
    %dma_wait3A_242 = arith.constant 0 : i32
    %dma_wait3A_243 = tpu.memref_slice %arg4[%add3A_173, %dma_wait3A_242] : memref<819200x32xf32, #tpu.memory_space<hbm>> -> memref<800x32xf32, #tpu.memory_space<hbm>>
    %dma_wait3A_244 = arith.constant 0 : i32
    %dma_wait3A_245 = arith.constant 0 : i32
    %dma_wait3A_246 = tpu.memref_slice %arg6[%dma_wait3A_235, %dma_wait3A_244, %dma_wait3A_245] : memref<4x800x32xf32, #tpu.memory_space<vmem>> -> memref<1x800x32xf32, #tpu.memory_space<vmem>>
    %dma_wait3A_247 = tpu.memref_squeeze %dma_wait3A_246 : memref<1x800x32xf32, #tpu.memory_space<vmem>> -> memref<800x32xf32, #tpu.memory_space<vmem>>
    tpu.wait_dma2 semaphore(%arg14 : memref<!tpu.dma_semaphore, #tpu.memory_space<semaphore_mem>>) src(%dma_wait3A_247 : memref<800x32xf32, #tpu.memory_space<vmem>>) dst(%dma_wait3A_243 : memref<800x32xf32, #tpu.memory_space<hbm>>)
    %dma_start3A_248 = arith.constant 3 : i32
    %dma_start3A_249 = arith.constant 0 : i32
    %dma_start3A_250 = arith.constant 0 : i32
    %dma_start3A_251 = tpu.memref_slice %arg6[%dma_start3A_248, %dma_start3A_249, %dma_start3A_250] : memref<4x800x32xf32, #tpu.memory_space<vmem>> -> memref<1x800x32xf32, #tpu.memory_space<vmem>>
    %dma_start3A_252 = tpu.memref_squeeze %dma_start3A_251 : memref<1x800x32xf32, #tpu.memory_space<vmem>> -> memref<800x32xf32, #tpu.memory_space<vmem>>
    %dma_start3A_253 = arith.constant 5600 : i32
    %dma_start3A_254 = tpu.memref_slice %arg5[%dma_start3A_253] : memref<25600xi32, #tpu.memory_space<vmem>> -> memref<800xi32, #tpu.memory_space<vmem>>
    %dma_start3A_255 = arith.constant 0 : i32
    %dma_start3A_256 = arith.constant 0 : i32
    %dma_start3A_257 = tpu.memref_slice %arg3[%dma_start3A_255, %dma_start3A_256] : memref<1000000x32xf32, #tpu.memory_space<hbm>> -> memref<1000000x32xf32, #tpu.memory_space<hbm>>
    tpu.enqueue_indirect_dma source(%dma_start3A_257 : memref<1000000x32xf32, #tpu.memory_space<hbm>>) target(%dma_start3A_252 : memref<800x32xf32, #tpu.memory_space<vmem>>) offsets(%dma_start3A_254 : memref<800xi32, #tpu.memory_space<vmem>>) semaphore(%arg10 : memref<!tpu.dma_semaphore, #tpu.memory_space<semaphore_mem>>)
    %dma_wait3A_258 = arith.constant 1 : i32
    %dma_wait3A_259 = arith.constant 0 : i32
    %dma_wait3A_260 = arith.constant 0 : i32
    %dma_wait3A_261 = tpu.memref_slice %arg6[%dma_wait3A_258, %dma_wait3A_259, %dma_wait3A_260] : memref<4x800x32xf32, #tpu.memory_space<vmem>> -> memref<1x800x32xf32, #tpu.memory_space<vmem>>
    %dma_wait3A_262 = tpu.memref_squeeze %dma_wait3A_261 : memref<1x800x32xf32, #tpu.memory_space<vmem>> -> memref<800x32xf32, #tpu.memory_space<vmem>>
    %dma_wait3A_263 = arith.constant 4000 : i32
    %dma_wait3A_264 = tpu.memref_slice %arg5[%dma_wait3A_263] : memref<25600xi32, #tpu.memory_space<vmem>> -> memref<800xi32, #tpu.memory_space<vmem>>
    %dma_wait3A_265 = arith.constant 0 : i32
    %dma_wait3A_266 = arith.constant 0 : i32
    %dma_wait3A_267 = tpu.memref_slice %arg3[%dma_wait3A_265, %dma_wait3A_266] : memref<1000000x32xf32, #tpu.memory_space<hbm>> -> memref<1000000x32xf32, #tpu.memory_space<hbm>>
    tpu.wait_indirect_dma semaphore(%arg8 : memref<!tpu.dma_semaphore, #tpu.memory_space<semaphore_mem>>) src(%dma_wait3A_267 : memref<1000000x32xf32, #tpu.memory_space<hbm>>) dst(%dma_wait3A_262 : memref<800x32xf32, #tpu.memory_space<vmem>>)
    %add3A_268 = arith.constant 4000 : i32
    %add3A_269 = arith.addi %mul3A_2, %add3A_268 : i32
    %dma_start3A_270 = arith.constant 1 : i32
    %dma_start3A_271 = arith.constant 0 : i32
    %dma_start3A_272 = arith.constant 0 : i32
    %dma_start3A_273 = tpu.memref_slice %arg6[%dma_start3A_270, %dma_start3A_271, %dma_start3A_272] : memref<4x800x32xf32, #tpu.memory_space<vmem>> -> memref<1x800x32xf32, #tpu.memory_space<vmem>>
    %dma_start3A_274 = tpu.memref_squeeze %dma_start3A_273 : memref<1x800x32xf32, #tpu.memory_space<vmem>> -> memref<800x32xf32, #tpu.memory_space<vmem>>
    %dma_start3A_275 = arith.constant 0 : i32
    %dma_start3A_276 = tpu.memref_slice %arg4[%add3A_269, %dma_start3A_275] : memref<819200x32xf32, #tpu.memory_space<hbm>> -> memref<800x32xf32, #tpu.memory_space<hbm>>
    %dma_start3A_277 = arith.constant 0 : i32
    %dma_start3A_278 = tpu.memref_slice %arg4[%add3A_269, %dma_start3A_277] : memref<819200x32xf32, #tpu.memory_space<hbm>> -> memref<800x32xf32, #tpu.memory_space<hbm>>
    %dma_start3A_279 = arith.constant 0 : i32
    %dma_start3A_280 = arith.constant 0 : i32
    %dma_start3A_281 = tpu.memref_slice %arg6[%dma_start3A_270, %dma_start3A_279, %dma_start3A_280] : memref<4x800x32xf32, #tpu.memory_space<vmem>> -> memref<1x800x32xf32, #tpu.memory_space<vmem>>
    %dma_start3A_282 = tpu.memref_squeeze %dma_start3A_281 : memref<1x800x32xf32, #tpu.memory_space<vmem>> -> memref<800x32xf32, #tpu.memory_space<vmem>>
    tpu.enqueue_dma source(%dma_start3A_282 : memref<800x32xf32, #tpu.memory_space<vmem>>) target(%dma_start3A_278 : memref<800x32xf32, #tpu.memory_space<hbm>>) target_semaphore(%arg12 : memref<!tpu.dma_semaphore, #tpu.memory_space<semaphore_mem>>)
    %dma_wait3A_283 = arith.constant 0 : i32
    %dma_wait3A_284 = arith.constant 0 : i32
    %dma_wait3A_285 = arith.constant 0 : i32
    %dma_wait3A_286 = tpu.memref_slice %arg6[%dma_wait3A_283, %dma_wait3A_284, %dma_wait3A_285] : memref<4x800x32xf32, #tpu.memory_space<vmem>> -> memref<1x800x32xf32, #tpu.memory_space<vmem>>
    %dma_wait3A_287 = tpu.memref_squeeze %dma_wait3A_286 : memref<1x800x32xf32, #tpu.memory_space<vmem>> -> memref<800x32xf32, #tpu.memory_space<vmem>>
    %dma_wait3A_288 = arith.constant 0 : i32
    %dma_wait3A_289 = tpu.memref_slice %arg4[%add3A_221, %dma_wait3A_288] : memref<819200x32xf32, #tpu.memory_space<hbm>> -> memref<800x32xf32, #tpu.memory_space<hbm>>
    %dma_wait3A_290 = arith.constant 0 : i32
    %dma_wait3A_291 = tpu.memref_slice %arg4[%add3A_221, %dma_wait3A_290] : memref<819200x32xf32, #tpu.memory_space<hbm>> -> memref<800x32xf32, #tpu.memory_space<hbm>>
    %dma_wait3A_292 = arith.constant 0 : i32
    %dma_wait3A_293 = arith.constant 0 : i32
    %dma_wait3A_294 = tpu.memref_slice %arg6[%dma_wait3A_283, %dma_wait3A_292, %dma_wait3A_293] : memref<4x800x32xf32, #tpu.memory_space<vmem>> -> memref<1x800x32xf32, #tpu.memory_space<vmem>>
    %dma_wait3A_295 = tpu.memref_squeeze %dma_wait3A_294 : memref<1x800x32xf32, #tpu.memory_space<vmem>> -> memref<800x32xf32, #tpu.memory_space<vmem>>
    tpu.wait_dma2 semaphore(%arg11 : memref<!tpu.dma_semaphore, #tpu.memory_space<semaphore_mem>>) src(%dma_wait3A_295 : memref<800x32xf32, #tpu.memory_space<vmem>>) dst(%dma_wait3A_291 : memref<800x32xf32, #tpu.memory_space<hbm>>)
    %dma_start3A_296 = arith.constant 0 : i32
    %dma_start3A_297 = arith.constant 0 : i32
    %dma_start3A_298 = arith.constant 0 : i32
    %dma_start3A_299 = tpu.memref_slice %arg6[%dma_start3A_296, %dma_start3A_297, %dma_start3A_298] : memref<4x800x32xf32, #tpu.memory_space<vmem>> -> memref<1x800x32xf32, #tpu.memory_space<vmem>>
    %dma_start3A_300 = tpu.memref_squeeze %dma_start3A_299 : memref<1x800x32xf32, #tpu.memory_space<vmem>> -> memref<800x32xf32, #tpu.memory_space<vmem>>
    %dma_start3A_301 = arith.constant 6400 : i32
    %dma_start3A_302 = tpu.memref_slice %arg5[%dma_start3A_301] : memref<25600xi32, #tpu.memory_space<vmem>> -> memref<800xi32, #tpu.memory_space<vmem>>
    %dma_start3A_303 = arith.constant 0 : i32
    %dma_start3A_304 = arith.constant 0 : i32
    %dma_start3A_305 = tpu.memref_slice %arg3[%dma_start3A_303, %dma_start3A_304] : memref<1000000x32xf32, #tpu.memory_space<hbm>> -> memref<1000000x32xf32, #tpu.memory_space<hbm>>
    tpu.enqueue_indirect_dma source(%dma_start3A_305 : memref<1000000x32xf32, #tpu.memory_space<hbm>>) target(%dma_start3A_300 : memref<800x32xf32, #tpu.memory_space<vmem>>) offsets(%dma_start3A_302 : memref<800xi32, #tpu.memory_space<vmem>>) semaphore(%arg7 : memref<!tpu.dma_semaphore, #tpu.memory_space<semaphore_mem>>)
    %dma_wait3A_306 = arith.constant 2 : i32
    %dma_wait3A_307 = arith.constant 0 : i32
    %dma_wait3A_308 = arith.constant 0 : i32
    %dma_wait3A_309 = tpu.memref_slice %arg6[%dma_wait3A_306, %dma_wait3A_307, %dma_wait3A_308] : memref<4x800x32xf32, #tpu.memory_space<vmem>> -> memref<1x800x32xf32, #tpu.memory_space<vmem>>
    %dma_wait3A_310 = tpu.memref_squeeze %dma_wait3A_309 : memref<1x800x32xf32, #tpu.memory_space<vmem>> -> memref<800x32xf32, #tpu.memory_space<vmem>>
    %dma_wait3A_311 = arith.constant 4800 : i32
    %dma_wait3A_312 = tpu.memref_slice %arg5[%dma_wait3A_311] : memref<25600xi32, #tpu.memory_space<vmem>> -> memref<800xi32, #tpu.memory_space<vmem>>
    %dma_wait3A_313 = arith.constant 0 : i32
    %dma_wait3A_314 = arith.constant 0 : i32
    %dma_wait3A_315 = tpu.memref_slice %arg3[%dma_wait3A_313, %dma_wait3A_314] : memref<1000000x32xf32, #tpu.memory_space<hbm>> -> memref<1000000x32xf32, #tpu.memory_space<hbm>>
    tpu.wait_indirect_dma semaphore(%arg9 : memref<!tpu.dma_semaphore, #tpu.memory_space<semaphore_mem>>) src(%dma_wait3A_315 : memref<1000000x32xf32, #tpu.memory_space<hbm>>) dst(%dma_wait3A_310 : memref<800x32xf32, #tpu.memory_space<vmem>>)
    %add3A_316 = arith.constant 4800 : i32
    %add3A_317 = arith.addi %mul3A_2, %add3A_316 : i32
    %dma_start3A_318 = arith.constant 2 : i32
    %dma_start3A_319 = arith.constant 0 : i32
    %dma_start3A_320 = arith.constant 0 : i32
    %dma_start3A_321 = tpu.memref_slice %arg6[%dma_start3A_318, %dma_start3A_319, %dma_start3A_320] : memref<4x800x32xf32, #tpu.memory_space<vmem>> -> memref<1x800x32xf32, #tpu.memory_space<vmem>>
    %dma_start3A_322 = tpu.memref_squeeze %dma_start3A_321 : memref<1x800x32xf32, #tpu.memory_space<vmem>> -> memref<800x32xf32, #tpu.memory_space<vmem>>
    %dma_start3A_323 = arith.constant 0 : i32
    %dma_start3A_324 = tpu.memref_slice %arg4[%add3A_317, %dma_start3A_323] : memref<819200x32xf32, #tpu.memory_space<hbm>> -> memref<800x32xf32, #tpu.memory_space<hbm>>
    %dma_start3A_325 = arith.constant 0 : i32
    %dma_start3A_326 = tpu.memref_slice %arg4[%add3A_317, %dma_start3A_325] : memref<819200x32xf32, #tpu.memory_space<hbm>> -> memref<800x32xf32, #tpu.memory_space<hbm>>
    %dma_start3A_327 = arith.constant 0 : i32
    %dma_start3A_328 = arith.constant 0 : i32
    %dma_start3A_329 = tpu.memref_slice %arg6[%dma_start3A_318, %dma_start3A_327, %dma_start3A_328] : memref<4x800x32xf32, #tpu.memory_space<vmem>> -> memref<1x800x32xf32, #tpu.memory_space<vmem>>
    %dma_start3A_330 = tpu.memref_squeeze %dma_start3A_329 : memref<1x800x32xf32, #tpu.memory_space<vmem>> -> memref<800x32xf32, #tpu.memory_space<vmem>>
    tpu.enqueue_dma source(%dma_start3A_330 : memref<800x32xf32, #tpu.memory_space<vmem>>) target(%dma_start3A_326 : memref<800x32xf32, #tpu.memory_space<hbm>>) target_semaphore(%arg13 : memref<!tpu.dma_semaphore, #tpu.memory_space<semaphore_mem>>)
    %dma_wait3A_331 = arith.constant 1 : i32
    %dma_wait3A_332 = arith.constant 0 : i32
    %dma_wait3A_333 = arith.constant 0 : i32
    %dma_wait3A_334 = tpu.memref_slice %arg6[%dma_wait3A_331, %dma_wait3A_332, %dma_wait3A_333] : memref<4x800x32xf32, #tpu.memory_space<vmem>> -> memref<1x800x32xf32, #tpu.memory_space<vmem>>
    %dma_wait3A_335 = tpu.memref_squeeze %dma_wait3A_334 : memref<1x800x32xf32, #tpu.memory_space<vmem>> -> memref<800x32xf32, #tpu.memory_space<vmem>>
    %dma_wait3A_336 = arith.constant 0 : i32
    %dma_wait3A_337 = tpu.memref_slice %arg4[%add3A_269, %dma_wait3A_336] : memref<819200x32xf32, #tpu.memory_space<hbm>> -> memref<800x32xf32, #tpu.memory_space<hbm>>
    %dma_wait3A_338 = arith.constant 0 : i32
    %dma_wait3A_339 = tpu.memref_slice %arg4[%add3A_269, %dma_wait3A_338] : memref<819200x32xf32, #tpu.memory_space<hbm>> -> memref<800x32xf32, #tpu.memory_space<hbm>>
    %dma_wait3A_340 = arith.constant 0 : i32
    %dma_wait3A_341 = arith.constant 0 : i32
    %dma_wait3A_342 = tpu.memref_slice %arg6[%dma_wait3A_331, %dma_wait3A_340, %dma_wait3A_341] : memref<4x800x32xf32, #tpu.memory_space<vmem>> -> memref<1x800x32xf32, #tpu.memory_space<vmem>>
    %dma_wait3A_343 = tpu.memref_squeeze %dma_wait3A_342 : memref<1x800x32xf32, #tpu.memory_space<vmem>> -> memref<800x32xf32, #tpu.memory_space<vmem>>
    tpu.wait_dma2 semaphore(%arg12 : memref<!tpu.dma_semaphore, #tpu.memory_space<semaphore_mem>>) src(%dma_wait3A_343 : memref<800x32xf32, #tpu.memory_space<vmem>>) dst(%dma_wait3A_339 : memref<800x32xf32, #tpu.memory_space<hbm>>)
    %dma_start3A_344 = arith.constant 1 : i32
    %dma_start3A_345 = arith.constant 0 : i32
    %dma_start3A_346 = arith.constant 0 : i32
    %dma_start3A_347 = tpu.memref_slice %arg6[%dma_start3A_344, %dma_start3A_345, %dma_start3A_346] : memref<4x800x32xf32, #tpu.memory_space<vmem>> -> memref<1x800x32xf32, #tpu.memory_space<vmem>>
    %dma_start3A_348 = tpu.memref_squeeze %dma_start3A_347 : memref<1x800x32xf32, #tpu.memory_space<vmem>> -> memref<800x32xf32, #tpu.memory_space<vmem>>
    %dma_start3A_349 = arith.constant 7200 : i32
    %dma_start3A_350 = tpu.memref_slice %arg5[%dma_start3A_349] : memref<25600xi32, #tpu.memory_space<vmem>> -> memref<800xi32, #tpu.memory_space<vmem>>
    %dma_start3A_351 = arith.constant 0 : i32
    %dma_start3A_352 = arith.constant 0 : i32
    %dma_start3A_353 = tpu.memref_slice %arg3[%dma_start3A_351, %dma_start3A_352] : memref<1000000x32xf32, #tpu.memory_space<hbm>> -> memref<1000000x32xf32, #tpu.memory_space<hbm>>
    tpu.enqueue_indirect_dma source(%dma_start3A_353 : memref<1000000x32xf32, #tpu.memory_space<hbm>>) target(%dma_start3A_348 : memref<800x32xf32, #tpu.memory_space<vmem>>) offsets(%dma_start3A_350 : memref<800xi32, #tpu.memory_space<vmem>>) semaphore(%arg8 : memref<!tpu.dma_semaphore, #tpu.memory_space<semaphore_mem>>)
    %dma_wait3A_354 = arith.constant 3 : i32
    %dma_wait3A_355 = arith.constant 0 : i32
    %dma_wait3A_356 = arith.constant 0 : i32
    %dma_wait3A_357 = tpu.memref_slice %arg6[%dma_wait3A_354, %dma_wait3A_355, %dma_wait3A_356] : memref<4x800x32xf32, #tpu.memory_space<vmem>> -> memref<1x800x32xf32, #tpu.memory_space<vmem>>
    %dma_wait3A_358 = tpu.memref_squeeze %dma_wait3A_357 : memref<1x800x32xf32, #tpu.memory_space<vmem>> -> memref<800x32xf32, #tpu.memory_space<vmem>>
    %dma_wait3A_359 = arith.constant 5600 : i32
    %dma_wait3A_360 = tpu.memref_slice %arg5[%dma_wait3A_359] : memref<25600xi32, #tpu.memory_space<vmem>> -> memref<800xi32, #tpu.memory_space<vmem>>
    %dma_wait3A_361 = arith.constant 0 : i32
    %dma_wait3A_362 = arith.constant 0 : i32
    %dma_wait3A_363 = tpu.memref_slice %arg3[%dma_wait3A_361, %dma_wait3A_362] : memref<1000000x32xf32, #tpu.memory_space<hbm>> -> memref<1000000x32xf32, #tpu.memory_space<hbm>>
    tpu.wait_indirect_dma semaphore(%arg10 : memref<!tpu.dma_semaphore, #tpu.memory_space<semaphore_mem>>) src(%dma_wait3A_363 : memref<1000000x32xf32, #tpu.memory_space<hbm>>) dst(%dma_wait3A_358 : memref<800x32xf32, #tpu.memory_space<vmem>>)
    %add3A_364 = arith.constant 5600 : i32
    %add3A_365 = arith.addi %mul3A_2, %add3A_364 : i32
    %dma_start3A_366 = arith.constant 3 : i32
    %dma_start3A_367 = arith.constant 0 : i32
    %dma_start3A_368 = arith.constant 0 : i32
    %dma_start3A_369 = tpu.memref_slice %arg6[%dma_start3A_366, %dma_start3A_367, %dma_start3A_368] : memref<4x800x32xf32, #tpu.memory_space<vmem>> -> memref<1x800x32xf32, #tpu.memory_space<vmem>>
    %dma_start3A_370 = tpu.memref_squeeze %dma_start3A_369 : memref<1x800x32xf32, #tpu.memory_space<vmem>> -> memref<800x32xf32, #tpu.memory_space<vmem>>
    %dma_start3A_371 = arith.constant 0 : i32
    %dma_start3A_372 = tpu.memref_slice %arg4[%add3A_365, %dma_start3A_371] : memref<819200x32xf32, #tpu.memory_space<hbm>> -> memref<800x32xf32, #tpu.memory_space<hbm>>
    %dma_start3A_373 = arith.constant 0 : i32
    %dma_start3A_374 = tpu.memref_slice %arg4[%add3A_365, %dma_start3A_373] : memref<819200x32xf32, #tpu.memory_space<hbm>> -> memref<800x32xf32, #tpu.memory_space<hbm>>
    %dma_start3A_375 = arith.constant 0 : i32
    %dma_start3A_376 = arith.constant 0 : i32
    %dma_start3A_377 = tpu.memref_slice %arg6[%dma_start3A_366, %dma_start3A_375, %dma_start3A_376] : memref<4x800x32xf32, #tpu.memory_space<vmem>> -> memref<1x800x32xf32, #tpu.memory_space<vmem>>
    %dma_start3A_378 = tpu.memref_squeeze %dma_start3A_377 : memref<1x800x32xf32, #tpu.memory_space<vmem>> -> memref<800x32xf32, #tpu.memory_space<vmem>>
    tpu.enqueue_dma source(%dma_start3A_378 : memref<800x32xf32, #tpu.memory_space<vmem>>) target(%dma_start3A_374 : memref<800x32xf32, #tpu.memory_space<hbm>>) target_semaphore(%arg14 : memref<!tpu.dma_semaphore, #tpu.memory_space<semaphore_mem>>)
    %dma_wait3A_379 = arith.constant 2 : i32
    %dma_wait3A_380 = arith.constant 0 : i32
    %dma_wait3A_381 = arith.constant 0 : i32
    %dma_wait3A_382 = tpu.memref_slice %arg6[%dma_wait3A_379, %dma_wait3A_380, %dma_wait3A_381] : memref<4x800x32xf32, #tpu.memory_space<vmem>> -> memref<1x800x32xf32, #tpu.memory_space<vmem>>
    %dma_wait3A_383 = tpu.memref_squeeze %dma_wait3A_382 : memref<1x800x32xf32, #tpu.memory_space<vmem>> -> memref<800x32xf32, #tpu.memory_space<vmem>>
    %dma_wait3A_384 = arith.constant 0 : i32
    %dma_wait3A_385 = tpu.memref_slice %arg4[%add3A_317, %dma_wait3A_384] : memref<819200x32xf32, #tpu.memory_space<hbm>> -> memref<800x32xf32, #tpu.memory_space<hbm>>
    %dma_wait3A_386 = arith.constant 0 : i32
    %dma_wait3A_387 = tpu.memref_slice %arg4[%add3A_317, %dma_wait3A_386] : memref<819200x32xf32, #tpu.memory_space<hbm>> -> memref<800x32xf32, #tpu.memory_space<hbm>>
    %dma_wait3A_388 = arith.constant 0 : i32
    %dma_wait3A_389 = arith.constant 0 : i32
    %dma_wait3A_390 = tpu.memref_slice %arg6[%dma_wait3A_379, %dma_wait3A_388, %dma_wait3A_389] : memref<4x800x32xf32, #tpu.memory_space<vmem>> -> memref<1x800x32xf32, #tpu.memory_space<vmem>>
    %dma_wait3A_391 = tpu.memref_squeeze %dma_wait3A_390 : memref<1x800x32xf32, #tpu.memory_space<vmem>> -> memref<800x32xf32, #tpu.memory_space<vmem>>
    tpu.wait_dma2 semaphore(%arg13 : memref<!tpu.dma_semaphore, #tpu.memory_space<semaphore_mem>>) src(%dma_wait3A_391 : memref<800x32xf32, #tpu.memory_space<vmem>>) dst(%dma_wait3A_387 : memref<800x32xf32, #tpu.memory_space<hbm>>)
    %dma_start3A_392 = arith.constant 2 : i32
    %dma_start3A_393 = arith.constant 0 : i32
    %dma_start3A_394 = arith.constant 0 : i32
    %dma_start3A_395 = tpu.memref_slice %arg6[%dma_start3A_392, %dma_start3A_393, %dma_start3A_394] : memref<4x800x32xf32, #tpu.memory_space<vmem>> -> memref<1x800x32xf32, #tpu.memory_space<vmem>>
    %dma_start3A_396 = tpu.memref_squeeze %dma_start3A_395 : memref<1x800x32xf32, #tpu.memory_space<vmem>> -> memref<800x32xf32, #tpu.memory_space<vmem>>
    %dma_start3A_397 = arith.constant 8000 : i32
    %dma_start3A_398 = tpu.memref_slice %arg5[%dma_start3A_397] : memref<25600xi32, #tpu.memory_space<vmem>> -> memref<800xi32, #tpu.memory_space<vmem>>
    %dma_start3A_399 = arith.constant 0 : i32
    %dma_start3A_400 = arith.constant 0 : i32
    %dma_start3A_401 = tpu.memref_slice %arg3[%dma_start3A_399, %dma_start3A_400] : memref<1000000x32xf32, #tpu.memory_space<hbm>> -> memref<1000000x32xf32, #tpu.memory_space<hbm>>
    tpu.enqueue_indirect_dma source(%dma_start3A_401 : memref<1000000x32xf32, #tpu.memory_space<hbm>>) target(%dma_start3A_396 : memref<800x32xf32, #tpu.memory_space<vmem>>) offsets(%dma_start3A_398 : memref<800xi32, #tpu.memory_space<vmem>>) semaphore(%arg9 : memref<!tpu.dma_semaphore, #tpu.memory_space<semaphore_mem>>)
    %dma_wait3A_402 = arith.constant 0 : i32
    %dma_wait3A_403 = arith.constant 0 : i32
    %dma_wait3A_404 = arith.constant 0 : i32
    %dma_wait3A_405 = tpu.memref_slice %arg6[%dma_wait3A_402, %dma_wait3A_403, %dma_wait3A_404] : memref<4x800x32xf32, #tpu.memory_space<vmem>> -> memref<1x800x32xf32, #tpu.memory_space<vmem>>
    %dma_wait3A_406 = tpu.memref_squeeze %dma_wait3A_405 : memref<1x800x32xf32, #tpu.memory_space<vmem>> -> memref<800x32xf32, #tpu.memory_space<vmem>>
    %dma_wait3A_407 = arith.constant 6400 : i32
    %dma_wait3A_408 = tpu.memref_slice %arg5[%dma_wait3A_407] : memref<25600xi32, #tpu.memory_space<vmem>> -> memref<800xi32, #tpu.memory_space<vmem>>
    %dma_wait3A_409 = arith.constant 0 : i32
    %dma_wait3A_410 = arith.constant 0 : i32
    %dma_wait3A_411 = tpu.memref_slice %arg3[%dma_wait3A_409, %dma_wait3A_410] : memref<1000000x32xf32, #tpu.memory_space<hbm>> -> memref<1000000x32xf32, #tpu.memory_space<hbm>>
    tpu.wait_indirect_dma semaphore(%arg7 : memref<!tpu.dma_semaphore, #tpu.memory_space<semaphore_mem>>) src(%dma_wait3A_411 : memref<1000000x32xf32, #tpu.memory_space<hbm>>) dst(%dma_wait3A_406 : memref<800x32xf32, #tpu.memory_space<vmem>>)
    %add3A_412 = arith.constant 6400 : i32
    %add3A_413 = arith.addi %mul3A_2, %add3A_412 : i32
    %dma_start3A_414 = arith.constant 0 : i32
    %dma_start3A_415 = arith.constant 0 : i32
    %dma_start3A_416 = arith.constant 0 : i32
    %dma_start3A_417 = tpu.memref_slice %arg6[%dma_start3A_414, %dma_start3A_415, %dma_start3A_416] : memref<4x800x32xf32, #tpu.memory_space<vmem>> -> memref<1x800x32xf32, #tpu.memory_space<vmem>>
    %dma_start3A_418 = tpu.memref_squeeze %dma_start3A_417 : memref<1x800x32xf32, #tpu.memory_space<vmem>> -> memref<800x32xf32, #tpu.memory_space<vmem>>
    %dma_start3A_419 = arith.constant 0 : i32
    %dma_start3A_420 = tpu.memref_slice %arg4[%add3A_413, %dma_start3A_419] : memref<819200x32xf32, #tpu.memory_space<hbm>> -> memref<800x32xf32, #tpu.memory_space<hbm>>
    %dma_start3A_421 = arith.constant 0 : i32
    %dma_start3A_422 = tpu.memref_slice %arg4[%add3A_413, %dma_start3A_421] : memref<819200x32xf32, #tpu.memory_space<hbm>> -> memref<800x32xf32, #tpu.memory_space<hbm>>
    %dma_start3A_423 = arith.constant 0 : i32
    %dma_start3A_424 = arith.constant 0 : i32
    %dma_start3A_425 = tpu.memref_slice %arg6[%dma_start3A_414, %dma_start3A_423, %dma_start3A_424] : memref<4x800x32xf32, #tpu.memory_space<vmem>> -> memref<1x800x32xf32, #tpu.memory_space<vmem>>
    %dma_start3A_426 = tpu.memref_squeeze %dma_start3A_425 : memref<1x800x32xf32, #tpu.memory_space<vmem>> -> memref<800x32xf32, #tpu.memory_space<vmem>>
    tpu.enqueue_dma source(%dma_start3A_426 : memref<800x32xf32, #tpu.memory_space<vmem>>) target(%dma_start3A_422 : memref<800x32xf32, #tpu.memory_space<hbm>>) target_semaphore(%arg11 : memref<!tpu.dma_semaphore, #tpu.memory_space<semaphore_mem>>)
    %dma_wait3A_427 = arith.constant 3 : i32
    %dma_wait3A_428 = arith.constant 0 : i32
    %dma_wait3A_429 = arith.constant 0 : i32
    %dma_wait3A_430 = tpu.memref_slice %arg6[%dma_wait3A_427, %dma_wait3A_428, %dma_wait3A_429] : memref<4x800x32xf32, #tpu.memory_space<vmem>> -> memref<1x800x32xf32, #tpu.memory_space<vmem>>
    %dma_wait3A_431 = tpu.memref_squeeze %dma_wait3A_430 : memref<1x800x32xf32, #tpu.memory_space<vmem>> -> memref<800x32xf32, #tpu.memory_space<vmem>>
    %dma_wait3A_432 = arith.constant 0 : i32
    %dma_wait3A_433 = tpu.memref_slice %arg4[%add3A_365, %dma_wait3A_432] : memref<819200x32xf32, #tpu.memory_space<hbm>> -> memref<800x32xf32, #tpu.memory_space<hbm>>
    %dma_wait3A_434 = arith.constant 0 : i32
    %dma_wait3A_435 = tpu.memref_slice %arg4[%add3A_365, %dma_wait3A_434] : memref<819200x32xf32, #tpu.memory_space<hbm>> -> memref<800x32xf32, #tpu.memory_space<hbm>>
    %dma_wait3A_436 = arith.constant 0 : i32
    %dma_wait3A_437 = arith.constant 0 : i32
    %dma_wait3A_438 = tpu.memref_slice %arg6[%dma_wait3A_427, %dma_wait3A_436, %dma_wait3A_437] : memref<4x800x32xf32, #tpu.memory_space<vmem>> -> memref<1x800x32xf32, #tpu.memory_space<vmem>>
    %dma_wait3A_439 = tpu.memref_squeeze %dma_wait3A_438 : memref<1x800x32xf32, #tpu.memory_space<vmem>> -> memref<800x32xf32, #tpu.memory_space<vmem>>
    tpu.wait_dma2 semaphore(%arg14 : memref<!tpu.dma_semaphore, #tpu.memory_space<semaphore_mem>>) src(%dma_wait3A_439 : memref<800x32xf32, #tpu.memory_space<vmem>>) dst(%dma_wait3A_435 : memref<800x32xf32, #tpu.memory_space<hbm>>)
    %dma_start3A_440 = arith.constant 3 : i32
    %dma_start3A_441 = arith.constant 0 : i32
    %dma_start3A_442 = arith.constant 0 : i32
    %dma_start3A_443 = tpu.memref_slice %arg6[%dma_start3A_440, %dma_start3A_441, %dma_start3A_442] : memref<4x800x32xf32, #tpu.memory_space<vmem>> -> memref<1x800x32xf32, #tpu.memory_space<vmem>>
    %dma_start3A_444 = tpu.memref_squeeze %dma_start3A_443 : memref<1x800x32xf32, #tpu.memory_space<vmem>> -> memref<800x32xf32, #tpu.memory_space<vmem>>
    %dma_start3A_445 = arith.constant 8800 : i32
    %dma_start3A_446 = tpu.memref_slice %arg5[%dma_start3A_445] : memref<25600xi32, #tpu.memory_space<vmem>> -> memref<800xi32, #tpu.memory_space<vmem>>
    %dma_start3A_447 = arith.constant 0 : i32
    %dma_start3A_448 = arith.constant 0 : i32
    %dma_start3A_449 = tpu.memref_slice %arg3[%dma_start3A_447, %dma_start3A_448] : memref<1000000x32xf32, #tpu.memory_space<hbm>> -> memref<1000000x32xf32, #tpu.memory_space<hbm>>
    tpu.enqueue_indirect_dma source(%dma_start3A_449 : memref<1000000x32xf32, #tpu.memory_space<hbm>>) target(%dma_start3A_444 : memref<800x32xf32, #tpu.memory_space<vmem>>) offsets(%dma_start3A_446 : memref<800xi32, #tpu.memory_space<vmem>>) semaphore(%arg10 : memref<!tpu.dma_semaphore, #tpu.memory_space<semaphore_mem>>)
    %dma_wait3A_450 = arith.constant 1 : i32
    %dma_wait3A_451 = arith.constant 0 : i32
    %dma_wait3A_452 = arith.constant 0 : i32
    %dma_wait3A_453 = tpu.memref_slice %arg6[%dma_wait3A_450, %dma_wait3A_451, %dma_wait3A_452] : memref<4x800x32xf32, #tpu.memory_space<vmem>> -> memref<1x800x32xf32, #tpu.memory_space<vmem>>
    %dma_wait3A_454 = tpu.memref_squeeze %dma_wait3A_453 : memref<1x800x32xf32, #tpu.memory_space<vmem>> -> memref<800x32xf32, #tpu.memory_space<vmem>>
    %dma_wait3A_455 = arith.constant 7200 : i32
    %dma_wait3A_456 = tpu.memref_slice %arg5[%dma_wait3A_455] : memref<25600xi32, #tpu.memory_space<vmem>> -> memref<800xi32, #tpu.memory_space<vmem>>
    %dma_wait3A_457 = arith.constant 0 : i32
    %dma_wait3A_458 = arith.constant 0 : i32
    %dma_wait3A_459 = tpu.memref_slice %arg3[%dma_wait3A_457, %dma_wait3A_458] : memref<1000000x32xf32, #tpu.memory_space<hbm>> -> memref<1000000x32xf32, #tpu.memory_space<hbm>>
    tpu.wait_indirect_dma semaphore(%arg8 : memref<!tpu.dma_semaphore, #tpu.memory_space<semaphore_mem>>) src(%dma_wait3A_459 : memref<1000000x32xf32, #tpu.memory_space<hbm>>) dst(%dma_wait3A_454 : memref<800x32xf32, #tpu.memory_space<vmem>>)
    %add3A_460 = arith.constant 7200 : i32
    %add3A_461 = arith.addi %mul3A_2, %add3A_460 : i32
    %dma_start3A_462 = arith.constant 1 : i32
    %dma_start3A_463 = arith.constant 0 : i32
    %dma_start3A_464 = arith.constant 0 : i32
    %dma_start3A_465 = tpu.memref_slice %arg6[%dma_start3A_462, %dma_start3A_463, %dma_start3A_464] : memref<4x800x32xf32, #tpu.memory_space<vmem>> -> memref<1x800x32xf32, #tpu.memory_space<vmem>>
    %dma_start3A_466 = tpu.memref_squeeze %dma_start3A_465 : memref<1x800x32xf32, #tpu.memory_space<vmem>> -> memref<800x32xf32, #tpu.memory_space<vmem>>
    %dma_start3A_467 = arith.constant 0 : i32
    %dma_start3A_468 = tpu.memref_slice %arg4[%add3A_461, %dma_start3A_467] : memref<819200x32xf32, #tpu.memory_space<hbm>> -> memref<800x32xf32, #tpu.memory_space<hbm>>
    %dma_start3A_469 = arith.constant 0 : i32
    %dma_start3A_470 = tpu.memref_slice %arg4[%add3A_461, %dma_start3A_469] : memref<819200x32xf32, #tpu.memory_space<hbm>> -> memref<800x32xf32, #tpu.memory_space<hbm>>
    %dma_start3A_471 = arith.constant 0 : i32
    %dma_start3A_472 = arith.constant 0 : i32
    %dma_start3A_473 = tpu.memref_slice %arg6[%dma_start3A_462, %dma_start3A_471, %dma_start3A_472] : memref<4x800x32xf32, #tpu.memory_space<vmem>> -> memref<1x800x32xf32, #tpu.memory_space<vmem>>
    %dma_start3A_474 = tpu.memref_squeeze %dma_start3A_473 : memref<1x800x32xf32, #tpu.memory_space<vmem>> -> memref<800x32xf32, #tpu.memory_space<vmem>>
    tpu.enqueue_dma source(%dma_start3A_474 : memref<800x32xf32, #tpu.memory_space<vmem>>) target(%dma_start3A_470 : memref<800x32xf32, #tpu.memory_space<hbm>>) target_semaphore(%arg12 : memref<!tpu.dma_semaphore, #tpu.memory_space<semaphore_mem>>)
    %dma_wait3A_475 = arith.constant 0 : i32
    %dma_wait3A_476 = arith.constant 0 : i32
    %dma_wait3A_477 = arith.constant 0 : i32
    %dma_wait3A_478 = tpu.memref_slice %arg6[%dma_wait3A_475, %dma_wait3A_476, %dma_wait3A_477] : memref<4x800x32xf32, #tpu.memory_space<vmem>> -> memref<1x800x32xf32, #tpu.memory_space<vmem>>
    %dma_wait3A_479 = tpu.memref_squeeze %dma_wait3A_478 : memref<1x800x32xf32, #tpu.memory_space<vmem>> -> memref<800x32xf32, #tpu.memory_space<vmem>>
    %dma_wait3A_480 = arith.constant 0 : i32
    %dma_wait3A_481 = tpu.memref_slice %arg4[%add3A_413, %dma_wait3A_480] : memref<819200x32xf32, #tpu.memory_space<hbm>> -> memref<800x32xf32, #tpu.memory_space<hbm>>
    %dma_wait3A_482 = arith.constant 0 : i32
    %dma_wait3A_483 = tpu.memref_slice %arg4[%add3A_413, %dma_wait3A_482] : memref<819200x32xf32, #tpu.memory_space<hbm>> -> memref<800x32xf32, #tpu.memory_space<hbm>>
    %dma_wait3A_484 = arith.constant 0 : i32
    %dma_wait3A_485 = arith.constant 0 : i32
    %dma_wait3A_486 = tpu.memref_slice %arg6[%dma_wait3A_475, %dma_wait3A_484, %dma_wait3A_485] : memref<4x800x32xf32, #tpu.memory_space<vmem>> -> memref<1x800x32xf32, #tpu.memory_space<vmem>>
    %dma_wait3A_487 = tpu.memref_squeeze %dma_wait3A_486 : memref<1x800x32xf32, #tpu.memory_space<vmem>> -> memref<800x32xf32, #tpu.memory_space<vmem>>
    tpu.wait_dma2 semaphore(%arg11 : memref<!tpu.dma_semaphore, #tpu.memory_space<semaphore_mem>>) src(%dma_wait3A_487 : memref<800x32xf32, #tpu.memory_space<vmem>>) dst(%dma_wait3A_483 : memref<800x32xf32, #tpu.memory_space<hbm>>)
    %dma_start3A_488 = arith.constant 0 : i32
    %dma_start3A_489 = arith.constant 0 : i32
    %dma_start3A_490 = arith.constant 0 : i32
    %dma_start3A_491 = tpu.memref_slice %arg6[%dma_start3A_488, %dma_start3A_489, %dma_start3A_490] : memref<4x800x32xf32, #tpu.memory_space<vmem>> -> memref<1x800x32xf32, #tpu.memory_space<vmem>>
    %dma_start3A_492 = tpu.memref_squeeze %dma_start3A_491 : memref<1x800x32xf32, #tpu.memory_space<vmem>> -> memref<800x32xf32, #tpu.memory_space<vmem>>
    %dma_start3A_493 = arith.constant 9600 : i32
    %dma_start3A_494 = tpu.memref_slice %arg5[%dma_start3A_493] : memref<25600xi32, #tpu.memory_space<vmem>> -> memref<800xi32, #tpu.memory_space<vmem>>
    %dma_start3A_495 = arith.constant 0 : i32
    %dma_start3A_496 = arith.constant 0 : i32
    %dma_start3A_497 = tpu.memref_slice %arg3[%dma_start3A_495, %dma_start3A_496] : memref<1000000x32xf32, #tpu.memory_space<hbm>> -> memref<1000000x32xf32, #tpu.memory_space<hbm>>
    tpu.enqueue_indirect_dma source(%dma_start3A_497 : memref<1000000x32xf32, #tpu.memory_space<hbm>>) target(%dma_start3A_492 : memref<800x32xf32, #tpu.memory_space<vmem>>) offsets(%dma_start3A_494 : memref<800xi32, #tpu.memory_space<vmem>>) semaphore(%arg7 : memref<!tpu.dma_semaphore, #tpu.memory_space<semaphore_mem>>)
    %dma_wait3A_498 = arith.constant 2 : i32
    %dma_wait3A_499 = arith.constant 0 : i32
    %dma_wait3A_500 = arith.constant 0 : i32
    %dma_wait3A_501 = tpu.memref_slice %arg6[%dma_wait3A_498, %dma_wait3A_499, %dma_wait3A_500] : memref<4x800x32xf32, #tpu.memory_space<vmem>> -> memref<1x800x32xf32, #tpu.memory_space<vmem>>
    %dma_wait3A_502 = tpu.memref_squeeze %dma_wait3A_501 : memref<1x800x32xf32, #tpu.memory_space<vmem>> -> memref<800x32xf32, #tpu.memory_space<vmem>>
    %dma_wait3A_503 = arith.constant 8000 : i32
    %dma_wait3A_504 = tpu.memref_slice %arg5[%dma_wait3A_503] : memref<25600xi32, #tpu.memory_space<vmem>> -> memref<800xi32, #tpu.memory_space<vmem>>
    %dma_wait3A_505 = arith.constant 0 : i32
    %dma_wait3A_506 = arith.constant 0 : i32
    %dma_wait3A_507 = tpu.memref_slice %arg3[%dma_wait3A_505, %dma_wait3A_506] : memref<1000000x32xf32, #tpu.memory_space<hbm>> -> memref<1000000x32xf32, #tpu.memory_space<hbm>>
    tpu.wait_indirect_dma semaphore(%arg9 : memref<!tpu.dma_semaphore, #tpu.memory_space<semaphore_mem>>) src(%dma_wait3A_507 : memref<1000000x32xf32, #tpu.memory_space<hbm>>) dst(%dma_wait3A_502 : memref<800x32xf32, #tpu.memory_space<vmem>>)
    %add3A_508 = arith.constant 8000 : i32
    %add3A_509 = arith.addi %mul3A_2, %add3A_508 : i32
    %dma_start3A_510 = arith.constant 2 : i32
    %dma_start3A_511 = arith.constant 0 : i32
    %dma_start3A_512 = arith.constant 0 : i32
    %dma_start3A_513 = tpu.memref_slice %arg6[%dma_start3A_510, %dma_start3A_511, %dma_start3A_512] : memref<4x800x32xf32, #tpu.memory_space<vmem>> -> memref<1x800x32xf32, #tpu.memory_space<vmem>>
    %dma_start3A_514 = tpu.memref_squeeze %dma_start3A_513 : memref<1x800x32xf32, #tpu.memory_space<vmem>> -> memref<800x32xf32, #tpu.memory_space<vmem>>
    %dma_start3A_515 = arith.constant 0 : i32
    %dma_start3A_516 = tpu.memref_slice %arg4[%add3A_509, %dma_start3A_515] : memref<819200x32xf32, #tpu.memory_space<hbm>> -> memref<800x32xf32, #tpu.memory_space<hbm>>
    %dma_start3A_517 = arith.constant 0 : i32
    %dma_start3A_518 = tpu.memref_slice %arg4[%add3A_509, %dma_start3A_517] : memref<819200x32xf32, #tpu.memory_space<hbm>> -> memref<800x32xf32, #tpu.memory_space<hbm>>
    %dma_start3A_519 = arith.constant 0 : i32
    %dma_start3A_520 = arith.constant 0 : i32
    %dma_start3A_521 = tpu.memref_slice %arg6[%dma_start3A_510, %dma_start3A_519, %dma_start3A_520] : memref<4x800x32xf32, #tpu.memory_space<vmem>> -> memref<1x800x32xf32, #tpu.memory_space<vmem>>
    %dma_start3A_522 = tpu.memref_squeeze %dma_start3A_521 : memref<1x800x32xf32, #tpu.memory_space<vmem>> -> memref<800x32xf32, #tpu.memory_space<vmem>>
    tpu.enqueue_dma source(%dma_start3A_522 : memref<800x32xf32, #tpu.memory_space<vmem>>) target(%dma_start3A_518 : memref<800x32xf32, #tpu.memory_space<hbm>>) target_semaphore(%arg13 : memref<!tpu.dma_semaphore, #tpu.memory_space<semaphore_mem>>)
    %dma_wait3A_523 = arith.constant 1 : i32
    %dma_wait3A_524 = arith.constant 0 : i32
    %dma_wait3A_525 = arith.constant 0 : i32
    %dma_wait3A_526 = tpu.memref_slice %arg6[%dma_wait3A_523, %dma_wait3A_524, %dma_wait3A_525] : memref<4x800x32xf32, #tpu.memory_space<vmem>> -> memref<1x800x32xf32, #tpu.memory_space<vmem>>
    %dma_wait3A_527 = tpu.memref_squeeze %dma_wait3A_526 : memref<1x800x32xf32, #tpu.memory_space<vmem>> -> memref<800x32xf32, #tpu.memory_space<vmem>>
    %dma_wait3A_528 = arith.constant 0 : i32
    %dma_wait3A_529 = tpu.memref_slice %arg4[%add3A_461, %dma_wait3A_528] : memref<819200x32xf32, #tpu.memory_space<hbm>> -> memref<800x32xf32, #tpu.memory_space<hbm>>
    %dma_wait3A_530 = arith.constant 0 : i32
    %dma_wait3A_531 = tpu.memref_slice %arg4[%add3A_461, %dma_wait3A_530] : memref<819200x32xf32, #tpu.memory_space<hbm>> -> memref<800x32xf32, #tpu.memory_space<hbm>>
    %dma_wait3A_532 = arith.constant 0 : i32
    %dma_wait3A_533 = arith.constant 0 : i32
    %dma_wait3A_534 = tpu.memref_slice %arg6[%dma_wait3A_523, %dma_wait3A_532, %dma_wait3A_533] : memref<4x800x32xf32, #tpu.memory_space<vmem>> -> memref<1x800x32xf32, #tpu.memory_space<vmem>>
    %dma_wait3A_535 = tpu.memref_squeeze %dma_wait3A_534 : memref<1x800x32xf32, #tpu.memory_space<vmem>> -> memref<800x32xf32, #tpu.memory_space<vmem>>
    tpu.wait_dma2 semaphore(%arg12 : memref<!tpu.dma_semaphore, #tpu.memory_space<semaphore_mem>>) src(%dma_wait3A_535 : memref<800x32xf32, #tpu.memory_space<vmem>>) dst(%dma_wait3A_531 : memref<800x32xf32, #tpu.memory_space<hbm>>)
    %dma_start3A_536 = arith.constant 1 : i32
    %dma_start3A_537 = arith.constant 0 : i32
    %dma_start3A_538 = arith.constant 0 : i32
    %dma_start3A_539 = tpu.memref_slice %arg6[%dma_start3A_536, %dma_start3A_537, %dma_start3A_538] : memref<4x800x32xf32, #tpu.memory_space<vmem>> -> memref<1x800x32xf32, #tpu.memory_space<vmem>>
    %dma_start3A_540 = tpu.memref_squeeze %dma_start3A_539 : memref<1x800x32xf32, #tpu.memory_space<vmem>> -> memref<800x32xf32, #tpu.memory_space<vmem>>
    %dma_start3A_541 = arith.constant 10400 : i32
    %dma_start3A_542 = tpu.memref_slice %arg5[%dma_start3A_541] : memref<25600xi32, #tpu.memory_space<vmem>> -> memref<800xi32, #tpu.memory_space<vmem>>
    %dma_start3A_543 = arith.constant 0 : i32
    %dma_start3A_544 = arith.constant 0 : i32
    %dma_start3A_545 = tpu.memref_slice %arg3[%dma_start3A_543, %dma_start3A_544] : memref<1000000x32xf32, #tpu.memory_space<hbm>> -> memref<1000000x32xf32, #tpu.memory_space<hbm>>
    tpu.enqueue_indirect_dma source(%dma_start3A_545 : memref<1000000x32xf32, #tpu.memory_space<hbm>>) target(%dma_start3A_540 : memref<800x32xf32, #tpu.memory_space<vmem>>) offsets(%dma_start3A_542 : memref<800xi32, #tpu.memory_space<vmem>>) semaphore(%arg8 : memref<!tpu.dma_semaphore, #tpu.memory_space<semaphore_mem>>)
    %dma_wait3A_546 = arith.constant 3 : i32
    %dma_wait3A_547 = arith.constant 0 : i32
    %dma_wait3A_548 = arith.constant 0 : i32
    %dma_wait3A_549 = tpu.memref_slice %arg6[%dma_wait3A_546, %dma_wait3A_547, %dma_wait3A_548] : memref<4x800x32xf32, #tpu.memory_space<vmem>> -> memref<1x800x32xf32, #tpu.memory_space<vmem>>
    %dma_wait3A_550 = tpu.memref_squeeze %dma_wait3A_549 : memref<1x800x32xf32, #tpu.memory_space<vmem>> -> memref<800x32xf32, #tpu.memory_space<vmem>>
    %dma_wait3A_551 = arith.constant 8800 : i32
    %dma_wait3A_552 = tpu.memref_slice %arg5[%dma_wait3A_551] : memref<25600xi32, #tpu.memory_space<vmem>> -> memref<800xi32, #tpu.memory_space<vmem>>
    %dma_wait3A_553 = arith.constant 0 : i32
    %dma_wait3A_554 = arith.constant 0 : i32
    %dma_wait3A_555 = tpu.memref_slice %arg3[%dma_wait3A_553, %dma_wait3A_554] : memref<1000000x32xf32, #tpu.memory_space<hbm>> -> memref<1000000x32xf32, #tpu.memory_space<hbm>>
    tpu.wait_indirect_dma semaphore(%arg10 : memref<!tpu.dma_semaphore, #tpu.memory_space<semaphore_mem>>) src(%dma_wait3A_555 : memref<1000000x32xf32, #tpu.memory_space<hbm>>) dst(%dma_wait3A_550 : memref<800x32xf32, #tpu.memory_space<vmem>>)
    %add3A_556 = arith.constant 8800 : i32
    %add3A_557 = arith.addi %mul3A_2, %add3A_556 : i32
    %dma_start3A_558 = arith.constant 3 : i32
    %dma_start3A_559 = arith.constant 0 : i32
    %dma_start3A_560 = arith.constant 0 : i32
    %dma_start3A_561 = tpu.memref_slice %arg6[%dma_start3A_558, %dma_start3A_559, %dma_start3A_560] : memref<4x800x32xf32, #tpu.memory_space<vmem>> -> memref<1x800x32xf32, #tpu.memory_space<vmem>>
    %dma_start3A_562 = tpu.memref_squeeze %dma_start3A_561 : memref<1x800x32xf32, #tpu.memory_space<vmem>> -> memref<800x32xf32, #tpu.memory_space<vmem>>
    %dma_start3A_563 = arith.constant 0 : i32
    %dma_start3A_564 = tpu.memref_slice %arg4[%add3A_557, %dma_start3A_563] : memref<819200x32xf32, #tpu.memory_space<hbm>> -> memref<800x32xf32, #tpu.memory_space<hbm>>
    %dma_start3A_565 = arith.constant 0 : i32
    %dma_start3A_566 = tpu.memref_slice %arg4[%add3A_557, %dma_start3A_565] : memref<819200x32xf32, #tpu.memory_space<hbm>> -> memref<800x32xf32, #tpu.memory_space<hbm>>
    %dma_start3A_567 = arith.constant 0 : i32
    %dma_start3A_568 = arith.constant 0 : i32
    %dma_start3A_569 = tpu.memref_slice %arg6[%dma_start3A_558, %dma_start3A_567, %dma_start3A_568] : memref<4x800x32xf32, #tpu.memory_space<vmem>> -> memref<1x800x32xf32, #tpu.memory_space<vmem>>
    %dma_start3A_570 = tpu.memref_squeeze %dma_start3A_569 : memref<1x800x32xf32, #tpu.memory_space<vmem>> -> memref<800x32xf32, #tpu.memory_space<vmem>>
    tpu.enqueue_dma source(%dma_start3A_570 : memref<800x32xf32, #tpu.memory_space<vmem>>) target(%dma_start3A_566 : memref<800x32xf32, #tpu.memory_space<hbm>>) target_semaphore(%arg14 : memref<!tpu.dma_semaphore, #tpu.memory_space<semaphore_mem>>)
    %dma_wait3A_571 = arith.constant 2 : i32
    %dma_wait3A_572 = arith.constant 0 : i32
    %dma_wait3A_573 = arith.constant 0 : i32
    %dma_wait3A_574 = tpu.memref_slice %arg6[%dma_wait3A_571, %dma_wait3A_572, %dma_wait3A_573] : memref<4x800x32xf32, #tpu.memory_space<vmem>> -> memref<1x800x32xf32, #tpu.memory_space<vmem>>
    %dma_wait3A_575 = tpu.memref_squeeze %dma_wait3A_574 : memref<1x800x32xf32, #tpu.memory_space<vmem>> -> memref<800x32xf32, #tpu.memory_space<vmem>>
    %dma_wait3A_576 = arith.constant 0 : i32
    %dma_wait3A_577 = tpu.memref_slice %arg4[%add3A_509, %dma_wait3A_576] : memref<819200x32xf32, #tpu.memory_space<hbm>> -> memref<800x32xf32, #tpu.memory_space<hbm>>
    %dma_wait3A_578 = arith.constant 0 : i32
    %dma_wait3A_579 = tpu.memref_slice %arg4[%add3A_509, %dma_wait3A_578] : memref<819200x32xf32, #tpu.memory_space<hbm>> -> memref<800x32xf32, #tpu.memory_space<hbm>>
    %dma_wait3A_580 = arith.constant 0 : i32
    %dma_wait3A_581 = arith.constant 0 : i32
    %dma_wait3A_582 = tpu.memref_slice %arg6[%dma_wait3A_571, %dma_wait3A_580, %dma_wait3A_581] : memref<4x800x32xf32, #tpu.memory_space<vmem>> -> memref<1x800x32xf32, #tpu.memory_space<vmem>>
    %dma_wait3A_583 = tpu.memref_squeeze %dma_wait3A_582 : memref<1x800x32xf32, #tpu.memory_space<vmem>> -> memref<800x32xf32, #tpu.memory_space<vmem>>
    tpu.wait_dma2 semaphore(%arg13 : memref<!tpu.dma_semaphore, #tpu.memory_space<semaphore_mem>>) src(%dma_wait3A_583 : memref<800x32xf32, #tpu.memory_space<vmem>>) dst(%dma_wait3A_579 : memref<800x32xf32, #tpu.memory_space<hbm>>)
    %dma_start3A_584 = arith.constant 2 : i32
    %dma_start3A_585 = arith.constant 0 : i32
    %dma_start3A_586 = arith.constant 0 : i32
    %dma_start3A_587 = tpu.memref_slice %arg6[%dma_start3A_584, %dma_start3A_585, %dma_start3A_586] : memref<4x800x32xf32, #tpu.memory_space<vmem>> -> memref<1x800x32xf32, #tpu.memory_space<vmem>>
    %dma_start3A_588 = tpu.memref_squeeze %dma_start3A_587 : memref<1x800x32xf32, #tpu.memory_space<vmem>> -> memref<800x32xf32, #tpu.memory_space<vmem>>
    %dma_start3A_589 = arith.constant 11200 : i32
    %dma_start3A_590 = tpu.memref_slice %arg5[%dma_start3A_589] : memref<25600xi32, #tpu.memory_space<vmem>> -> memref<800xi32, #tpu.memory_space<vmem>>
    %dma_start3A_591 = arith.constant 0 : i32
    %dma_start3A_592 = arith.constant 0 : i32
    %dma_start3A_593 = tpu.memref_slice %arg3[%dma_start3A_591, %dma_start3A_592] : memref<1000000x32xf32, #tpu.memory_space<hbm>> -> memref<1000000x32xf32, #tpu.memory_space<hbm>>
    tpu.enqueue_indirect_dma source(%dma_start3A_593 : memref<1000000x32xf32, #tpu.memory_space<hbm>>) target(%dma_start3A_588 : memref<800x32xf32, #tpu.memory_space<vmem>>) offsets(%dma_start3A_590 : memref<800xi32, #tpu.memory_space<vmem>>) semaphore(%arg9 : memref<!tpu.dma_semaphore, #tpu.memory_space<semaphore_mem>>)
    %dma_wait3A_594 = arith.constant 0 : i32
    %dma_wait3A_595 = arith.constant 0 : i32
    %dma_wait3A_596 = arith.constant 0 : i32
    %dma_wait3A_597 = tpu.memref_slice %arg6[%dma_wait3A_594, %dma_wait3A_595, %dma_wait3A_596] : memref<4x800x32xf32, #tpu.memory_space<vmem>> -> memref<1x800x32xf32, #tpu.memory_space<vmem>>
    %dma_wait3A_598 = tpu.memref_squeeze %dma_wait3A_597 : memref<1x800x32xf32, #tpu.memory_space<vmem>> -> memref<800x32xf32, #tpu.memory_space<vmem>>
    %dma_wait3A_599 = arith.constant 9600 : i32
    %dma_wait3A_600 = tpu.memref_slice %arg5[%dma_wait3A_599] : memref<25600xi32, #tpu.memory_space<vmem>> -> memref<800xi32, #tpu.memory_space<vmem>>
    %dma_wait3A_601 = arith.constant 0 : i32
    %dma_wait3A_602 = arith.constant 0 : i32
    %dma_wait3A_603 = tpu.memref_slice %arg3[%dma_wait3A_601, %dma_wait3A_602] : memref<1000000x32xf32, #tpu.memory_space<hbm>> -> memref<1000000x32xf32, #tpu.memory_space<hbm>>
    tpu.wait_indirect_dma semaphore(%arg7 : memref<!tpu.dma_semaphore, #tpu.memory_space<semaphore_mem>>) src(%dma_wait3A_603 : memref<1000000x32xf32, #tpu.memory_space<hbm>>) dst(%dma_wait3A_598 : memref<800x32xf32, #tpu.memory_space<vmem>>)
    %add3A_604 = arith.constant 9600 : i32
    %add3A_605 = arith.addi %mul3A_2, %add3A_604 : i32
    %dma_start3A_606 = arith.constant 0 : i32
    %dma_start3A_607 = arith.constant 0 : i32
    %dma_start3A_608 = arith.constant 0 : i32
    %dma_start3A_609 = tpu.memref_slice %arg6[%dma_start3A_606, %dma_start3A_607, %dma_start3A_608] : memref<4x800x32xf32, #tpu.memory_space<vmem>> -> memref<1x800x32xf32, #tpu.memory_space<vmem>>
    %dma_start3A_610 = tpu.memref_squeeze %dma_start3A_609 : memref<1x800x32xf32, #tpu.memory_space<vmem>> -> memref<800x32xf32, #tpu.memory_space<vmem>>
    %dma_start3A_611 = arith.constant 0 : i32
    %dma_start3A_612 = tpu.memref_slice %arg4[%add3A_605, %dma_start3A_611] : memref<819200x32xf32, #tpu.memory_space<hbm>> -> memref<800x32xf32, #tpu.memory_space<hbm>>
    %dma_start3A_613 = arith.constant 0 : i32
    %dma_start3A_614 = tpu.memref_slice %arg4[%add3A_605, %dma_start3A_613] : memref<819200x32xf32, #tpu.memory_space<hbm>> -> memref<800x32xf32, #tpu.memory_space<hbm>>
    %dma_start3A_615 = arith.constant 0 : i32
    %dma_start3A_616 = arith.constant 0 : i32
    %dma_start3A_617 = tpu.memref_slice %arg6[%dma_start3A_606, %dma_start3A_615, %dma_start3A_616] : memref<4x800x32xf32, #tpu.memory_space<vmem>> -> memref<1x800x32xf32, #tpu.memory_space<vmem>>
    %dma_start3A_618 = tpu.memref_squeeze %dma_start3A_617 : memref<1x800x32xf32, #tpu.memory_space<vmem>> -> memref<800x32xf32, #tpu.memory_space<vmem>>
    tpu.enqueue_dma source(%dma_start3A_618 : memref<800x32xf32, #tpu.memory_space<vmem>>) target(%dma_start3A_614 : memref<800x32xf32, #tpu.memory_space<hbm>>) target_semaphore(%arg11 : memref<!tpu.dma_semaphore, #tpu.memory_space<semaphore_mem>>)
    %dma_wait3A_619 = arith.constant 3 : i32
    %dma_wait3A_620 = arith.constant 0 : i32
    %dma_wait3A_621 = arith.constant 0 : i32
    %dma_wait3A_622 = tpu.memref_slice %arg6[%dma_wait3A_619, %dma_wait3A_620, %dma_wait3A_621] : memref<4x800x32xf32, #tpu.memory_space<vmem>> -> memref<1x800x32xf32, #tpu.memory_space<vmem>>
    %dma_wait3A_623 = tpu.memref_squeeze %dma_wait3A_622 : memref<1x800x32xf32, #tpu.memory_space<vmem>> -> memref<800x32xf32, #tpu.memory_space<vmem>>
    %dma_wait3A_624 = arith.constant 0 : i32
    %dma_wait3A_625 = tpu.memref_slice %arg4[%add3A_557, %dma_wait3A_624] : memref<819200x32xf32, #tpu.memory_space<hbm>> -> memref<800x32xf32, #tpu.memory_space<hbm>>
    %dma_wait3A_626 = arith.constant 0 : i32
    %dma_wait3A_627 = tpu.memref_slice %arg4[%add3A_557, %dma_wait3A_626] : memref<819200x32xf32, #tpu.memory_space<hbm>> -> memref<800x32xf32, #tpu.memory_space<hbm>>
    %dma_wait3A_628 = arith.constant 0 : i32
    %dma_wait3A_629 = arith.constant 0 : i32
    %dma_wait3A_630 = tpu.memref_slice %arg6[%dma_wait3A_619, %dma_wait3A_628, %dma_wait3A_629] : memref<4x800x32xf32, #tpu.memory_space<vmem>> -> memref<1x800x32xf32, #tpu.memory_space<vmem>>
    %dma_wait3A_631 = tpu.memref_squeeze %dma_wait3A_630 : memref<1x800x32xf32, #tpu.memory_space<vmem>> -> memref<800x32xf32, #tpu.memory_space<vmem>>
    tpu.wait_dma2 semaphore(%arg14 : memref<!tpu.dma_semaphore, #tpu.memory_space<semaphore_mem>>) src(%dma_wait3A_631 : memref<800x32xf32, #tpu.memory_space<vmem>>) dst(%dma_wait3A_627 : memref<800x32xf32, #tpu.memory_space<hbm>>)
    %dma_start3A_632 = arith.constant 3 : i32
    %dma_start3A_633 = arith.constant 0 : i32
    %dma_start3A_634 = arith.constant 0 : i32
    %dma_start3A_635 = tpu.memref_slice %arg6[%dma_start3A_632, %dma_start3A_633, %dma_start3A_634] : memref<4x800x32xf32, #tpu.memory_space<vmem>> -> memref<1x800x32xf32, #tpu.memory_space<vmem>>
    %dma_start3A_636 = tpu.memref_squeeze %dma_start3A_635 : memref<1x800x32xf32, #tpu.memory_space<vmem>> -> memref<800x32xf32, #tpu.memory_space<vmem>>
    %dma_start3A_637 = arith.constant 12000 : i32
    %dma_start3A_638 = tpu.memref_slice %arg5[%dma_start3A_637] : memref<25600xi32, #tpu.memory_space<vmem>> -> memref<800xi32, #tpu.memory_space<vmem>>
    %dma_start3A_639 = arith.constant 0 : i32
    %dma_start3A_640 = arith.constant 0 : i32
    %dma_start3A_641 = tpu.memref_slice %arg3[%dma_start3A_639, %dma_start3A_640] : memref<1000000x32xf32, #tpu.memory_space<hbm>> -> memref<1000000x32xf32, #tpu.memory_space<hbm>>
    tpu.enqueue_indirect_dma source(%dma_start3A_641 : memref<1000000x32xf32, #tpu.memory_space<hbm>>) target(%dma_start3A_636 : memref<800x32xf32, #tpu.memory_space<vmem>>) offsets(%dma_start3A_638 : memref<800xi32, #tpu.memory_space<vmem>>) semaphore(%arg10 : memref<!tpu.dma_semaphore, #tpu.memory_space<semaphore_mem>>)
    %dma_wait3A_642 = arith.constant 1 : i32
    %dma_wait3A_643 = arith.constant 0 : i32
    %dma_wait3A_644 = arith.constant 0 : i32
    %dma_wait3A_645 = tpu.memref_slice %arg6[%dma_wait3A_642, %dma_wait3A_643, %dma_wait3A_644] : memref<4x800x32xf32, #tpu.memory_space<vmem>> -> memref<1x800x32xf32, #tpu.memory_space<vmem>>
    %dma_wait3A_646 = tpu.memref_squeeze %dma_wait3A_645 : memref<1x800x32xf32, #tpu.memory_space<vmem>> -> memref<800x32xf32, #tpu.memory_space<vmem>>
    %dma_wait3A_647 = arith.constant 10400 : i32
    %dma_wait3A_648 = tpu.memref_slice %arg5[%dma_wait3A_647] : memref<25600xi32, #tpu.memory_space<vmem>> -> memref<800xi32, #tpu.memory_space<vmem>>
    %dma_wait3A_649 = arith.constant 0 : i32
    %dma_wait3A_650 = arith.constant 0 : i32
    %dma_wait3A_651 = tpu.memref_slice %arg3[%dma_wait3A_649, %dma_wait3A_650] : memref<1000000x32xf32, #tpu.memory_space<hbm>> -> memref<1000000x32xf32, #tpu.memory_space<hbm>>
    tpu.wait_indirect_dma semaphore(%arg8 : memref<!tpu.dma_semaphore, #tpu.memory_space<semaphore_mem>>) src(%dma_wait3A_651 : memref<1000000x32xf32, #tpu.memory_space<hbm>>) dst(%dma_wait3A_646 : memref<800x32xf32, #tpu.memory_space<vmem>>)
    %add3A_652 = arith.constant 10400 : i32
    %add3A_653 = arith.addi %mul3A_2, %add3A_652 : i32
    %dma_start3A_654 = arith.constant 1 : i32
    %dma_start3A_655 = arith.constant 0 : i32
    %dma_start3A_656 = arith.constant 0 : i32
    %dma_start3A_657 = tpu.memref_slice %arg6[%dma_start3A_654, %dma_start3A_655, %dma_start3A_656] : memref<4x800x32xf32, #tpu.memory_space<vmem>> -> memref<1x800x32xf32, #tpu.memory_space<vmem>>
    %dma_start3A_658 = tpu.memref_squeeze %dma_start3A_657 : memref<1x800x32xf32, #tpu.memory_space<vmem>> -> memref<800x32xf32, #tpu.memory_space<vmem>>
    %dma_start3A_659 = arith.constant 0 : i32
    %dma_start3A_660 = tpu.memref_slice %arg4[%add3A_653, %dma_start3A_659] : memref<819200x32xf32, #tpu.memory_space<hbm>> -> memref<800x32xf32, #tpu.memory_space<hbm>>
    %dma_start3A_661 = arith.constant 0 : i32
    %dma_start3A_662 = tpu.memref_slice %arg4[%add3A_653, %dma_start3A_661] : memref<819200x32xf32, #tpu.memory_space<hbm>> -> memref<800x32xf32, #tpu.memory_space<hbm>>
    %dma_start3A_663 = arith.constant 0 : i32
    %dma_start3A_664 = arith.constant 0 : i32
    %dma_start3A_665 = tpu.memref_slice %arg6[%dma_start3A_654, %dma_start3A_663, %dma_start3A_664] : memref<4x800x32xf32, #tpu.memory_space<vmem>> -> memref<1x800x32xf32, #tpu.memory_space<vmem>>
    %dma_start3A_666 = tpu.memref_squeeze %dma_start3A_665 : memref<1x800x32xf32, #tpu.memory_space<vmem>> -> memref<800x32xf32, #tpu.memory_space<vmem>>
    tpu.enqueue_dma source(%dma_start3A_666 : memref<800x32xf32, #tpu.memory_space<vmem>>) target(%dma_start3A_662 : memref<800x32xf32, #tpu.memory_space<hbm>>) target_semaphore(%arg12 : memref<!tpu.dma_semaphore, #tpu.memory_space<semaphore_mem>>)
    %dma_wait3A_667 = arith.constant 0 : i32
    %dma_wait3A_668 = arith.constant 0 : i32
    %dma_wait3A_669 = arith.constant 0 : i32
    %dma_wait3A_670 = tpu.memref_slice %arg6[%dma_wait3A_667, %dma_wait3A_668, %dma_wait3A_669] : memref<4x800x32xf32, #tpu.memory_space<vmem>> -> memref<1x800x32xf32, #tpu.memory_space<vmem>>
    %dma_wait3A_671 = tpu.memref_squeeze %dma_wait3A_670 : memref<1x800x32xf32, #tpu.memory_space<vmem>> -> memref<800x32xf32, #tpu.memory_space<vmem>>
    %dma_wait3A_672 = arith.constant 0 : i32
    %dma_wait3A_673 = tpu.memref_slice %arg4[%add3A_605, %dma_wait3A_672] : memref<819200x32xf32, #tpu.memory_space<hbm>> -> memref<800x32xf32, #tpu.memory_space<hbm>>
    %dma_wait3A_674 = arith.constant 0 : i32
    %dma_wait3A_675 = tpu.memref_slice %arg4[%add3A_605, %dma_wait3A_674] : memref<819200x32xf32, #tpu.memory_space<hbm>> -> memref<800x32xf32, #tpu.memory_space<hbm>>
    %dma_wait3A_676 = arith.constant 0 : i32
    %dma_wait3A_677 = arith.constant 0 : i32
    %dma_wait3A_678 = tpu.memref_slice %arg6[%dma_wait3A_667, %dma_wait3A_676, %dma_wait3A_677] : memref<4x800x32xf32, #tpu.memory_space<vmem>> -> memref<1x800x32xf32, #tpu.memory_space<vmem>>
    %dma_wait3A_679 = tpu.memref_squeeze %dma_wait3A_678 : memref<1x800x32xf32, #tpu.memory_space<vmem>> -> memref<800x32xf32, #tpu.memory_space<vmem>>
    tpu.wait_dma2 semaphore(%arg11 : memref<!tpu.dma_semaphore, #tpu.memory_space<semaphore_mem>>) src(%dma_wait3A_679 : memref<800x32xf32, #tpu.memory_space<vmem>>) dst(%dma_wait3A_675 : memref<800x32xf32, #tpu.memory_space<hbm>>)
    %dma_start3A_680 = arith.constant 0 : i32
    %dma_start3A_681 = arith.constant 0 : i32
    %dma_start3A_682 = arith.constant 0 : i32
    %dma_start3A_683 = tpu.memref_slice %arg6[%dma_start3A_680, %dma_start3A_681, %dma_start3A_682] : memref<4x800x32xf32, #tpu.memory_space<vmem>> -> memref<1x800x32xf32, #tpu.memory_space<vmem>>
    %dma_start3A_684 = tpu.memref_squeeze %dma_start3A_683 : memref<1x800x32xf32, #tpu.memory_space<vmem>> -> memref<800x32xf32, #tpu.memory_space<vmem>>
    %dma_start3A_685 = arith.constant 12800 : i32
    %dma_start3A_686 = tpu.memref_slice %arg5[%dma_start3A_685] : memref<25600xi32, #tpu.memory_space<vmem>> -> memref<800xi32, #tpu.memory_space<vmem>>
    %dma_start3A_687 = arith.constant 0 : i32
    %dma_start3A_688 = arith.constant 0 : i32
    %dma_start3A_689 = tpu.memref_slice %arg3[%dma_start3A_687, %dma_start3A_688] : memref<1000000x32xf32, #tpu.memory_space<hbm>> -> memref<1000000x32xf32, #tpu.memory_space<hbm>>
    tpu.enqueue_indirect_dma source(%dma_start3A_689 : memref<1000000x32xf32, #tpu.memory_space<hbm>>) target(%dma_start3A_684 : memref<800x32xf32, #tpu.memory_space<vmem>>) offsets(%dma_start3A_686 : memref<800xi32, #tpu.memory_space<vmem>>) semaphore(%arg7 : memref<!tpu.dma_semaphore, #tpu.memory_space<semaphore_mem>>)
    %dma_wait3A_690 = arith.constant 2 : i32
    %dma_wait3A_691 = arith.constant 0 : i32
    %dma_wait3A_692 = arith.constant 0 : i32
    %dma_wait3A_693 = tpu.memref_slice %arg6[%dma_wait3A_690, %dma_wait3A_691, %dma_wait3A_692] : memref<4x800x32xf32, #tpu.memory_space<vmem>> -> memref<1x800x32xf32, #tpu.memory_space<vmem>>
    %dma_wait3A_694 = tpu.memref_squeeze %dma_wait3A_693 : memref<1x800x32xf32, #tpu.memory_space<vmem>> -> memref<800x32xf32, #tpu.memory_space<vmem>>
    %dma_wait3A_695 = arith.constant 11200 : i32
    %dma_wait3A_696 = tpu.memref_slice %arg5[%dma_wait3A_695] : memref<25600xi32, #tpu.memory_space<vmem>> -> memref<800xi32, #tpu.memory_space<vmem>>
    %dma_wait3A_697 = arith.constant 0 : i32
    %dma_wait3A_698 = arith.constant 0 : i32
    %dma_wait3A_699 = tpu.memref_slice %arg3[%dma_wait3A_697, %dma_wait3A_698] : memref<1000000x32xf32, #tpu.memory_space<hbm>> -> memref<1000000x32xf32, #tpu.memory_space<hbm>>
    tpu.wait_indirect_dma semaphore(%arg9 : memref<!tpu.dma_semaphore, #tpu.memory_space<semaphore_mem>>) src(%dma_wait3A_699 : memref<1000000x32xf32, #tpu.memory_space<hbm>>) dst(%dma_wait3A_694 : memref<800x32xf32, #tpu.memory_space<vmem>>)
    %add3A_700 = arith.constant 11200 : i32
    %add3A_701 = arith.addi %mul3A_2, %add3A_700 : i32
    %dma_start3A_702 = arith.constant 2 : i32
    %dma_start3A_703 = arith.constant 0 : i32
    %dma_start3A_704 = arith.constant 0 : i32
    %dma_start3A_705 = tpu.memref_slice %arg6[%dma_start3A_702, %dma_start3A_703, %dma_start3A_704] : memref<4x800x32xf32, #tpu.memory_space<vmem>> -> memref<1x800x32xf32, #tpu.memory_space<vmem>>
    %dma_start3A_706 = tpu.memref_squeeze %dma_start3A_705 : memref<1x800x32xf32, #tpu.memory_space<vmem>> -> memref<800x32xf32, #tpu.memory_space<vmem>>
    %dma_start3A_707 = arith.constant 0 : i32
    %dma_start3A_708 = tpu.memref_slice %arg4[%add3A_701, %dma_start3A_707] : memref<819200x32xf32, #tpu.memory_space<hbm>> -> memref<800x32xf32, #tpu.memory_space<hbm>>
    %dma_start3A_709 = arith.constant 0 : i32
    %dma_start3A_710 = tpu.memref_slice %arg4[%add3A_701, %dma_start3A_709] : memref<819200x32xf32, #tpu.memory_space<hbm>> -> memref<800x32xf32, #tpu.memory_space<hbm>>
    %dma_start3A_711 = arith.constant 0 : i32
    %dma_start3A_712 = arith.constant 0 : i32
    %dma_start3A_713 = tpu.memref_slice %arg6[%dma_start3A_702, %dma_start3A_711, %dma_start3A_712] : memref<4x800x32xf32, #tpu.memory_space<vmem>> -> memref<1x800x32xf32, #tpu.memory_space<vmem>>
    %dma_start3A_714 = tpu.memref_squeeze %dma_start3A_713 : memref<1x800x32xf32, #tpu.memory_space<vmem>> -> memref<800x32xf32, #tpu.memory_space<vmem>>
    tpu.enqueue_dma source(%dma_start3A_714 : memref<800x32xf32, #tpu.memory_space<vmem>>) target(%dma_start3A_710 : memref<800x32xf32, #tpu.memory_space<hbm>>) target_semaphore(%arg13 : memref<!tpu.dma_semaphore, #tpu.memory_space<semaphore_mem>>)
    %dma_wait3A_715 = arith.constant 1 : i32
    %dma_wait3A_716 = arith.constant 0 : i32
    %dma_wait3A_717 = arith.constant 0 : i32
    %dma_wait3A_718 = tpu.memref_slice %arg6[%dma_wait3A_715, %dma_wait3A_716, %dma_wait3A_717] : memref<4x800x32xf32, #tpu.memory_space<vmem>> -> memref<1x800x32xf32, #tpu.memory_space<vmem>>
    %dma_wait3A_719 = tpu.memref_squeeze %dma_wait3A_718 : memref<1x800x32xf32, #tpu.memory_space<vmem>> -> memref<800x32xf32, #tpu.memory_space<vmem>>
    %dma_wait3A_720 = arith.constant 0 : i32
    %dma_wait3A_721 = tpu.memref_slice %arg4[%add3A_653, %dma_wait3A_720] : memref<819200x32xf32, #tpu.memory_space<hbm>> -> memref<800x32xf32, #tpu.memory_space<hbm>>
    %dma_wait3A_722 = arith.constant 0 : i32
    %dma_wait3A_723 = tpu.memref_slice %arg4[%add3A_653, %dma_wait3A_722] : memref<819200x32xf32, #tpu.memory_space<hbm>> -> memref<800x32xf32, #tpu.memory_space<hbm>>
    %dma_wait3A_724 = arith.constant 0 : i32
    %dma_wait3A_725 = arith.constant 0 : i32
    %dma_wait3A_726 = tpu.memref_slice %arg6[%dma_wait3A_715, %dma_wait3A_724, %dma_wait3A_725] : memref<4x800x32xf32, #tpu.memory_space<vmem>> -> memref<1x800x32xf32, #tpu.memory_space<vmem>>
    %dma_wait3A_727 = tpu.memref_squeeze %dma_wait3A_726 : memref<1x800x32xf32, #tpu.memory_space<vmem>> -> memref<800x32xf32, #tpu.memory_space<vmem>>
    tpu.wait_dma2 semaphore(%arg12 : memref<!tpu.dma_semaphore, #tpu.memory_space<semaphore_mem>>) src(%dma_wait3A_727 : memref<800x32xf32, #tpu.memory_space<vmem>>) dst(%dma_wait3A_723 : memref<800x32xf32, #tpu.memory_space<hbm>>)
    %dma_start3A_728 = arith.constant 1 : i32
    %dma_start3A_729 = arith.constant 0 : i32
    %dma_start3A_730 = arith.constant 0 : i32
    %dma_start3A_731 = tpu.memref_slice %arg6[%dma_start3A_728, %dma_start3A_729, %dma_start3A_730] : memref<4x800x32xf32, #tpu.memory_space<vmem>> -> memref<1x800x32xf32, #tpu.memory_space<vmem>>
    %dma_start3A_732 = tpu.memref_squeeze %dma_start3A_731 : memref<1x800x32xf32, #tpu.memory_space<vmem>> -> memref<800x32xf32, #tpu.memory_space<vmem>>
    %dma_start3A_733 = arith.constant 13600 : i32
    %dma_start3A_734 = tpu.memref_slice %arg5[%dma_start3A_733] : memref<25600xi32, #tpu.memory_space<vmem>> -> memref<800xi32, #tpu.memory_space<vmem>>
    %dma_start3A_735 = arith.constant 0 : i32
    %dma_start3A_736 = arith.constant 0 : i32
    %dma_start3A_737 = tpu.memref_slice %arg3[%dma_start3A_735, %dma_start3A_736] : memref<1000000x32xf32, #tpu.memory_space<hbm>> -> memref<1000000x32xf32, #tpu.memory_space<hbm>>
    tpu.enqueue_indirect_dma source(%dma_start3A_737 : memref<1000000x32xf32, #tpu.memory_space<hbm>>) target(%dma_start3A_732 : memref<800x32xf32, #tpu.memory_space<vmem>>) offsets(%dma_start3A_734 : memref<800xi32, #tpu.memory_space<vmem>>) semaphore(%arg8 : memref<!tpu.dma_semaphore, #tpu.memory_space<semaphore_mem>>)
    %dma_wait3A_738 = arith.constant 3 : i32
    %dma_wait3A_739 = arith.constant 0 : i32
    %dma_wait3A_740 = arith.constant 0 : i32
    %dma_wait3A_741 = tpu.memref_slice %arg6[%dma_wait3A_738, %dma_wait3A_739, %dma_wait3A_740] : memref<4x800x32xf32, #tpu.memory_space<vmem>> -> memref<1x800x32xf32, #tpu.memory_space<vmem>>
    %dma_wait3A_742 = tpu.memref_squeeze %dma_wait3A_741 : memref<1x800x32xf32, #tpu.memory_space<vmem>> -> memref<800x32xf32, #tpu.memory_space<vmem>>
    %dma_wait3A_743 = arith.constant 12000 : i32
    %dma_wait3A_744 = tpu.memref_slice %arg5[%dma_wait3A_743] : memref<25600xi32, #tpu.memory_space<vmem>> -> memref<800xi32, #tpu.memory_space<vmem>>
    %dma_wait3A_745 = arith.constant 0 : i32
    %dma_wait3A_746 = arith.constant 0 : i32
    %dma_wait3A_747 = tpu.memref_slice %arg3[%dma_wait3A_745, %dma_wait3A_746] : memref<1000000x32xf32, #tpu.memory_space<hbm>> -> memref<1000000x32xf32, #tpu.memory_space<hbm>>
    tpu.wait_indirect_dma semaphore(%arg10 : memref<!tpu.dma_semaphore, #tpu.memory_space<semaphore_mem>>) src(%dma_wait3A_747 : memref<1000000x32xf32, #tpu.memory_space<hbm>>) dst(%dma_wait3A_742 : memref<800x32xf32, #tpu.memory_space<vmem>>)
    %add3A_748 = arith.constant 12000 : i32
    %add3A_749 = arith.addi %mul3A_2, %add3A_748 : i32
    %dma_start3A_750 = arith.constant 3 : i32
    %dma_start3A_751 = arith.constant 0 : i32
    %dma_start3A_752 = arith.constant 0 : i32
    %dma_start3A_753 = tpu.memref_slice %arg6[%dma_start3A_750, %dma_start3A_751, %dma_start3A_752] : memref<4x800x32xf32, #tpu.memory_space<vmem>> -> memref<1x800x32xf32, #tpu.memory_space<vmem>>
    %dma_start3A_754 = tpu.memref_squeeze %dma_start3A_753 : memref<1x800x32xf32, #tpu.memory_space<vmem>> -> memref<800x32xf32, #tpu.memory_space<vmem>>
    %dma_start3A_755 = arith.constant 0 : i32
    %dma_start3A_756 = tpu.memref_slice %arg4[%add3A_749, %dma_start3A_755] : memref<819200x32xf32, #tpu.memory_space<hbm>> -> memref<800x32xf32, #tpu.memory_space<hbm>>
    %dma_start3A_757 = arith.constant 0 : i32
    %dma_start3A_758 = tpu.memref_slice %arg4[%add3A_749, %dma_start3A_757] : memref<819200x32xf32, #tpu.memory_space<hbm>> -> memref<800x32xf32, #tpu.memory_space<hbm>>
    %dma_start3A_759 = arith.constant 0 : i32
    %dma_start3A_760 = arith.constant 0 : i32
    %dma_start3A_761 = tpu.memref_slice %arg6[%dma_start3A_750, %dma_start3A_759, %dma_start3A_760] : memref<4x800x32xf32, #tpu.memory_space<vmem>> -> memref<1x800x32xf32, #tpu.memory_space<vmem>>
    %dma_start3A_762 = tpu.memref_squeeze %dma_start3A_761 : memref<1x800x32xf32, #tpu.memory_space<vmem>> -> memref<800x32xf32, #tpu.memory_space<vmem>>
    tpu.enqueue_dma source(%dma_start3A_762 : memref<800x32xf32, #tpu.memory_space<vmem>>) target(%dma_start3A_758 : memref<800x32xf32, #tpu.memory_space<hbm>>) target_semaphore(%arg14 : memref<!tpu.dma_semaphore, #tpu.memory_space<semaphore_mem>>)
    %dma_wait3A_763 = arith.constant 2 : i32
    %dma_wait3A_764 = arith.constant 0 : i32
    %dma_wait3A_765 = arith.constant 0 : i32
    %dma_wait3A_766 = tpu.memref_slice %arg6[%dma_wait3A_763, %dma_wait3A_764, %dma_wait3A_765] : memref<4x800x32xf32, #tpu.memory_space<vmem>> -> memref<1x800x32xf32, #tpu.memory_space<vmem>>
    %dma_wait3A_767 = tpu.memref_squeeze %dma_wait3A_766 : memref<1x800x32xf32, #tpu.memory_space<vmem>> -> memref<800x32xf32, #tpu.memory_space<vmem>>
    %dma_wait3A_768 = arith.constant 0 : i32
    %dma_wait3A_769 = tpu.memref_slice %arg4[%add3A_701, %dma_wait3A_768] : memref<819200x32xf32, #tpu.memory_space<hbm>> -> memref<800x32xf32, #tpu.memory_space<hbm>>
    %dma_wait3A_770 = arith.constant 0 : i32
    %dma_wait3A_771 = tpu.memref_slice %arg4[%add3A_701, %dma_wait3A_770] : memref<819200x32xf32, #tpu.memory_space<hbm>> -> memref<800x32xf32, #tpu.memory_space<hbm>>
    %dma_wait3A_772 = arith.constant 0 : i32
    %dma_wait3A_773 = arith.constant 0 : i32
    %dma_wait3A_774 = tpu.memref_slice %arg6[%dma_wait3A_763, %dma_wait3A_772, %dma_wait3A_773] : memref<4x800x32xf32, #tpu.memory_space<vmem>> -> memref<1x800x32xf32, #tpu.memory_space<vmem>>
    %dma_wait3A_775 = tpu.memref_squeeze %dma_wait3A_774 : memref<1x800x32xf32, #tpu.memory_space<vmem>> -> memref<800x32xf32, #tpu.memory_space<vmem>>
    tpu.wait_dma2 semaphore(%arg13 : memref<!tpu.dma_semaphore, #tpu.memory_space<semaphore_mem>>) src(%dma_wait3A_775 : memref<800x32xf32, #tpu.memory_space<vmem>>) dst(%dma_wait3A_771 : memref<800x32xf32, #tpu.memory_space<hbm>>)
    %dma_start3A_776 = arith.constant 2 : i32
    %dma_start3A_777 = arith.constant 0 : i32
    %dma_start3A_778 = arith.constant 0 : i32
    %dma_start3A_779 = tpu.memref_slice %arg6[%dma_start3A_776, %dma_start3A_777, %dma_start3A_778] : memref<4x800x32xf32, #tpu.memory_space<vmem>> -> memref<1x800x32xf32, #tpu.memory_space<vmem>>
    %dma_start3A_780 = tpu.memref_squeeze %dma_start3A_779 : memref<1x800x32xf32, #tpu.memory_space<vmem>> -> memref<800x32xf32, #tpu.memory_space<vmem>>
    %dma_start3A_781 = arith.constant 14400 : i32
    %dma_start3A_782 = tpu.memref_slice %arg5[%dma_start3A_781] : memref<25600xi32, #tpu.memory_space<vmem>> -> memref<800xi32, #tpu.memory_space<vmem>>
    %dma_start3A_783 = arith.constant 0 : i32
    %dma_start3A_784 = arith.constant 0 : i32
    %dma_start3A_785 = tpu.memref_slice %arg3[%dma_start3A_783, %dma_start3A_784] : memref<1000000x32xf32, #tpu.memory_space<hbm>> -> memref<1000000x32xf32, #tpu.memory_space<hbm>>
    tpu.enqueue_indirect_dma source(%dma_start3A_785 : memref<1000000x32xf32, #tpu.memory_space<hbm>>) target(%dma_start3A_780 : memref<800x32xf32, #tpu.memory_space<vmem>>) offsets(%dma_start3A_782 : memref<800xi32, #tpu.memory_space<vmem>>) semaphore(%arg9 : memref<!tpu.dma_semaphore, #tpu.memory_space<semaphore_mem>>)
    %dma_wait3A_786 = arith.constant 0 : i32
    %dma_wait3A_787 = arith.constant 0 : i32
    %dma_wait3A_788 = arith.constant 0 : i32
    %dma_wait3A_789 = tpu.memref_slice %arg6[%dma_wait3A_786, %dma_wait3A_787, %dma_wait3A_788] : memref<4x800x32xf32, #tpu.memory_space<vmem>> -> memref<1x800x32xf32, #tpu.memory_space<vmem>>
    %dma_wait3A_790 = tpu.memref_squeeze %dma_wait3A_789 : memref<1x800x32xf32, #tpu.memory_space<vmem>> -> memref<800x32xf32, #tpu.memory_space<vmem>>
    %dma_wait3A_791 = arith.constant 12800 : i32
    %dma_wait3A_792 = tpu.memref_slice %arg5[%dma_wait3A_791] : memref<25600xi32, #tpu.memory_space<vmem>> -> memref<800xi32, #tpu.memory_space<vmem>>
    %dma_wait3A_793 = arith.constant 0 : i32
    %dma_wait3A_794 = arith.constant 0 : i32
    %dma_wait3A_795 = tpu.memref_slice %arg3[%dma_wait3A_793, %dma_wait3A_794] : memref<1000000x32xf32, #tpu.memory_space<hbm>> -> memref<1000000x32xf32, #tpu.memory_space<hbm>>
    tpu.wait_indirect_dma semaphore(%arg7 : memref<!tpu.dma_semaphore, #tpu.memory_space<semaphore_mem>>) src(%dma_wait3A_795 : memref<1000000x32xf32, #tpu.memory_space<hbm>>) dst(%dma_wait3A_790 : memref<800x32xf32, #tpu.memory_space<vmem>>)
    %add3A_796 = arith.constant 12800 : i32
    %add3A_797 = arith.addi %mul3A_2, %add3A_796 : i32
    %dma_start3A_798 = arith.constant 0 : i32
    %dma_start3A_799 = arith.constant 0 : i32
    %dma_start3A_800 = arith.constant 0 : i32
    %dma_start3A_801 = tpu.memref_slice %arg6[%dma_start3A_798, %dma_start3A_799, %dma_start3A_800] : memref<4x800x32xf32, #tpu.memory_space<vmem>> -> memref<1x800x32xf32, #tpu.memory_space<vmem>>
    %dma_start3A_802 = tpu.memref_squeeze %dma_start3A_801 : memref<1x800x32xf32, #tpu.memory_space<vmem>> -> memref<800x32xf32, #tpu.memory_space<vmem>>
    %dma_start3A_803 = arith.constant 0 : i32
    %dma_start3A_804 = tpu.memref_slice %arg4[%add3A_797, %dma_start3A_803] : memref<819200x32xf32, #tpu.memory_space<hbm>> -> memref<800x32xf32, #tpu.memory_space<hbm>>
    %dma_start3A_805 = arith.constant 0 : i32
    %dma_start3A_806 = tpu.memref_slice %arg4[%add3A_797, %dma_start3A_805] : memref<819200x32xf32, #tpu.memory_space<hbm>> -> memref<800x32xf32, #tpu.memory_space<hbm>>
    %dma_start3A_807 = arith.constant 0 : i32
    %dma_start3A_808 = arith.constant 0 : i32
    %dma_start3A_809 = tpu.memref_slice %arg6[%dma_start3A_798, %dma_start3A_807, %dma_start3A_808] : memref<4x800x32xf32, #tpu.memory_space<vmem>> -> memref<1x800x32xf32, #tpu.memory_space<vmem>>
    %dma_start3A_810 = tpu.memref_squeeze %dma_start3A_809 : memref<1x800x32xf32, #tpu.memory_space<vmem>> -> memref<800x32xf32, #tpu.memory_space<vmem>>
    tpu.enqueue_dma source(%dma_start3A_810 : memref<800x32xf32, #tpu.memory_space<vmem>>) target(%dma_start3A_806 : memref<800x32xf32, #tpu.memory_space<hbm>>) target_semaphore(%arg11 : memref<!tpu.dma_semaphore, #tpu.memory_space<semaphore_mem>>)
    %dma_wait3A_811 = arith.constant 3 : i32
    %dma_wait3A_812 = arith.constant 0 : i32
    %dma_wait3A_813 = arith.constant 0 : i32
    %dma_wait3A_814 = tpu.memref_slice %arg6[%dma_wait3A_811, %dma_wait3A_812, %dma_wait3A_813] : memref<4x800x32xf32, #tpu.memory_space<vmem>> -> memref<1x800x32xf32, #tpu.memory_space<vmem>>
    %dma_wait3A_815 = tpu.memref_squeeze %dma_wait3A_814 : memref<1x800x32xf32, #tpu.memory_space<vmem>> -> memref<800x32xf32, #tpu.memory_space<vmem>>
    %dma_wait3A_816 = arith.constant 0 : i32
    %dma_wait3A_817 = tpu.memref_slice %arg4[%add3A_749, %dma_wait3A_816] : memref<819200x32xf32, #tpu.memory_space<hbm>> -> memref<800x32xf32, #tpu.memory_space<hbm>>
    %dma_wait3A_818 = arith.constant 0 : i32
    %dma_wait3A_819 = tpu.memref_slice %arg4[%add3A_749, %dma_wait3A_818] : memref<819200x32xf32, #tpu.memory_space<hbm>> -> memref<800x32xf32, #tpu.memory_space<hbm>>
    %dma_wait3A_820 = arith.constant 0 : i32
    %dma_wait3A_821 = arith.constant 0 : i32
    %dma_wait3A_822 = tpu.memref_slice %arg6[%dma_wait3A_811, %dma_wait3A_820, %dma_wait3A_821] : memref<4x800x32xf32, #tpu.memory_space<vmem>> -> memref<1x800x32xf32, #tpu.memory_space<vmem>>
    %dma_wait3A_823 = tpu.memref_squeeze %dma_wait3A_822 : memref<1x800x32xf32, #tpu.memory_space<vmem>> -> memref<800x32xf32, #tpu.memory_space<vmem>>
    tpu.wait_dma2 semaphore(%arg14 : memref<!tpu.dma_semaphore, #tpu.memory_space<semaphore_mem>>) src(%dma_wait3A_823 : memref<800x32xf32, #tpu.memory_space<vmem>>) dst(%dma_wait3A_819 : memref<800x32xf32, #tpu.memory_space<hbm>>)
    %dma_start3A_824 = arith.constant 3 : i32
    %dma_start3A_825 = arith.constant 0 : i32
    %dma_start3A_826 = arith.constant 0 : i32
    %dma_start3A_827 = tpu.memref_slice %arg6[%dma_start3A_824, %dma_start3A_825, %dma_start3A_826] : memref<4x800x32xf32, #tpu.memory_space<vmem>> -> memref<1x800x32xf32, #tpu.memory_space<vmem>>
    %dma_start3A_828 = tpu.memref_squeeze %dma_start3A_827 : memref<1x800x32xf32, #tpu.memory_space<vmem>> -> memref<800x32xf32, #tpu.memory_space<vmem>>
    %dma_start3A_829 = arith.constant 15200 : i32
    %dma_start3A_830 = tpu.memref_slice %arg5[%dma_start3A_829] : memref<25600xi32, #tpu.memory_space<vmem>> -> memref<800xi32, #tpu.memory_space<vmem>>
    %dma_start3A_831 = arith.constant 0 : i32
    %dma_start3A_832 = arith.constant 0 : i32
    %dma_start3A_833 = tpu.memref_slice %arg3[%dma_start3A_831, %dma_start3A_832] : memref<1000000x32xf32, #tpu.memory_space<hbm>> -> memref<1000000x32xf32, #tpu.memory_space<hbm>>
    tpu.enqueue_indirect_dma source(%dma_start3A_833 : memref<1000000x32xf32, #tpu.memory_space<hbm>>) target(%dma_start3A_828 : memref<800x32xf32, #tpu.memory_space<vmem>>) offsets(%dma_start3A_830 : memref<800xi32, #tpu.memory_space<vmem>>) semaphore(%arg10 : memref<!tpu.dma_semaphore, #tpu.memory_space<semaphore_mem>>)
    %dma_wait3A_834 = arith.constant 1 : i32
    %dma_wait3A_835 = arith.constant 0 : i32
    %dma_wait3A_836 = arith.constant 0 : i32
    %dma_wait3A_837 = tpu.memref_slice %arg6[%dma_wait3A_834, %dma_wait3A_835, %dma_wait3A_836] : memref<4x800x32xf32, #tpu.memory_space<vmem>> -> memref<1x800x32xf32, #tpu.memory_space<vmem>>
    %dma_wait3A_838 = tpu.memref_squeeze %dma_wait3A_837 : memref<1x800x32xf32, #tpu.memory_space<vmem>> -> memref<800x32xf32, #tpu.memory_space<vmem>>
    %dma_wait3A_839 = arith.constant 13600 : i32
    %dma_wait3A_840 = tpu.memref_slice %arg5[%dma_wait3A_839] : memref<25600xi32, #tpu.memory_space<vmem>> -> memref<800xi32, #tpu.memory_space<vmem>>
    %dma_wait3A_841 = arith.constant 0 : i32
    %dma_wait3A_842 = arith.constant 0 : i32
    %dma_wait3A_843 = tpu.memref_slice %arg3[%dma_wait3A_841, %dma_wait3A_842] : memref<1000000x32xf32, #tpu.memory_space<hbm>> -> memref<1000000x32xf32, #tpu.memory_space<hbm>>
    tpu.wait_indirect_dma semaphore(%arg8 : memref<!tpu.dma_semaphore, #tpu.memory_space<semaphore_mem>>) src(%dma_wait3A_843 : memref<1000000x32xf32, #tpu.memory_space<hbm>>) dst(%dma_wait3A_838 : memref<800x32xf32, #tpu.memory_space<vmem>>)
    %add3A_844 = arith.constant 13600 : i32
    %add3A_845 = arith.addi %mul3A_2, %add3A_844 : i32
    %dma_start3A_846 = arith.constant 1 : i32
    %dma_start3A_847 = arith.constant 0 : i32
    %dma_start3A_848 = arith.constant 0 : i32
    %dma_start3A_849 = tpu.memref_slice %arg6[%dma_start3A_846, %dma_start3A_847, %dma_start3A_848] : memref<4x800x32xf32, #tpu.memory_space<vmem>> -> memref<1x800x32xf32, #tpu.memory_space<vmem>>
    %dma_start3A_850 = tpu.memref_squeeze %dma_start3A_849 : memref<1x800x32xf32, #tpu.memory_space<vmem>> -> memref<800x32xf32, #tpu.memory_space<vmem>>
    %dma_start3A_851 = arith.constant 0 : i32
    %dma_start3A_852 = tpu.memref_slice %arg4[%add3A_845, %dma_start3A_851] : memref<819200x32xf32, #tpu.memory_space<hbm>> -> memref<800x32xf32, #tpu.memory_space<hbm>>
    %dma_start3A_853 = arith.constant 0 : i32
    %dma_start3A_854 = tpu.memref_slice %arg4[%add3A_845, %dma_start3A_853] : memref<819200x32xf32, #tpu.memory_space<hbm>> -> memref<800x32xf32, #tpu.memory_space<hbm>>
    %dma_start3A_855 = arith.constant 0 : i32
    %dma_start3A_856 = arith.constant 0 : i32
    %dma_start3A_857 = tpu.memref_slice %arg6[%dma_start3A_846, %dma_start3A_855, %dma_start3A_856] : memref<4x800x32xf32, #tpu.memory_space<vmem>> -> memref<1x800x32xf32, #tpu.memory_space<vmem>>
    %dma_start3A_858 = tpu.memref_squeeze %dma_start3A_857 : memref<1x800x32xf32, #tpu.memory_space<vmem>> -> memref<800x32xf32, #tpu.memory_space<vmem>>
    tpu.enqueue_dma source(%dma_start3A_858 : memref<800x32xf32, #tpu.memory_space<vmem>>) target(%dma_start3A_854 : memref<800x32xf32, #tpu.memory_space<hbm>>) target_semaphore(%arg12 : memref<!tpu.dma_semaphore, #tpu.memory_space<semaphore_mem>>)
    %dma_wait3A_859 = arith.constant 0 : i32
    %dma_wait3A_860 = arith.constant 0 : i32
    %dma_wait3A_861 = arith.constant 0 : i32
    %dma_wait3A_862 = tpu.memref_slice %arg6[%dma_wait3A_859, %dma_wait3A_860, %dma_wait3A_861] : memref<4x800x32xf32, #tpu.memory_space<vmem>> -> memref<1x800x32xf32, #tpu.memory_space<vmem>>
    %dma_wait3A_863 = tpu.memref_squeeze %dma_wait3A_862 : memref<1x800x32xf32, #tpu.memory_space<vmem>> -> memref<800x32xf32, #tpu.memory_space<vmem>>
    %dma_wait3A_864 = arith.constant 0 : i32
    %dma_wait3A_865 = tpu.memref_slice %arg4[%add3A_797, %dma_wait3A_864] : memref<819200x32xf32, #tpu.memory_space<hbm>> -> memref<800x32xf32, #tpu.memory_space<hbm>>
    %dma_wait3A_866 = arith.constant 0 : i32
    %dma_wait3A_867 = tpu.memref_slice %arg4[%add3A_797, %dma_wait3A_866] : memref<819200x32xf32, #tpu.memory_space<hbm>> -> memref<800x32xf32, #tpu.memory_space<hbm>>
    %dma_wait3A_868 = arith.constant 0 : i32
    %dma_wait3A_869 = arith.constant 0 : i32
    %dma_wait3A_870 = tpu.memref_slice %arg6[%dma_wait3A_859, %dma_wait3A_868, %dma_wait3A_869] : memref<4x800x32xf32, #tpu.memory_space<vmem>> -> memref<1x800x32xf32, #tpu.memory_space<vmem>>
    %dma_wait3A_871 = tpu.memref_squeeze %dma_wait3A_870 : memref<1x800x32xf32, #tpu.memory_space<vmem>> -> memref<800x32xf32, #tpu.memory_space<vmem>>
    tpu.wait_dma2 semaphore(%arg11 : memref<!tpu.dma_semaphore, #tpu.memory_space<semaphore_mem>>) src(%dma_wait3A_871 : memref<800x32xf32, #tpu.memory_space<vmem>>) dst(%dma_wait3A_867 : memref<800x32xf32, #tpu.memory_space<hbm>>)
    %dma_start3A_872 = arith.constant 0 : i32
    %dma_start3A_873 = arith.constant 0 : i32
    %dma_start3A_874 = arith.constant 0 : i32
    %dma_start3A_875 = tpu.memref_slice %arg6[%dma_start3A_872, %dma_start3A_873, %dma_start3A_874] : memref<4x800x32xf32, #tpu.memory_space<vmem>> -> memref<1x800x32xf32, #tpu.memory_space<vmem>>
    %dma_start3A_876 = tpu.memref_squeeze %dma_start3A_875 : memref<1x800x32xf32, #tpu.memory_space<vmem>> -> memref<800x32xf32, #tpu.memory_space<vmem>>
    %dma_start3A_877 = arith.constant 16000 : i32
    %dma_start3A_878 = tpu.memref_slice %arg5[%dma_start3A_877] : memref<25600xi32, #tpu.memory_space<vmem>> -> memref<800xi32, #tpu.memory_space<vmem>>
    %dma_start3A_879 = arith.constant 0 : i32
    %dma_start3A_880 = arith.constant 0 : i32
    %dma_start3A_881 = tpu.memref_slice %arg3[%dma_start3A_879, %dma_start3A_880] : memref<1000000x32xf32, #tpu.memory_space<hbm>> -> memref<1000000x32xf32, #tpu.memory_space<hbm>>
    tpu.enqueue_indirect_dma source(%dma_start3A_881 : memref<1000000x32xf32, #tpu.memory_space<hbm>>) target(%dma_start3A_876 : memref<800x32xf32, #tpu.memory_space<vmem>>) offsets(%dma_start3A_878 : memref<800xi32, #tpu.memory_space<vmem>>) semaphore(%arg7 : memref<!tpu.dma_semaphore, #tpu.memory_space<semaphore_mem>>)
    %dma_wait3A_882 = arith.constant 2 : i32
    %dma_wait3A_883 = arith.constant 0 : i32
    %dma_wait3A_884 = arith.constant 0 : i32
    %dma_wait3A_885 = tpu.memref_slice %arg6[%dma_wait3A_882, %dma_wait3A_883, %dma_wait3A_884] : memref<4x800x32xf32, #tpu.memory_space<vmem>> -> memref<1x800x32xf32, #tpu.memory_space<vmem>>
    %dma_wait3A_886 = tpu.memref_squeeze %dma_wait3A_885 : memref<1x800x32xf32, #tpu.memory_space<vmem>> -> memref<800x32xf32, #tpu.memory_space<vmem>>
    %dma_wait3A_887 = arith.constant 14400 : i32
    %dma_wait3A_888 = tpu.memref_slice %arg5[%dma_wait3A_887] : memref<25600xi32, #tpu.memory_space<vmem>> -> memref<800xi32, #tpu.memory_space<vmem>>
    %dma_wait3A_889 = arith.constant 0 : i32
    %dma_wait3A_890 = arith.constant 0 : i32
    %dma_wait3A_891 = tpu.memref_slice %arg3[%dma_wait3A_889, %dma_wait3A_890] : memref<1000000x32xf32, #tpu.memory_space<hbm>> -> memref<1000000x32xf32, #tpu.memory_space<hbm>>
    tpu.wait_indirect_dma semaphore(%arg9 : memref<!tpu.dma_semaphore, #tpu.memory_space<semaphore_mem>>) src(%dma_wait3A_891 : memref<1000000x32xf32, #tpu.memory_space<hbm>>) dst(%dma_wait3A_886 : memref<800x32xf32, #tpu.memory_space<vmem>>)
    %add3A_892 = arith.constant 14400 : i32
    %add3A_893 = arith.addi %mul3A_2, %add3A_892 : i32
    %dma_start3A_894 = arith.constant 2 : i32
    %dma_start3A_895 = arith.constant 0 : i32
    %dma_start3A_896 = arith.constant 0 : i32
    %dma_start3A_897 = tpu.memref_slice %arg6[%dma_start3A_894, %dma_start3A_895, %dma_start3A_896] : memref<4x800x32xf32, #tpu.memory_space<vmem>> -> memref<1x800x32xf32, #tpu.memory_space<vmem>>
    %dma_start3A_898 = tpu.memref_squeeze %dma_start3A_897 : memref<1x800x32xf32, #tpu.memory_space<vmem>> -> memref<800x32xf32, #tpu.memory_space<vmem>>
    %dma_start3A_899 = arith.constant 0 : i32
    %dma_start3A_900 = tpu.memref_slice %arg4[%add3A_893, %dma_start3A_899] : memref<819200x32xf32, #tpu.memory_space<hbm>> -> memref<800x32xf32, #tpu.memory_space<hbm>>
    %dma_start3A_901 = arith.constant 0 : i32
    %dma_start3A_902 = tpu.memref_slice %arg4[%add3A_893, %dma_start3A_901] : memref<819200x32xf32, #tpu.memory_space<hbm>> -> memref<800x32xf32, #tpu.memory_space<hbm>>
    %dma_start3A_903 = arith.constant 0 : i32
    %dma_start3A_904 = arith.constant 0 : i32
    %dma_start3A_905 = tpu.memref_slice %arg6[%dma_start3A_894, %dma_start3A_903, %dma_start3A_904] : memref<4x800x32xf32, #tpu.memory_space<vmem>> -> memref<1x800x32xf32, #tpu.memory_space<vmem>>
    %dma_start3A_906 = tpu.memref_squeeze %dma_start3A_905 : memref<1x800x32xf32, #tpu.memory_space<vmem>> -> memref<800x32xf32, #tpu.memory_space<vmem>>
    tpu.enqueue_dma source(%dma_start3A_906 : memref<800x32xf32, #tpu.memory_space<vmem>>) target(%dma_start3A_902 : memref<800x32xf32, #tpu.memory_space<hbm>>) target_semaphore(%arg13 : memref<!tpu.dma_semaphore, #tpu.memory_space<semaphore_mem>>)
    %dma_wait3A_907 = arith.constant 1 : i32
    %dma_wait3A_908 = arith.constant 0 : i32
    %dma_wait3A_909 = arith.constant 0 : i32
    %dma_wait3A_910 = tpu.memref_slice %arg6[%dma_wait3A_907, %dma_wait3A_908, %dma_wait3A_909] : memref<4x800x32xf32, #tpu.memory_space<vmem>> -> memref<1x800x32xf32, #tpu.memory_space<vmem>>
    %dma_wait3A_911 = tpu.memref_squeeze %dma_wait3A_910 : memref<1x800x32xf32, #tpu.memory_space<vmem>> -> memref<800x32xf32, #tpu.memory_space<vmem>>
    %dma_wait3A_912 = arith.constant 0 : i32
    %dma_wait3A_913 = tpu.memref_slice %arg4[%add3A_845, %dma_wait3A_912] : memref<819200x32xf32, #tpu.memory_space<hbm>> -> memref<800x32xf32, #tpu.memory_space<hbm>>
    %dma_wait3A_914 = arith.constant 0 : i32
    %dma_wait3A_915 = tpu.memref_slice %arg4[%add3A_845, %dma_wait3A_914] : memref<819200x32xf32, #tpu.memory_space<hbm>> -> memref<800x32xf32, #tpu.memory_space<hbm>>
    %dma_wait3A_916 = arith.constant 0 : i32
    %dma_wait3A_917 = arith.constant 0 : i32
    %dma_wait3A_918 = tpu.memref_slice %arg6[%dma_wait3A_907, %dma_wait3A_916, %dma_wait3A_917] : memref<4x800x32xf32, #tpu.memory_space<vmem>> -> memref<1x800x32xf32, #tpu.memory_space<vmem>>
    %dma_wait3A_919 = tpu.memref_squeeze %dma_wait3A_918 : memref<1x800x32xf32, #tpu.memory_space<vmem>> -> memref<800x32xf32, #tpu.memory_space<vmem>>
    tpu.wait_dma2 semaphore(%arg12 : memref<!tpu.dma_semaphore, #tpu.memory_space<semaphore_mem>>) src(%dma_wait3A_919 : memref<800x32xf32, #tpu.memory_space<vmem>>) dst(%dma_wait3A_915 : memref<800x32xf32, #tpu.memory_space<hbm>>)
    %dma_start3A_920 = arith.constant 1 : i32
    %dma_start3A_921 = arith.constant 0 : i32
    %dma_start3A_922 = arith.constant 0 : i32
    %dma_start3A_923 = tpu.memref_slice %arg6[%dma_start3A_920, %dma_start3A_921, %dma_start3A_922] : memref<4x800x32xf32, #tpu.memory_space<vmem>> -> memref<1x800x32xf32, #tpu.memory_space<vmem>>
    %dma_start3A_924 = tpu.memref_squeeze %dma_start3A_923 : memref<1x800x32xf32, #tpu.memory_space<vmem>> -> memref<800x32xf32, #tpu.memory_space<vmem>>
    %dma_start3A_925 = arith.constant 16800 : i32
    %dma_start3A_926 = tpu.memref_slice %arg5[%dma_start3A_925] : memref<25600xi32, #tpu.memory_space<vmem>> -> memref<800xi32, #tpu.memory_space<vmem>>
    %dma_start3A_927 = arith.constant 0 : i32
    %dma_start3A_928 = arith.constant 0 : i32
    %dma_start3A_929 = tpu.memref_slice %arg3[%dma_start3A_927, %dma_start3A_928] : memref<1000000x32xf32, #tpu.memory_space<hbm>> -> memref<1000000x32xf32, #tpu.memory_space<hbm>>
    tpu.enqueue_indirect_dma source(%dma_start3A_929 : memref<1000000x32xf32, #tpu.memory_space<hbm>>) target(%dma_start3A_924 : memref<800x32xf32, #tpu.memory_space<vmem>>) offsets(%dma_start3A_926 : memref<800xi32, #tpu.memory_space<vmem>>) semaphore(%arg8 : memref<!tpu.dma_semaphore, #tpu.memory_space<semaphore_mem>>)
    %dma_wait3A_930 = arith.constant 3 : i32
    %dma_wait3A_931 = arith.constant 0 : i32
    %dma_wait3A_932 = arith.constant 0 : i32
    %dma_wait3A_933 = tpu.memref_slice %arg6[%dma_wait3A_930, %dma_wait3A_931, %dma_wait3A_932] : memref<4x800x32xf32, #tpu.memory_space<vmem>> -> memref<1x800x32xf32, #tpu.memory_space<vmem>>
    %dma_wait3A_934 = tpu.memref_squeeze %dma_wait3A_933 : memref<1x800x32xf32, #tpu.memory_space<vmem>> -> memref<800x32xf32, #tpu.memory_space<vmem>>
    %dma_wait3A_935 = arith.constant 15200 : i32
    %dma_wait3A_936 = tpu.memref_slice %arg5[%dma_wait3A_935] : memref<25600xi32, #tpu.memory_space<vmem>> -> memref<800xi32, #tpu.memory_space<vmem>>
    %dma_wait3A_937 = arith.constant 0 : i32
    %dma_wait3A_938 = arith.constant 0 : i32
    %dma_wait3A_939 = tpu.memref_slice %arg3[%dma_wait3A_937, %dma_wait3A_938] : memref<1000000x32xf32, #tpu.memory_space<hbm>> -> memref<1000000x32xf32, #tpu.memory_space<hbm>>
    tpu.wait_indirect_dma semaphore(%arg10 : memref<!tpu.dma_semaphore, #tpu.memory_space<semaphore_mem>>) src(%dma_wait3A_939 : memref<1000000x32xf32, #tpu.memory_space<hbm>>) dst(%dma_wait3A_934 : memref<800x32xf32, #tpu.memory_space<vmem>>)
    %add3A_940 = arith.constant 15200 : i32
    %add3A_941 = arith.addi %mul3A_2, %add3A_940 : i32
    %dma_start3A_942 = arith.constant 3 : i32
    %dma_start3A_943 = arith.constant 0 : i32
    %dma_start3A_944 = arith.constant 0 : i32
    %dma_start3A_945 = tpu.memref_slice %arg6[%dma_start3A_942, %dma_start3A_943, %dma_start3A_944] : memref<4x800x32xf32, #tpu.memory_space<vmem>> -> memref<1x800x32xf32, #tpu.memory_space<vmem>>
    %dma_start3A_946 = tpu.memref_squeeze %dma_start3A_945 : memref<1x800x32xf32, #tpu.memory_space<vmem>> -> memref<800x32xf32, #tpu.memory_space<vmem>>
    %dma_start3A_947 = arith.constant 0 : i32
    %dma_start3A_948 = tpu.memref_slice %arg4[%add3A_941, %dma_start3A_947] : memref<819200x32xf32, #tpu.memory_space<hbm>> -> memref<800x32xf32, #tpu.memory_space<hbm>>
    %dma_start3A_949 = arith.constant 0 : i32
    %dma_start3A_950 = tpu.memref_slice %arg4[%add3A_941, %dma_start3A_949] : memref<819200x32xf32, #tpu.memory_space<hbm>> -> memref<800x32xf32, #tpu.memory_space<hbm>>
    %dma_start3A_951 = arith.constant 0 : i32
    %dma_start3A_952 = arith.constant 0 : i32
    %dma_start3A_953 = tpu.memref_slice %arg6[%dma_start3A_942, %dma_start3A_951, %dma_start3A_952] : memref<4x800x32xf32, #tpu.memory_space<vmem>> -> memref<1x800x32xf32, #tpu.memory_space<vmem>>
    %dma_start3A_954 = tpu.memref_squeeze %dma_start3A_953 : memref<1x800x32xf32, #tpu.memory_space<vmem>> -> memref<800x32xf32, #tpu.memory_space<vmem>>
    tpu.enqueue_dma source(%dma_start3A_954 : memref<800x32xf32, #tpu.memory_space<vmem>>) target(%dma_start3A_950 : memref<800x32xf32, #tpu.memory_space<hbm>>) target_semaphore(%arg14 : memref<!tpu.dma_semaphore, #tpu.memory_space<semaphore_mem>>)
    %dma_wait3A_955 = arith.constant 2 : i32
    %dma_wait3A_956 = arith.constant 0 : i32
    %dma_wait3A_957 = arith.constant 0 : i32
    %dma_wait3A_958 = tpu.memref_slice %arg6[%dma_wait3A_955, %dma_wait3A_956, %dma_wait3A_957] : memref<4x800x32xf32, #tpu.memory_space<vmem>> -> memref<1x800x32xf32, #tpu.memory_space<vmem>>
    %dma_wait3A_959 = tpu.memref_squeeze %dma_wait3A_958 : memref<1x800x32xf32, #tpu.memory_space<vmem>> -> memref<800x32xf32, #tpu.memory_space<vmem>>
    %dma_wait3A_960 = arith.constant 0 : i32
    %dma_wait3A_961 = tpu.memref_slice %arg4[%add3A_893, %dma_wait3A_960] : memref<819200x32xf32, #tpu.memory_space<hbm>> -> memref<800x32xf32, #tpu.memory_space<hbm>>
    %dma_wait3A_962 = arith.constant 0 : i32
    %dma_wait3A_963 = tpu.memref_slice %arg4[%add3A_893, %dma_wait3A_962] : memref<819200x32xf32, #tpu.memory_space<hbm>> -> memref<800x32xf32, #tpu.memory_space<hbm>>
    %dma_wait3A_964 = arith.constant 0 : i32
    %dma_wait3A_965 = arith.constant 0 : i32
    %dma_wait3A_966 = tpu.memref_slice %arg6[%dma_wait3A_955, %dma_wait3A_964, %dma_wait3A_965] : memref<4x800x32xf32, #tpu.memory_space<vmem>> -> memref<1x800x32xf32, #tpu.memory_space<vmem>>
    %dma_wait3A_967 = tpu.memref_squeeze %dma_wait3A_966 : memref<1x800x32xf32, #tpu.memory_space<vmem>> -> memref<800x32xf32, #tpu.memory_space<vmem>>
    tpu.wait_dma2 semaphore(%arg13 : memref<!tpu.dma_semaphore, #tpu.memory_space<semaphore_mem>>) src(%dma_wait3A_967 : memref<800x32xf32, #tpu.memory_space<vmem>>) dst(%dma_wait3A_963 : memref<800x32xf32, #tpu.memory_space<hbm>>)
    %dma_start3A_968 = arith.constant 2 : i32
    %dma_start3A_969 = arith.constant 0 : i32
    %dma_start3A_970 = arith.constant 0 : i32
    %dma_start3A_971 = tpu.memref_slice %arg6[%dma_start3A_968, %dma_start3A_969, %dma_start3A_970] : memref<4x800x32xf32, #tpu.memory_space<vmem>> -> memref<1x800x32xf32, #tpu.memory_space<vmem>>
    %dma_start3A_972 = tpu.memref_squeeze %dma_start3A_971 : memref<1x800x32xf32, #tpu.memory_space<vmem>> -> memref<800x32xf32, #tpu.memory_space<vmem>>
    %dma_start3A_973 = arith.constant 17600 : i32
    %dma_start3A_974 = tpu.memref_slice %arg5[%dma_start3A_973] : memref<25600xi32, #tpu.memory_space<vmem>> -> memref<800xi32, #tpu.memory_space<vmem>>
    %dma_start3A_975 = arith.constant 0 : i32
    %dma_start3A_976 = arith.constant 0 : i32
    %dma_start3A_977 = tpu.memref_slice %arg3[%dma_start3A_975, %dma_start3A_976] : memref<1000000x32xf32, #tpu.memory_space<hbm>> -> memref<1000000x32xf32, #tpu.memory_space<hbm>>
    tpu.enqueue_indirect_dma source(%dma_start3A_977 : memref<1000000x32xf32, #tpu.memory_space<hbm>>) target(%dma_start3A_972 : memref<800x32xf32, #tpu.memory_space<vmem>>) offsets(%dma_start3A_974 : memref<800xi32, #tpu.memory_space<vmem>>) semaphore(%arg9 : memref<!tpu.dma_semaphore, #tpu.memory_space<semaphore_mem>>)
    %dma_wait3A_978 = arith.constant 0 : i32
    %dma_wait3A_979 = arith.constant 0 : i32
    %dma_wait3A_980 = arith.constant 0 : i32
    %dma_wait3A_981 = tpu.memref_slice %arg6[%dma_wait3A_978, %dma_wait3A_979, %dma_wait3A_980] : memref<4x800x32xf32, #tpu.memory_space<vmem>> -> memref<1x800x32xf32, #tpu.memory_space<vmem>>
    %dma_wait3A_982 = tpu.memref_squeeze %dma_wait3A_981 : memref<1x800x32xf32, #tpu.memory_space<vmem>> -> memref<800x32xf32, #tpu.memory_space<vmem>>
    %dma_wait3A_983 = arith.constant 16000 : i32
    %dma_wait3A_984 = tpu.memref_slice %arg5[%dma_wait3A_983] : memref<25600xi32, #tpu.memory_space<vmem>> -> memref<800xi32, #tpu.memory_space<vmem>>
    %dma_wait3A_985 = arith.constant 0 : i32
    %dma_wait3A_986 = arith.constant 0 : i32
    %dma_wait3A_987 = tpu.memref_slice %arg3[%dma_wait3A_985, %dma_wait3A_986] : memref<1000000x32xf32, #tpu.memory_space<hbm>> -> memref<1000000x32xf32, #tpu.memory_space<hbm>>
    tpu.wait_indirect_dma semaphore(%arg7 : memref<!tpu.dma_semaphore, #tpu.memory_space<semaphore_mem>>) src(%dma_wait3A_987 : memref<1000000x32xf32, #tpu.memory_space<hbm>>) dst(%dma_wait3A_982 : memref<800x32xf32, #tpu.memory_space<vmem>>)
    %add3A_988 = arith.constant 16000 : i32
    %add3A_989 = arith.addi %mul3A_2, %add3A_988 : i32
    %dma_start3A_990 = arith.constant 0 : i32
    %dma_start3A_991 = arith.constant 0 : i32
    %dma_start3A_992 = arith.constant 0 : i32
    %dma_start3A_993 = tpu.memref_slice %arg6[%dma_start3A_990, %dma_start3A_991, %dma_start3A_992] : memref<4x800x32xf32, #tpu.memory_space<vmem>> -> memref<1x800x32xf32, #tpu.memory_space<vmem>>
    %dma_start3A_994 = tpu.memref_squeeze %dma_start3A_993 : memref<1x800x32xf32, #tpu.memory_space<vmem>> -> memref<800x32xf32, #tpu.memory_space<vmem>>
    %dma_start3A_995 = arith.constant 0 : i32
    %dma_start3A_996 = tpu.memref_slice %arg4[%add3A_989, %dma_start3A_995] : memref<819200x32xf32, #tpu.memory_space<hbm>> -> memref<800x32xf32, #tpu.memory_space<hbm>>
    %dma_start3A_997 = arith.constant 0 : i32
    %dma_start3A_998 = tpu.memref_slice %arg4[%add3A_989, %dma_start3A_997] : memref<819200x32xf32, #tpu.memory_space<hbm>> -> memref<800x32xf32, #tpu.memory_space<hbm>>
    %dma_start3A_999 = arith.constant 0 : i32
    %dma_start3A_1000 = arith.constant 0 : i32
    %dma_start3A_1001 = tpu.memref_slice %arg6[%dma_start3A_990, %dma_start3A_999, %dma_start3A_1000] : memref<4x800x32xf32, #tpu.memory_space<vmem>> -> memref<1x800x32xf32, #tpu.memory_space<vmem>>
    %dma_start3A_1002 = tpu.memref_squeeze %dma_start3A_1001 : memref<1x800x32xf32, #tpu.memory_space<vmem>> -> memref<800x32xf32, #tpu.memory_space<vmem>>
    tpu.enqueue_dma source(%dma_start3A_1002 : memref<800x32xf32, #tpu.memory_space<vmem>>) target(%dma_start3A_998 : memref<800x32xf32, #tpu.memory_space<hbm>>) target_semaphore(%arg11 : memref<!tpu.dma_semaphore, #tpu.memory_space<semaphore_mem>>)
    %dma_wait3A_1003 = arith.constant 3 : i32
    %dma_wait3A_1004 = arith.constant 0 : i32
    %dma_wait3A_1005 = arith.constant 0 : i32
    %dma_wait3A_1006 = tpu.memref_slice %arg6[%dma_wait3A_1003, %dma_wait3A_1004, %dma_wait3A_1005] : memref<4x800x32xf32, #tpu.memory_space<vmem>> -> memref<1x800x32xf32, #tpu.memory_space<vmem>>
    %dma_wait3A_1007 = tpu.memref_squeeze %dma_wait3A_1006 : memref<1x800x32xf32, #tpu.memory_space<vmem>> -> memref<800x32xf32, #tpu.memory_space<vmem>>
    %dma_wait3A_1008 = arith.constant 0 : i32
    %dma_wait3A_1009 = tpu.memref_slice %arg4[%add3A_941, %dma_wait3A_1008] : memref<819200x32xf32, #tpu.memory_space<hbm>> -> memref<800x32xf32, #tpu.memory_space<hbm>>
    %dma_wait3A_1010 = arith.constant 0 : i32
    %dma_wait3A_1011 = tpu.memref_slice %arg4[%add3A_941, %dma_wait3A_1010] : memref<819200x32xf32, #tpu.memory_space<hbm>> -> memref<800x32xf32, #tpu.memory_space<hbm>>
    %dma_wait3A_1012 = arith.constant 0 : i32
    %dma_wait3A_1013 = arith.constant 0 : i32
    %dma_wait3A_1014 = tpu.memref_slice %arg6[%dma_wait3A_1003, %dma_wait3A_1012, %dma_wait3A_1013] : memref<4x800x32xf32, #tpu.memory_space<vmem>> -> memref<1x800x32xf32, #tpu.memory_space<vmem>>
    %dma_wait3A_1015 = tpu.memref_squeeze %dma_wait3A_1014 : memref<1x800x32xf32, #tpu.memory_space<vmem>> -> memref<800x32xf32, #tpu.memory_space<vmem>>
    tpu.wait_dma2 semaphore(%arg14 : memref<!tpu.dma_semaphore, #tpu.memory_space<semaphore_mem>>) src(%dma_wait3A_1015 : memref<800x32xf32, #tpu.memory_space<vmem>>) dst(%dma_wait3A_1011 : memref<800x32xf32, #tpu.memory_space<hbm>>)
    %dma_start3A_1016 = arith.constant 3 : i32
    %dma_start3A_1017 = arith.constant 0 : i32
    %dma_start3A_1018 = arith.constant 0 : i32
    %dma_start3A_1019 = tpu.memref_slice %arg6[%dma_start3A_1016, %dma_start3A_1017, %dma_start3A_1018] : memref<4x800x32xf32, #tpu.memory_space<vmem>> -> memref<1x800x32xf32, #tpu.memory_space<vmem>>
    %dma_start3A_1020 = tpu.memref_squeeze %dma_start3A_1019 : memref<1x800x32xf32, #tpu.memory_space<vmem>> -> memref<800x32xf32, #tpu.memory_space<vmem>>
    %dma_start3A_1021 = arith.constant 18400 : i32
    %dma_start3A_1022 = tpu.memref_slice %arg5[%dma_start3A_1021] : memref<25600xi32, #tpu.memory_space<vmem>> -> memref<800xi32, #tpu.memory_space<vmem>>
    %dma_start3A_1023 = arith.constant 0 : i32
    %dma_start3A_1024 = arith.constant 0 : i32
    %dma_start3A_1025 = tpu.memref_slice %arg3[%dma_start3A_1023, %dma_start3A_1024] : memref<1000000x32xf32, #tpu.memory_space<hbm>> -> memref<1000000x32xf32, #tpu.memory_space<hbm>>
    tpu.enqueue_indirect_dma source(%dma_start3A_1025 : memref<1000000x32xf32, #tpu.memory_space<hbm>>) target(%dma_start3A_1020 : memref<800x32xf32, #tpu.memory_space<vmem>>) offsets(%dma_start3A_1022 : memref<800xi32, #tpu.memory_space<vmem>>) semaphore(%arg10 : memref<!tpu.dma_semaphore, #tpu.memory_space<semaphore_mem>>)
    %dma_wait3A_1026 = arith.constant 1 : i32
    %dma_wait3A_1027 = arith.constant 0 : i32
    %dma_wait3A_1028 = arith.constant 0 : i32
    %dma_wait3A_1029 = tpu.memref_slice %arg6[%dma_wait3A_1026, %dma_wait3A_1027, %dma_wait3A_1028] : memref<4x800x32xf32, #tpu.memory_space<vmem>> -> memref<1x800x32xf32, #tpu.memory_space<vmem>>
    %dma_wait3A_1030 = tpu.memref_squeeze %dma_wait3A_1029 : memref<1x800x32xf32, #tpu.memory_space<vmem>> -> memref<800x32xf32, #tpu.memory_space<vmem>>
    %dma_wait3A_1031 = arith.constant 16800 : i32
    %dma_wait3A_1032 = tpu.memref_slice %arg5[%dma_wait3A_1031] : memref<25600xi32, #tpu.memory_space<vmem>> -> memref<800xi32, #tpu.memory_space<vmem>>
    %dma_wait3A_1033 = arith.constant 0 : i32
    %dma_wait3A_1034 = arith.constant 0 : i32
    %dma_wait3A_1035 = tpu.memref_slice %arg3[%dma_wait3A_1033, %dma_wait3A_1034] : memref<1000000x32xf32, #tpu.memory_space<hbm>> -> memref<1000000x32xf32, #tpu.memory_space<hbm>>
    tpu.wait_indirect_dma semaphore(%arg8 : memref<!tpu.dma_semaphore, #tpu.memory_space<semaphore_mem>>) src(%dma_wait3A_1035 : memref<1000000x32xf32, #tpu.memory_space<hbm>>) dst(%dma_wait3A_1030 : memref<800x32xf32, #tpu.memory_space<vmem>>)
    %add3A_1036 = arith.constant 16800 : i32
    %add3A_1037 = arith.addi %mul3A_2, %add3A_1036 : i32
    %dma_start3A_1038 = arith.constant 1 : i32
    %dma_start3A_1039 = arith.constant 0 : i32
    %dma_start3A_1040 = arith.constant 0 : i32
    %dma_start3A_1041 = tpu.memref_slice %arg6[%dma_start3A_1038, %dma_start3A_1039, %dma_start3A_1040] : memref<4x800x32xf32, #tpu.memory_space<vmem>> -> memref<1x800x32xf32, #tpu.memory_space<vmem>>
    %dma_start3A_1042 = tpu.memref_squeeze %dma_start3A_1041 : memref<1x800x32xf32, #tpu.memory_space<vmem>> -> memref<800x32xf32, #tpu.memory_space<vmem>>
    %dma_start3A_1043 = arith.constant 0 : i32
    %dma_start3A_1044 = tpu.memref_slice %arg4[%add3A_1037, %dma_start3A_1043] : memref<819200x32xf32, #tpu.memory_space<hbm>> -> memref<800x32xf32, #tpu.memory_space<hbm>>
    %dma_start3A_1045 = arith.constant 0 : i32
    %dma_start3A_1046 = tpu.memref_slice %arg4[%add3A_1037, %dma_start3A_1045] : memref<819200x32xf32, #tpu.memory_space<hbm>> -> memref<800x32xf32, #tpu.memory_space<hbm>>
    %dma_start3A_1047 = arith.constant 0 : i32
    %dma_start3A_1048 = arith.constant 0 : i32
    %dma_start3A_1049 = tpu.memref_slice %arg6[%dma_start3A_1038, %dma_start3A_1047, %dma_start3A_1048] : memref<4x800x32xf32, #tpu.memory_space<vmem>> -> memref<1x800x32xf32, #tpu.memory_space<vmem>>
    %dma_start3A_1050 = tpu.memref_squeeze %dma_start3A_1049 : memref<1x800x32xf32, #tpu.memory_space<vmem>> -> memref<800x32xf32, #tpu.memory_space<vmem>>
    tpu.enqueue_dma source(%dma_start3A_1050 : memref<800x32xf32, #tpu.memory_space<vmem>>) target(%dma_start3A_1046 : memref<800x32xf32, #tpu.memory_space<hbm>>) target_semaphore(%arg12 : memref<!tpu.dma_semaphore, #tpu.memory_space<semaphore_mem>>)
    %dma_wait3A_1051 = arith.constant 0 : i32
    %dma_wait3A_1052 = arith.constant 0 : i32
    %dma_wait3A_1053 = arith.constant 0 : i32
    %dma_wait3A_1054 = tpu.memref_slice %arg6[%dma_wait3A_1051, %dma_wait3A_1052, %dma_wait3A_1053] : memref<4x800x32xf32, #tpu.memory_space<vmem>> -> memref<1x800x32xf32, #tpu.memory_space<vmem>>
    %dma_wait3A_1055 = tpu.memref_squeeze %dma_wait3A_1054 : memref<1x800x32xf32, #tpu.memory_space<vmem>> -> memref<800x32xf32, #tpu.memory_space<vmem>>
    %dma_wait3A_1056 = arith.constant 0 : i32
    %dma_wait3A_1057 = tpu.memref_slice %arg4[%add3A_989, %dma_wait3A_1056] : memref<819200x32xf32, #tpu.memory_space<hbm>> -> memref<800x32xf32, #tpu.memory_space<hbm>>
    %dma_wait3A_1058 = arith.constant 0 : i32
    %dma_wait3A_1059 = tpu.memref_slice %arg4[%add3A_989, %dma_wait3A_1058] : memref<819200x32xf32, #tpu.memory_space<hbm>> -> memref<800x32xf32, #tpu.memory_space<hbm>>
    %dma_wait3A_1060 = arith.constant 0 : i32
    %dma_wait3A_1061 = arith.constant 0 : i32
    %dma_wait3A_1062 = tpu.memref_slice %arg6[%dma_wait3A_1051, %dma_wait3A_1060, %dma_wait3A_1061] : memref<4x800x32xf32, #tpu.memory_space<vmem>> -> memref<1x800x32xf32, #tpu.memory_space<vmem>>
    %dma_wait3A_1063 = tpu.memref_squeeze %dma_wait3A_1062 : memref<1x800x32xf32, #tpu.memory_space<vmem>> -> memref<800x32xf32, #tpu.memory_space<vmem>>
    tpu.wait_dma2 semaphore(%arg11 : memref<!tpu.dma_semaphore, #tpu.memory_space<semaphore_mem>>) src(%dma_wait3A_1063 : memref<800x32xf32, #tpu.memory_space<vmem>>) dst(%dma_wait3A_1059 : memref<800x32xf32, #tpu.memory_space<hbm>>)
    %dma_start3A_1064 = arith.constant 0 : i32
    %dma_start3A_1065 = arith.constant 0 : i32
    %dma_start3A_1066 = arith.constant 0 : i32
    %dma_start3A_1067 = tpu.memref_slice %arg6[%dma_start3A_1064, %dma_start3A_1065, %dma_start3A_1066] : memref<4x800x32xf32, #tpu.memory_space<vmem>> -> memref<1x800x32xf32, #tpu.memory_space<vmem>>
    %dma_start3A_1068 = tpu.memref_squeeze %dma_start3A_1067 : memref<1x800x32xf32, #tpu.memory_space<vmem>> -> memref<800x32xf32, #tpu.memory_space<vmem>>
    %dma_start3A_1069 = arith.constant 19200 : i32
    %dma_start3A_1070 = tpu.memref_slice %arg5[%dma_start3A_1069] : memref<25600xi32, #tpu.memory_space<vmem>> -> memref<800xi32, #tpu.memory_space<vmem>>
    %dma_start3A_1071 = arith.constant 0 : i32
    %dma_start3A_1072 = arith.constant 0 : i32
    %dma_start3A_1073 = tpu.memref_slice %arg3[%dma_start3A_1071, %dma_start3A_1072] : memref<1000000x32xf32, #tpu.memory_space<hbm>> -> memref<1000000x32xf32, #tpu.memory_space<hbm>>
    tpu.enqueue_indirect_dma source(%dma_start3A_1073 : memref<1000000x32xf32, #tpu.memory_space<hbm>>) target(%dma_start3A_1068 : memref<800x32xf32, #tpu.memory_space<vmem>>) offsets(%dma_start3A_1070 : memref<800xi32, #tpu.memory_space<vmem>>) semaphore(%arg7 : memref<!tpu.dma_semaphore, #tpu.memory_space<semaphore_mem>>)
    %dma_wait3A_1074 = arith.constant 2 : i32
    %dma_wait3A_1075 = arith.constant 0 : i32
    %dma_wait3A_1076 = arith.constant 0 : i32
    %dma_wait3A_1077 = tpu.memref_slice %arg6[%dma_wait3A_1074, %dma_wait3A_1075, %dma_wait3A_1076] : memref<4x800x32xf32, #tpu.memory_space<vmem>> -> memref<1x800x32xf32, #tpu.memory_space<vmem>>
    %dma_wait3A_1078 = tpu.memref_squeeze %dma_wait3A_1077 : memref<1x800x32xf32, #tpu.memory_space<vmem>> -> memref<800x32xf32, #tpu.memory_space<vmem>>
    %dma_wait3A_1079 = arith.constant 17600 : i32
    %dma_wait3A_1080 = tpu.memref_slice %arg5[%dma_wait3A_1079] : memref<25600xi32, #tpu.memory_space<vmem>> -> memref<800xi32, #tpu.memory_space<vmem>>
    %dma_wait3A_1081 = arith.constant 0 : i32
    %dma_wait3A_1082 = arith.constant 0 : i32
    %dma_wait3A_1083 = tpu.memref_slice %arg3[%dma_wait3A_1081, %dma_wait3A_1082] : memref<1000000x32xf32, #tpu.memory_space<hbm>> -> memref<1000000x32xf32, #tpu.memory_space<hbm>>
    tpu.wait_indirect_dma semaphore(%arg9 : memref<!tpu.dma_semaphore, #tpu.memory_space<semaphore_mem>>) src(%dma_wait3A_1083 : memref<1000000x32xf32, #tpu.memory_space<hbm>>) dst(%dma_wait3A_1078 : memref<800x32xf32, #tpu.memory_space<vmem>>)
    %add3A_1084 = arith.constant 17600 : i32
    %add3A_1085 = arith.addi %mul3A_2, %add3A_1084 : i32
    %dma_start3A_1086 = arith.constant 2 : i32
    %dma_start3A_1087 = arith.constant 0 : i32
    %dma_start3A_1088 = arith.constant 0 : i32
    %dma_start3A_1089 = tpu.memref_slice %arg6[%dma_start3A_1086, %dma_start3A_1087, %dma_start3A_1088] : memref<4x800x32xf32, #tpu.memory_space<vmem>> -> memref<1x800x32xf32, #tpu.memory_space<vmem>>
    %dma_start3A_1090 = tpu.memref_squeeze %dma_start3A_1089 : memref<1x800x32xf32, #tpu.memory_space<vmem>> -> memref<800x32xf32, #tpu.memory_space<vmem>>
    %dma_start3A_1091 = arith.constant 0 : i32
    %dma_start3A_1092 = tpu.memref_slice %arg4[%add3A_1085, %dma_start3A_1091] : memref<819200x32xf32, #tpu.memory_space<hbm>> -> memref<800x32xf32, #tpu.memory_space<hbm>>
    %dma_start3A_1093 = arith.constant 0 : i32
    %dma_start3A_1094 = tpu.memref_slice %arg4[%add3A_1085, %dma_start3A_1093] : memref<819200x32xf32, #tpu.memory_space<hbm>> -> memref<800x32xf32, #tpu.memory_space<hbm>>
    %dma_start3A_1095 = arith.constant 0 : i32
    %dma_start3A_1096 = arith.constant 0 : i32
    %dma_start3A_1097 = tpu.memref_slice %arg6[%dma_start3A_1086, %dma_start3A_1095, %dma_start3A_1096] : memref<4x800x32xf32, #tpu.memory_space<vmem>> -> memref<1x800x32xf32, #tpu.memory_space<vmem>>
    %dma_start3A_1098 = tpu.memref_squeeze %dma_start3A_1097 : memref<1x800x32xf32, #tpu.memory_space<vmem>> -> memref<800x32xf32, #tpu.memory_space<vmem>>
    tpu.enqueue_dma source(%dma_start3A_1098 : memref<800x32xf32, #tpu.memory_space<vmem>>) target(%dma_start3A_1094 : memref<800x32xf32, #tpu.memory_space<hbm>>) target_semaphore(%arg13 : memref<!tpu.dma_semaphore, #tpu.memory_space<semaphore_mem>>)
    %dma_wait3A_1099 = arith.constant 1 : i32
    %dma_wait3A_1100 = arith.constant 0 : i32
    %dma_wait3A_1101 = arith.constant 0 : i32
    %dma_wait3A_1102 = tpu.memref_slice %arg6[%dma_wait3A_1099, %dma_wait3A_1100, %dma_wait3A_1101] : memref<4x800x32xf32, #tpu.memory_space<vmem>> -> memref<1x800x32xf32, #tpu.memory_space<vmem>>
    %dma_wait3A_1103 = tpu.memref_squeeze %dma_wait3A_1102 : memref<1x800x32xf32, #tpu.memory_space<vmem>> -> memref<800x32xf32, #tpu.memory_space<vmem>>
    %dma_wait3A_1104 = arith.constant 0 : i32
    %dma_wait3A_1105 = tpu.memref_slice %arg4[%add3A_1037, %dma_wait3A_1104] : memref<819200x32xf32, #tpu.memory_space<hbm>> -> memref<800x32xf32, #tpu.memory_space<hbm>>
    %dma_wait3A_1106 = arith.constant 0 : i32
    %dma_wait3A_1107 = tpu.memref_slice %arg4[%add3A_1037, %dma_wait3A_1106] : memref<819200x32xf32, #tpu.memory_space<hbm>> -> memref<800x32xf32, #tpu.memory_space<hbm>>
    %dma_wait3A_1108 = arith.constant 0 : i32
    %dma_wait3A_1109 = arith.constant 0 : i32
    %dma_wait3A_1110 = tpu.memref_slice %arg6[%dma_wait3A_1099, %dma_wait3A_1108, %dma_wait3A_1109] : memref<4x800x32xf32, #tpu.memory_space<vmem>> -> memref<1x800x32xf32, #tpu.memory_space<vmem>>
    %dma_wait3A_1111 = tpu.memref_squeeze %dma_wait3A_1110 : memref<1x800x32xf32, #tpu.memory_space<vmem>> -> memref<800x32xf32, #tpu.memory_space<vmem>>
    tpu.wait_dma2 semaphore(%arg12 : memref<!tpu.dma_semaphore, #tpu.memory_space<semaphore_mem>>) src(%dma_wait3A_1111 : memref<800x32xf32, #tpu.memory_space<vmem>>) dst(%dma_wait3A_1107 : memref<800x32xf32, #tpu.memory_space<hbm>>)
    %dma_start3A_1112 = arith.constant 1 : i32
    %dma_start3A_1113 = arith.constant 0 : i32
    %dma_start3A_1114 = arith.constant 0 : i32
    %dma_start3A_1115 = tpu.memref_slice %arg6[%dma_start3A_1112, %dma_start3A_1113, %dma_start3A_1114] : memref<4x800x32xf32, #tpu.memory_space<vmem>> -> memref<1x800x32xf32, #tpu.memory_space<vmem>>
    %dma_start3A_1116 = tpu.memref_squeeze %dma_start3A_1115 : memref<1x800x32xf32, #tpu.memory_space<vmem>> -> memref<800x32xf32, #tpu.memory_space<vmem>>
    %dma_start3A_1117 = arith.constant 20000 : i32
    %dma_start3A_1118 = tpu.memref_slice %arg5[%dma_start3A_1117] : memref<25600xi32, #tpu.memory_space<vmem>> -> memref<800xi32, #tpu.memory_space<vmem>>
    %dma_start3A_1119 = arith.constant 0 : i32
    %dma_start3A_1120 = arith.constant 0 : i32
    %dma_start3A_1121 = tpu.memref_slice %arg3[%dma_start3A_1119, %dma_start3A_1120] : memref<1000000x32xf32, #tpu.memory_space<hbm>> -> memref<1000000x32xf32, #tpu.memory_space<hbm>>
    tpu.enqueue_indirect_dma source(%dma_start3A_1121 : memref<1000000x32xf32, #tpu.memory_space<hbm>>) target(%dma_start3A_1116 : memref<800x32xf32, #tpu.memory_space<vmem>>) offsets(%dma_start3A_1118 : memref<800xi32, #tpu.memory_space<vmem>>) semaphore(%arg8 : memref<!tpu.dma_semaphore, #tpu.memory_space<semaphore_mem>>)
    %dma_wait3A_1122 = arith.constant 3 : i32
    %dma_wait3A_1123 = arith.constant 0 : i32
    %dma_wait3A_1124 = arith.constant 0 : i32
    %dma_wait3A_1125 = tpu.memref_slice %arg6[%dma_wait3A_1122, %dma_wait3A_1123, %dma_wait3A_1124] : memref<4x800x32xf32, #tpu.memory_space<vmem>> -> memref<1x800x32xf32, #tpu.memory_space<vmem>>
    %dma_wait3A_1126 = tpu.memref_squeeze %dma_wait3A_1125 : memref<1x800x32xf32, #tpu.memory_space<vmem>> -> memref<800x32xf32, #tpu.memory_space<vmem>>
    %dma_wait3A_1127 = arith.constant 18400 : i32
    %dma_wait3A_1128 = tpu.memref_slice %arg5[%dma_wait3A_1127] : memref<25600xi32, #tpu.memory_space<vmem>> -> memref<800xi32, #tpu.memory_space<vmem>>
    %dma_wait3A_1129 = arith.constant 0 : i32
    %dma_wait3A_1130 = arith.constant 0 : i32
    %dma_wait3A_1131 = tpu.memref_slice %arg3[%dma_wait3A_1129, %dma_wait3A_1130] : memref<1000000x32xf32, #tpu.memory_space<hbm>> -> memref<1000000x32xf32, #tpu.memory_space<hbm>>
    tpu.wait_indirect_dma semaphore(%arg10 : memref<!tpu.dma_semaphore, #tpu.memory_space<semaphore_mem>>) src(%dma_wait3A_1131 : memref<1000000x32xf32, #tpu.memory_space<hbm>>) dst(%dma_wait3A_1126 : memref<800x32xf32, #tpu.memory_space<vmem>>)
    %add3A_1132 = arith.constant 18400 : i32
    %add3A_1133 = arith.addi %mul3A_2, %add3A_1132 : i32
    %dma_start3A_1134 = arith.constant 3 : i32
    %dma_start3A_1135 = arith.constant 0 : i32
    %dma_start3A_1136 = arith.constant 0 : i32
    %dma_start3A_1137 = tpu.memref_slice %arg6[%dma_start3A_1134, %dma_start3A_1135, %dma_start3A_1136] : memref<4x800x32xf32, #tpu.memory_space<vmem>> -> memref<1x800x32xf32, #tpu.memory_space<vmem>>
    %dma_start3A_1138 = tpu.memref_squeeze %dma_start3A_1137 : memref<1x800x32xf32, #tpu.memory_space<vmem>> -> memref<800x32xf32, #tpu.memory_space<vmem>>
    %dma_start3A_1139 = arith.constant 0 : i32
    %dma_start3A_1140 = tpu.memref_slice %arg4[%add3A_1133, %dma_start3A_1139] : memref<819200x32xf32, #tpu.memory_space<hbm>> -> memref<800x32xf32, #tpu.memory_space<hbm>>
    %dma_start3A_1141 = arith.constant 0 : i32
    %dma_start3A_1142 = tpu.memref_slice %arg4[%add3A_1133, %dma_start3A_1141] : memref<819200x32xf32, #tpu.memory_space<hbm>> -> memref<800x32xf32, #tpu.memory_space<hbm>>
    %dma_start3A_1143 = arith.constant 0 : i32
    %dma_start3A_1144 = arith.constant 0 : i32
    %dma_start3A_1145 = tpu.memref_slice %arg6[%dma_start3A_1134, %dma_start3A_1143, %dma_start3A_1144] : memref<4x800x32xf32, #tpu.memory_space<vmem>> -> memref<1x800x32xf32, #tpu.memory_space<vmem>>
    %dma_start3A_1146 = tpu.memref_squeeze %dma_start3A_1145 : memref<1x800x32xf32, #tpu.memory_space<vmem>> -> memref<800x32xf32, #tpu.memory_space<vmem>>
    tpu.enqueue_dma source(%dma_start3A_1146 : memref<800x32xf32, #tpu.memory_space<vmem>>) target(%dma_start3A_1142 : memref<800x32xf32, #tpu.memory_space<hbm>>) target_semaphore(%arg14 : memref<!tpu.dma_semaphore, #tpu.memory_space<semaphore_mem>>)
    %dma_wait3A_1147 = arith.constant 2 : i32
    %dma_wait3A_1148 = arith.constant 0 : i32
    %dma_wait3A_1149 = arith.constant 0 : i32
    %dma_wait3A_1150 = tpu.memref_slice %arg6[%dma_wait3A_1147, %dma_wait3A_1148, %dma_wait3A_1149] : memref<4x800x32xf32, #tpu.memory_space<vmem>> -> memref<1x800x32xf32, #tpu.memory_space<vmem>>
    %dma_wait3A_1151 = tpu.memref_squeeze %dma_wait3A_1150 : memref<1x800x32xf32, #tpu.memory_space<vmem>> -> memref<800x32xf32, #tpu.memory_space<vmem>>
    %dma_wait3A_1152 = arith.constant 0 : i32
    %dma_wait3A_1153 = tpu.memref_slice %arg4[%add3A_1085, %dma_wait3A_1152] : memref<819200x32xf32, #tpu.memory_space<hbm>> -> memref<800x32xf32, #tpu.memory_space<hbm>>
    %dma_wait3A_1154 = arith.constant 0 : i32
    %dma_wait3A_1155 = tpu.memref_slice %arg4[%add3A_1085, %dma_wait3A_1154] : memref<819200x32xf32, #tpu.memory_space<hbm>> -> memref<800x32xf32, #tpu.memory_space<hbm>>
    %dma_wait3A_1156 = arith.constant 0 : i32
    %dma_wait3A_1157 = arith.constant 0 : i32
    %dma_wait3A_1158 = tpu.memref_slice %arg6[%dma_wait3A_1147, %dma_wait3A_1156, %dma_wait3A_1157] : memref<4x800x32xf32, #tpu.memory_space<vmem>> -> memref<1x800x32xf32, #tpu.memory_space<vmem>>
    %dma_wait3A_1159 = tpu.memref_squeeze %dma_wait3A_1158 : memref<1x800x32xf32, #tpu.memory_space<vmem>> -> memref<800x32xf32, #tpu.memory_space<vmem>>
    tpu.wait_dma2 semaphore(%arg13 : memref<!tpu.dma_semaphore, #tpu.memory_space<semaphore_mem>>) src(%dma_wait3A_1159 : memref<800x32xf32, #tpu.memory_space<vmem>>) dst(%dma_wait3A_1155 : memref<800x32xf32, #tpu.memory_space<hbm>>)
    %dma_start3A_1160 = arith.constant 2 : i32
    %dma_start3A_1161 = arith.constant 0 : i32
    %dma_start3A_1162 = arith.constant 0 : i32
    %dma_start3A_1163 = tpu.memref_slice %arg6[%dma_start3A_1160, %dma_start3A_1161, %dma_start3A_1162] : memref<4x800x32xf32, #tpu.memory_space<vmem>> -> memref<1x800x32xf32, #tpu.memory_space<vmem>>
    %dma_start3A_1164 = tpu.memref_squeeze %dma_start3A_1163 : memref<1x800x32xf32, #tpu.memory_space<vmem>> -> memref<800x32xf32, #tpu.memory_space<vmem>>
    %dma_start3A_1165 = arith.constant 20800 : i32
    %dma_start3A_1166 = tpu.memref_slice %arg5[%dma_start3A_1165] : memref<25600xi32, #tpu.memory_space<vmem>> -> memref<800xi32, #tpu.memory_space<vmem>>
    %dma_start3A_1167 = arith.constant 0 : i32
    %dma_start3A_1168 = arith.constant 0 : i32
    %dma_start3A_1169 = tpu.memref_slice %arg3[%dma_start3A_1167, %dma_start3A_1168] : memref<1000000x32xf32, #tpu.memory_space<hbm>> -> memref<1000000x32xf32, #tpu.memory_space<hbm>>
    tpu.enqueue_indirect_dma source(%dma_start3A_1169 : memref<1000000x32xf32, #tpu.memory_space<hbm>>) target(%dma_start3A_1164 : memref<800x32xf32, #tpu.memory_space<vmem>>) offsets(%dma_start3A_1166 : memref<800xi32, #tpu.memory_space<vmem>>) semaphore(%arg9 : memref<!tpu.dma_semaphore, #tpu.memory_space<semaphore_mem>>)
    %dma_wait3A_1170 = arith.constant 0 : i32
    %dma_wait3A_1171 = arith.constant 0 : i32
    %dma_wait3A_1172 = arith.constant 0 : i32
    %dma_wait3A_1173 = tpu.memref_slice %arg6[%dma_wait3A_1170, %dma_wait3A_1171, %dma_wait3A_1172] : memref<4x800x32xf32, #tpu.memory_space<vmem>> -> memref<1x800x32xf32, #tpu.memory_space<vmem>>
    %dma_wait3A_1174 = tpu.memref_squeeze %dma_wait3A_1173 : memref<1x800x32xf32, #tpu.memory_space<vmem>> -> memref<800x32xf32, #tpu.memory_space<vmem>>
    %dma_wait3A_1175 = arith.constant 19200 : i32
    %dma_wait3A_1176 = tpu.memref_slice %arg5[%dma_wait3A_1175] : memref<25600xi32, #tpu.memory_space<vmem>> -> memref<800xi32, #tpu.memory_space<vmem>>
    %dma_wait3A_1177 = arith.constant 0 : i32
    %dma_wait3A_1178 = arith.constant 0 : i32
    %dma_wait3A_1179 = tpu.memref_slice %arg3[%dma_wait3A_1177, %dma_wait3A_1178] : memref<1000000x32xf32, #tpu.memory_space<hbm>> -> memref<1000000x32xf32, #tpu.memory_space<hbm>>
    tpu.wait_indirect_dma semaphore(%arg7 : memref<!tpu.dma_semaphore, #tpu.memory_space<semaphore_mem>>) src(%dma_wait3A_1179 : memref<1000000x32xf32, #tpu.memory_space<hbm>>) dst(%dma_wait3A_1174 : memref<800x32xf32, #tpu.memory_space<vmem>>)
    %add3A_1180 = arith.constant 19200 : i32
    %add3A_1181 = arith.addi %mul3A_2, %add3A_1180 : i32
    %dma_start3A_1182 = arith.constant 0 : i32
    %dma_start3A_1183 = arith.constant 0 : i32
    %dma_start3A_1184 = arith.constant 0 : i32
    %dma_start3A_1185 = tpu.memref_slice %arg6[%dma_start3A_1182, %dma_start3A_1183, %dma_start3A_1184] : memref<4x800x32xf32, #tpu.memory_space<vmem>> -> memref<1x800x32xf32, #tpu.memory_space<vmem>>
    %dma_start3A_1186 = tpu.memref_squeeze %dma_start3A_1185 : memref<1x800x32xf32, #tpu.memory_space<vmem>> -> memref<800x32xf32, #tpu.memory_space<vmem>>
    %dma_start3A_1187 = arith.constant 0 : i32
    %dma_start3A_1188 = tpu.memref_slice %arg4[%add3A_1181, %dma_start3A_1187] : memref<819200x32xf32, #tpu.memory_space<hbm>> -> memref<800x32xf32, #tpu.memory_space<hbm>>
    %dma_start3A_1189 = arith.constant 0 : i32
    %dma_start3A_1190 = tpu.memref_slice %arg4[%add3A_1181, %dma_start3A_1189] : memref<819200x32xf32, #tpu.memory_space<hbm>> -> memref<800x32xf32, #tpu.memory_space<hbm>>
    %dma_start3A_1191 = arith.constant 0 : i32
    %dma_start3A_1192 = arith.constant 0 : i32
    %dma_start3A_1193 = tpu.memref_slice %arg6[%dma_start3A_1182, %dma_start3A_1191, %dma_start3A_1192] : memref<4x800x32xf32, #tpu.memory_space<vmem>> -> memref<1x800x32xf32, #tpu.memory_space<vmem>>
    %dma_start3A_1194 = tpu.memref_squeeze %dma_start3A_1193 : memref<1x800x32xf32, #tpu.memory_space<vmem>> -> memref<800x32xf32, #tpu.memory_space<vmem>>
    tpu.enqueue_dma source(%dma_start3A_1194 : memref<800x32xf32, #tpu.memory_space<vmem>>) target(%dma_start3A_1190 : memref<800x32xf32, #tpu.memory_space<hbm>>) target_semaphore(%arg11 : memref<!tpu.dma_semaphore, #tpu.memory_space<semaphore_mem>>)
    %dma_wait3A_1195 = arith.constant 3 : i32
    %dma_wait3A_1196 = arith.constant 0 : i32
    %dma_wait3A_1197 = arith.constant 0 : i32
    %dma_wait3A_1198 = tpu.memref_slice %arg6[%dma_wait3A_1195, %dma_wait3A_1196, %dma_wait3A_1197] : memref<4x800x32xf32, #tpu.memory_space<vmem>> -> memref<1x800x32xf32, #tpu.memory_space<vmem>>
    %dma_wait3A_1199 = tpu.memref_squeeze %dma_wait3A_1198 : memref<1x800x32xf32, #tpu.memory_space<vmem>> -> memref<800x32xf32, #tpu.memory_space<vmem>>
    %dma_wait3A_1200 = arith.constant 0 : i32
    %dma_wait3A_1201 = tpu.memref_slice %arg4[%add3A_1133, %dma_wait3A_1200] : memref<819200x32xf32, #tpu.memory_space<hbm>> -> memref<800x32xf32, #tpu.memory_space<hbm>>
    %dma_wait3A_1202 = arith.constant 0 : i32
    %dma_wait3A_1203 = tpu.memref_slice %arg4[%add3A_1133, %dma_wait3A_1202] : memref<819200x32xf32, #tpu.memory_space<hbm>> -> memref<800x32xf32, #tpu.memory_space<hbm>>
    %dma_wait3A_1204 = arith.constant 0 : i32
    %dma_wait3A_1205 = arith.constant 0 : i32
    %dma_wait3A_1206 = tpu.memref_slice %arg6[%dma_wait3A_1195, %dma_wait3A_1204, %dma_wait3A_1205] : memref<4x800x32xf32, #tpu.memory_space<vmem>> -> memref<1x800x32xf32, #tpu.memory_space<vmem>>
    %dma_wait3A_1207 = tpu.memref_squeeze %dma_wait3A_1206 : memref<1x800x32xf32, #tpu.memory_space<vmem>> -> memref<800x32xf32, #tpu.memory_space<vmem>>
    tpu.wait_dma2 semaphore(%arg14 : memref<!tpu.dma_semaphore, #tpu.memory_space<semaphore_mem>>) src(%dma_wait3A_1207 : memref<800x32xf32, #tpu.memory_space<vmem>>) dst(%dma_wait3A_1203 : memref<800x32xf32, #tpu.memory_space<hbm>>)
    %dma_start3A_1208 = arith.constant 3 : i32
    %dma_start3A_1209 = arith.constant 0 : i32
    %dma_start3A_1210 = arith.constant 0 : i32
    %dma_start3A_1211 = tpu.memref_slice %arg6[%dma_start3A_1208, %dma_start3A_1209, %dma_start3A_1210] : memref<4x800x32xf32, #tpu.memory_space<vmem>> -> memref<1x800x32xf32, #tpu.memory_space<vmem>>
    %dma_start3A_1212 = tpu.memref_squeeze %dma_start3A_1211 : memref<1x800x32xf32, #tpu.memory_space<vmem>> -> memref<800x32xf32, #tpu.memory_space<vmem>>
    %dma_start3A_1213 = arith.constant 21600 : i32
    %dma_start3A_1214 = tpu.memref_slice %arg5[%dma_start3A_1213] : memref<25600xi32, #tpu.memory_space<vmem>> -> memref<800xi32, #tpu.memory_space<vmem>>
    %dma_start3A_1215 = arith.constant 0 : i32
    %dma_start3A_1216 = arith.constant 0 : i32
    %dma_start3A_1217 = tpu.memref_slice %arg3[%dma_start3A_1215, %dma_start3A_1216] : memref<1000000x32xf32, #tpu.memory_space<hbm>> -> memref<1000000x32xf32, #tpu.memory_space<hbm>>
    tpu.enqueue_indirect_dma source(%dma_start3A_1217 : memref<1000000x32xf32, #tpu.memory_space<hbm>>) target(%dma_start3A_1212 : memref<800x32xf32, #tpu.memory_space<vmem>>) offsets(%dma_start3A_1214 : memref<800xi32, #tpu.memory_space<vmem>>) semaphore(%arg10 : memref<!tpu.dma_semaphore, #tpu.memory_space<semaphore_mem>>)
    %dma_wait3A_1218 = arith.constant 1 : i32
    %dma_wait3A_1219 = arith.constant 0 : i32
    %dma_wait3A_1220 = arith.constant 0 : i32
    %dma_wait3A_1221 = tpu.memref_slice %arg6[%dma_wait3A_1218, %dma_wait3A_1219, %dma_wait3A_1220] : memref<4x800x32xf32, #tpu.memory_space<vmem>> -> memref<1x800x32xf32, #tpu.memory_space<vmem>>
    %dma_wait3A_1222 = tpu.memref_squeeze %dma_wait3A_1221 : memref<1x800x32xf32, #tpu.memory_space<vmem>> -> memref<800x32xf32, #tpu.memory_space<vmem>>
    %dma_wait3A_1223 = arith.constant 20000 : i32
    %dma_wait3A_1224 = tpu.memref_slice %arg5[%dma_wait3A_1223] : memref<25600xi32, #tpu.memory_space<vmem>> -> memref<800xi32, #tpu.memory_space<vmem>>
    %dma_wait3A_1225 = arith.constant 0 : i32
    %dma_wait3A_1226 = arith.constant 0 : i32
    %dma_wait3A_1227 = tpu.memref_slice %arg3[%dma_wait3A_1225, %dma_wait3A_1226] : memref<1000000x32xf32, #tpu.memory_space<hbm>> -> memref<1000000x32xf32, #tpu.memory_space<hbm>>
    tpu.wait_indirect_dma semaphore(%arg8 : memref<!tpu.dma_semaphore, #tpu.memory_space<semaphore_mem>>) src(%dma_wait3A_1227 : memref<1000000x32xf32, #tpu.memory_space<hbm>>) dst(%dma_wait3A_1222 : memref<800x32xf32, #tpu.memory_space<vmem>>)
    %add3A_1228 = arith.constant 20000 : i32
    %add3A_1229 = arith.addi %mul3A_2, %add3A_1228 : i32
    %dma_start3A_1230 = arith.constant 1 : i32
    %dma_start3A_1231 = arith.constant 0 : i32
    %dma_start3A_1232 = arith.constant 0 : i32
    %dma_start3A_1233 = tpu.memref_slice %arg6[%dma_start3A_1230, %dma_start3A_1231, %dma_start3A_1232] : memref<4x800x32xf32, #tpu.memory_space<vmem>> -> memref<1x800x32xf32, #tpu.memory_space<vmem>>
    %dma_start3A_1234 = tpu.memref_squeeze %dma_start3A_1233 : memref<1x800x32xf32, #tpu.memory_space<vmem>> -> memref<800x32xf32, #tpu.memory_space<vmem>>
    %dma_start3A_1235 = arith.constant 0 : i32
    %dma_start3A_1236 = tpu.memref_slice %arg4[%add3A_1229, %dma_start3A_1235] : memref<819200x32xf32, #tpu.memory_space<hbm>> -> memref<800x32xf32, #tpu.memory_space<hbm>>
    %dma_start3A_1237 = arith.constant 0 : i32
    %dma_start3A_1238 = tpu.memref_slice %arg4[%add3A_1229, %dma_start3A_1237] : memref<819200x32xf32, #tpu.memory_space<hbm>> -> memref<800x32xf32, #tpu.memory_space<hbm>>
    %dma_start3A_1239 = arith.constant 0 : i32
    %dma_start3A_1240 = arith.constant 0 : i32
    %dma_start3A_1241 = tpu.memref_slice %arg6[%dma_start3A_1230, %dma_start3A_1239, %dma_start3A_1240] : memref<4x800x32xf32, #tpu.memory_space<vmem>> -> memref<1x800x32xf32, #tpu.memory_space<vmem>>
    %dma_start3A_1242 = tpu.memref_squeeze %dma_start3A_1241 : memref<1x800x32xf32, #tpu.memory_space<vmem>> -> memref<800x32xf32, #tpu.memory_space<vmem>>
    tpu.enqueue_dma source(%dma_start3A_1242 : memref<800x32xf32, #tpu.memory_space<vmem>>) target(%dma_start3A_1238 : memref<800x32xf32, #tpu.memory_space<hbm>>) target_semaphore(%arg12 : memref<!tpu.dma_semaphore, #tpu.memory_space<semaphore_mem>>)
    %dma_wait3A_1243 = arith.constant 0 : i32
    %dma_wait3A_1244 = arith.constant 0 : i32
    %dma_wait3A_1245 = arith.constant 0 : i32
    %dma_wait3A_1246 = tpu.memref_slice %arg6[%dma_wait3A_1243, %dma_wait3A_1244, %dma_wait3A_1245] : memref<4x800x32xf32, #tpu.memory_space<vmem>> -> memref<1x800x32xf32, #tpu.memory_space<vmem>>
    %dma_wait3A_1247 = tpu.memref_squeeze %dma_wait3A_1246 : memref<1x800x32xf32, #tpu.memory_space<vmem>> -> memref<800x32xf32, #tpu.memory_space<vmem>>
    %dma_wait3A_1248 = arith.constant 0 : i32
    %dma_wait3A_1249 = tpu.memref_slice %arg4[%add3A_1181, %dma_wait3A_1248] : memref<819200x32xf32, #tpu.memory_space<hbm>> -> memref<800x32xf32, #tpu.memory_space<hbm>>
    %dma_wait3A_1250 = arith.constant 0 : i32
    %dma_wait3A_1251 = tpu.memref_slice %arg4[%add3A_1181, %dma_wait3A_1250] : memref<819200x32xf32, #tpu.memory_space<hbm>> -> memref<800x32xf32, #tpu.memory_space<hbm>>
    %dma_wait3A_1252 = arith.constant 0 : i32
    %dma_wait3A_1253 = arith.constant 0 : i32
    %dma_wait3A_1254 = tpu.memref_slice %arg6[%dma_wait3A_1243, %dma_wait3A_1252, %dma_wait3A_1253] : memref<4x800x32xf32, #tpu.memory_space<vmem>> -> memref<1x800x32xf32, #tpu.memory_space<vmem>>
    %dma_wait3A_1255 = tpu.memref_squeeze %dma_wait3A_1254 : memref<1x800x32xf32, #tpu.memory_space<vmem>> -> memref<800x32xf32, #tpu.memory_space<vmem>>
    tpu.wait_dma2 semaphore(%arg11 : memref<!tpu.dma_semaphore, #tpu.memory_space<semaphore_mem>>) src(%dma_wait3A_1255 : memref<800x32xf32, #tpu.memory_space<vmem>>) dst(%dma_wait3A_1251 : memref<800x32xf32, #tpu.memory_space<hbm>>)
    %dma_start3A_1256 = arith.constant 0 : i32
    %dma_start3A_1257 = arith.constant 0 : i32
    %dma_start3A_1258 = arith.constant 0 : i32
    %dma_start3A_1259 = tpu.memref_slice %arg6[%dma_start3A_1256, %dma_start3A_1257, %dma_start3A_1258] : memref<4x800x32xf32, #tpu.memory_space<vmem>> -> memref<1x800x32xf32, #tpu.memory_space<vmem>>
    %dma_start3A_1260 = tpu.memref_squeeze %dma_start3A_1259 : memref<1x800x32xf32, #tpu.memory_space<vmem>> -> memref<800x32xf32, #tpu.memory_space<vmem>>
    %dma_start3A_1261 = arith.constant 22400 : i32
    %dma_start3A_1262 = tpu.memref_slice %arg5[%dma_start3A_1261] : memref<25600xi32, #tpu.memory_space<vmem>> -> memref<800xi32, #tpu.memory_space<vmem>>
    %dma_start3A_1263 = arith.constant 0 : i32
    %dma_start3A_1264 = arith.constant 0 : i32
    %dma_start3A_1265 = tpu.memref_slice %arg3[%dma_start3A_1263, %dma_start3A_1264] : memref<1000000x32xf32, #tpu.memory_space<hbm>> -> memref<1000000x32xf32, #tpu.memory_space<hbm>>
    tpu.enqueue_indirect_dma source(%dma_start3A_1265 : memref<1000000x32xf32, #tpu.memory_space<hbm>>) target(%dma_start3A_1260 : memref<800x32xf32, #tpu.memory_space<vmem>>) offsets(%dma_start3A_1262 : memref<800xi32, #tpu.memory_space<vmem>>) semaphore(%arg7 : memref<!tpu.dma_semaphore, #tpu.memory_space<semaphore_mem>>)
    %dma_wait3A_1266 = arith.constant 2 : i32
    %dma_wait3A_1267 = arith.constant 0 : i32
    %dma_wait3A_1268 = arith.constant 0 : i32
    %dma_wait3A_1269 = tpu.memref_slice %arg6[%dma_wait3A_1266, %dma_wait3A_1267, %dma_wait3A_1268] : memref<4x800x32xf32, #tpu.memory_space<vmem>> -> memref<1x800x32xf32, #tpu.memory_space<vmem>>
    %dma_wait3A_1270 = tpu.memref_squeeze %dma_wait3A_1269 : memref<1x800x32xf32, #tpu.memory_space<vmem>> -> memref<800x32xf32, #tpu.memory_space<vmem>>
    %dma_wait3A_1271 = arith.constant 20800 : i32
    %dma_wait3A_1272 = tpu.memref_slice %arg5[%dma_wait3A_1271] : memref<25600xi32, #tpu.memory_space<vmem>> -> memref<800xi32, #tpu.memory_space<vmem>>
    %dma_wait3A_1273 = arith.constant 0 : i32
    %dma_wait3A_1274 = arith.constant 0 : i32
    %dma_wait3A_1275 = tpu.memref_slice %arg3[%dma_wait3A_1273, %dma_wait3A_1274] : memref<1000000x32xf32, #tpu.memory_space<hbm>> -> memref<1000000x32xf32, #tpu.memory_space<hbm>>
    tpu.wait_indirect_dma semaphore(%arg9 : memref<!tpu.dma_semaphore, #tpu.memory_space<semaphore_mem>>) src(%dma_wait3A_1275 : memref<1000000x32xf32, #tpu.memory_space<hbm>>) dst(%dma_wait3A_1270 : memref<800x32xf32, #tpu.memory_space<vmem>>)
    %add3A_1276 = arith.constant 20800 : i32
    %add3A_1277 = arith.addi %mul3A_2, %add3A_1276 : i32
    %dma_start3A_1278 = arith.constant 2 : i32
    %dma_start3A_1279 = arith.constant 0 : i32
    %dma_start3A_1280 = arith.constant 0 : i32
    %dma_start3A_1281 = tpu.memref_slice %arg6[%dma_start3A_1278, %dma_start3A_1279, %dma_start3A_1280] : memref<4x800x32xf32, #tpu.memory_space<vmem>> -> memref<1x800x32xf32, #tpu.memory_space<vmem>>
    %dma_start3A_1282 = tpu.memref_squeeze %dma_start3A_1281 : memref<1x800x32xf32, #tpu.memory_space<vmem>> -> memref<800x32xf32, #tpu.memory_space<vmem>>
    %dma_start3A_1283 = arith.constant 0 : i32
    %dma_start3A_1284 = tpu.memref_slice %arg4[%add3A_1277, %dma_start3A_1283] : memref<819200x32xf32, #tpu.memory_space<hbm>> -> memref<800x32xf32, #tpu.memory_space<hbm>>
    %dma_start3A_1285 = arith.constant 0 : i32
    %dma_start3A_1286 = tpu.memref_slice %arg4[%add3A_1277, %dma_start3A_1285] : memref<819200x32xf32, #tpu.memory_space<hbm>> -> memref<800x32xf32, #tpu.memory_space<hbm>>
    %dma_start3A_1287 = arith.constant 0 : i32
    %dma_start3A_1288 = arith.constant 0 : i32
    %dma_start3A_1289 = tpu.memref_slice %arg6[%dma_start3A_1278, %dma_start3A_1287, %dma_start3A_1288] : memref<4x800x32xf32, #tpu.memory_space<vmem>> -> memref<1x800x32xf32, #tpu.memory_space<vmem>>
    %dma_start3A_1290 = tpu.memref_squeeze %dma_start3A_1289 : memref<1x800x32xf32, #tpu.memory_space<vmem>> -> memref<800x32xf32, #tpu.memory_space<vmem>>
    tpu.enqueue_dma source(%dma_start3A_1290 : memref<800x32xf32, #tpu.memory_space<vmem>>) target(%dma_start3A_1286 : memref<800x32xf32, #tpu.memory_space<hbm>>) target_semaphore(%arg13 : memref<!tpu.dma_semaphore, #tpu.memory_space<semaphore_mem>>)
    %dma_wait3A_1291 = arith.constant 1 : i32
    %dma_wait3A_1292 = arith.constant 0 : i32
    %dma_wait3A_1293 = arith.constant 0 : i32
    %dma_wait3A_1294 = tpu.memref_slice %arg6[%dma_wait3A_1291, %dma_wait3A_1292, %dma_wait3A_1293] : memref<4x800x32xf32, #tpu.memory_space<vmem>> -> memref<1x800x32xf32, #tpu.memory_space<vmem>>
    %dma_wait3A_1295 = tpu.memref_squeeze %dma_wait3A_1294 : memref<1x800x32xf32, #tpu.memory_space<vmem>> -> memref<800x32xf32, #tpu.memory_space<vmem>>
    %dma_wait3A_1296 = arith.constant 0 : i32
    %dma_wait3A_1297 = tpu.memref_slice %arg4[%add3A_1229, %dma_wait3A_1296] : memref<819200x32xf32, #tpu.memory_space<hbm>> -> memref<800x32xf32, #tpu.memory_space<hbm>>
    %dma_wait3A_1298 = arith.constant 0 : i32
    %dma_wait3A_1299 = tpu.memref_slice %arg4[%add3A_1229, %dma_wait3A_1298] : memref<819200x32xf32, #tpu.memory_space<hbm>> -> memref<800x32xf32, #tpu.memory_space<hbm>>
    %dma_wait3A_1300 = arith.constant 0 : i32
    %dma_wait3A_1301 = arith.constant 0 : i32
    %dma_wait3A_1302 = tpu.memref_slice %arg6[%dma_wait3A_1291, %dma_wait3A_1300, %dma_wait3A_1301] : memref<4x800x32xf32, #tpu.memory_space<vmem>> -> memref<1x800x32xf32, #tpu.memory_space<vmem>>
    %dma_wait3A_1303 = tpu.memref_squeeze %dma_wait3A_1302 : memref<1x800x32xf32, #tpu.memory_space<vmem>> -> memref<800x32xf32, #tpu.memory_space<vmem>>
    tpu.wait_dma2 semaphore(%arg12 : memref<!tpu.dma_semaphore, #tpu.memory_space<semaphore_mem>>) src(%dma_wait3A_1303 : memref<800x32xf32, #tpu.memory_space<vmem>>) dst(%dma_wait3A_1299 : memref<800x32xf32, #tpu.memory_space<hbm>>)
    %dma_start3A_1304 = arith.constant 1 : i32
    %dma_start3A_1305 = arith.constant 0 : i32
    %dma_start3A_1306 = arith.constant 0 : i32
    %dma_start3A_1307 = tpu.memref_slice %arg6[%dma_start3A_1304, %dma_start3A_1305, %dma_start3A_1306] : memref<4x800x32xf32, #tpu.memory_space<vmem>> -> memref<1x800x32xf32, #tpu.memory_space<vmem>>
    %dma_start3A_1308 = tpu.memref_squeeze %dma_start3A_1307 : memref<1x800x32xf32, #tpu.memory_space<vmem>> -> memref<800x32xf32, #tpu.memory_space<vmem>>
    %dma_start3A_1309 = arith.constant 23200 : i32
    %dma_start3A_1310 = tpu.memref_slice %arg5[%dma_start3A_1309] : memref<25600xi32, #tpu.memory_space<vmem>> -> memref<800xi32, #tpu.memory_space<vmem>>
    %dma_start3A_1311 = arith.constant 0 : i32
    %dma_start3A_1312 = arith.constant 0 : i32
    %dma_start3A_1313 = tpu.memref_slice %arg3[%dma_start3A_1311, %dma_start3A_1312] : memref<1000000x32xf32, #tpu.memory_space<hbm>> -> memref<1000000x32xf32, #tpu.memory_space<hbm>>
    tpu.enqueue_indirect_dma source(%dma_start3A_1313 : memref<1000000x32xf32, #tpu.memory_space<hbm>>) target(%dma_start3A_1308 : memref<800x32xf32, #tpu.memory_space<vmem>>) offsets(%dma_start3A_1310 : memref<800xi32, #tpu.memory_space<vmem>>) semaphore(%arg8 : memref<!tpu.dma_semaphore, #tpu.memory_space<semaphore_mem>>)
    %dma_wait3A_1314 = arith.constant 3 : i32
    %dma_wait3A_1315 = arith.constant 0 : i32
    %dma_wait3A_1316 = arith.constant 0 : i32
    %dma_wait3A_1317 = tpu.memref_slice %arg6[%dma_wait3A_1314, %dma_wait3A_1315, %dma_wait3A_1316] : memref<4x800x32xf32, #tpu.memory_space<vmem>> -> memref<1x800x32xf32, #tpu.memory_space<vmem>>
    %dma_wait3A_1318 = tpu.memref_squeeze %dma_wait3A_1317 : memref<1x800x32xf32, #tpu.memory_space<vmem>> -> memref<800x32xf32, #tpu.memory_space<vmem>>
    %dma_wait3A_1319 = arith.constant 21600 : i32
    %dma_wait3A_1320 = tpu.memref_slice %arg5[%dma_wait3A_1319] : memref<25600xi32, #tpu.memory_space<vmem>> -> memref<800xi32, #tpu.memory_space<vmem>>
    %dma_wait3A_1321 = arith.constant 0 : i32
    %dma_wait3A_1322 = arith.constant 0 : i32
    %dma_wait3A_1323 = tpu.memref_slice %arg3[%dma_wait3A_1321, %dma_wait3A_1322] : memref<1000000x32xf32, #tpu.memory_space<hbm>> -> memref<1000000x32xf32, #tpu.memory_space<hbm>>
    tpu.wait_indirect_dma semaphore(%arg10 : memref<!tpu.dma_semaphore, #tpu.memory_space<semaphore_mem>>) src(%dma_wait3A_1323 : memref<1000000x32xf32, #tpu.memory_space<hbm>>) dst(%dma_wait3A_1318 : memref<800x32xf32, #tpu.memory_space<vmem>>)
    %add3A_1324 = arith.constant 21600 : i32
    %add3A_1325 = arith.addi %mul3A_2, %add3A_1324 : i32
    %dma_start3A_1326 = arith.constant 3 : i32
    %dma_start3A_1327 = arith.constant 0 : i32
    %dma_start3A_1328 = arith.constant 0 : i32
    %dma_start3A_1329 = tpu.memref_slice %arg6[%dma_start3A_1326, %dma_start3A_1327, %dma_start3A_1328] : memref<4x800x32xf32, #tpu.memory_space<vmem>> -> memref<1x800x32xf32, #tpu.memory_space<vmem>>
    %dma_start3A_1330 = tpu.memref_squeeze %dma_start3A_1329 : memref<1x800x32xf32, #tpu.memory_space<vmem>> -> memref<800x32xf32, #tpu.memory_space<vmem>>
    %dma_start3A_1331 = arith.constant 0 : i32
    %dma_start3A_1332 = tpu.memref_slice %arg4[%add3A_1325, %dma_start3A_1331] : memref<819200x32xf32, #tpu.memory_space<hbm>> -> memref<800x32xf32, #tpu.memory_space<hbm>>
    %dma_start3A_1333 = arith.constant 0 : i32
    %dma_start3A_1334 = tpu.memref_slice %arg4[%add3A_1325, %dma_start3A_1333] : memref<819200x32xf32, #tpu.memory_space<hbm>> -> memref<800x32xf32, #tpu.memory_space<hbm>>
    %dma_start3A_1335 = arith.constant 0 : i32
    %dma_start3A_1336 = arith.constant 0 : i32
    %dma_start3A_1337 = tpu.memref_slice %arg6[%dma_start3A_1326, %dma_start3A_1335, %dma_start3A_1336] : memref<4x800x32xf32, #tpu.memory_space<vmem>> -> memref<1x800x32xf32, #tpu.memory_space<vmem>>
    %dma_start3A_1338 = tpu.memref_squeeze %dma_start3A_1337 : memref<1x800x32xf32, #tpu.memory_space<vmem>> -> memref<800x32xf32, #tpu.memory_space<vmem>>
    tpu.enqueue_dma source(%dma_start3A_1338 : memref<800x32xf32, #tpu.memory_space<vmem>>) target(%dma_start3A_1334 : memref<800x32xf32, #tpu.memory_space<hbm>>) target_semaphore(%arg14 : memref<!tpu.dma_semaphore, #tpu.memory_space<semaphore_mem>>)
    %dma_wait3A_1339 = arith.constant 2 : i32
    %dma_wait3A_1340 = arith.constant 0 : i32
    %dma_wait3A_1341 = arith.constant 0 : i32
    %dma_wait3A_1342 = tpu.memref_slice %arg6[%dma_wait3A_1339, %dma_wait3A_1340, %dma_wait3A_1341] : memref<4x800x32xf32, #tpu.memory_space<vmem>> -> memref<1x800x32xf32, #tpu.memory_space<vmem>>
    %dma_wait3A_1343 = tpu.memref_squeeze %dma_wait3A_1342 : memref<1x800x32xf32, #tpu.memory_space<vmem>> -> memref<800x32xf32, #tpu.memory_space<vmem>>
    %dma_wait3A_1344 = arith.constant 0 : i32
    %dma_wait3A_1345 = tpu.memref_slice %arg4[%add3A_1277, %dma_wait3A_1344] : memref<819200x32xf32, #tpu.memory_space<hbm>> -> memref<800x32xf32, #tpu.memory_space<hbm>>
    %dma_wait3A_1346 = arith.constant 0 : i32
    %dma_wait3A_1347 = tpu.memref_slice %arg4[%add3A_1277, %dma_wait3A_1346] : memref<819200x32xf32, #tpu.memory_space<hbm>> -> memref<800x32xf32, #tpu.memory_space<hbm>>
    %dma_wait3A_1348 = arith.constant 0 : i32
    %dma_wait3A_1349 = arith.constant 0 : i32
    %dma_wait3A_1350 = tpu.memref_slice %arg6[%dma_wait3A_1339, %dma_wait3A_1348, %dma_wait3A_1349] : memref<4x800x32xf32, #tpu.memory_space<vmem>> -> memref<1x800x32xf32, #tpu.memory_space<vmem>>
    %dma_wait3A_1351 = tpu.memref_squeeze %dma_wait3A_1350 : memref<1x800x32xf32, #tpu.memory_space<vmem>> -> memref<800x32xf32, #tpu.memory_space<vmem>>
    tpu.wait_dma2 semaphore(%arg13 : memref<!tpu.dma_semaphore, #tpu.memory_space<semaphore_mem>>) src(%dma_wait3A_1351 : memref<800x32xf32, #tpu.memory_space<vmem>>) dst(%dma_wait3A_1347 : memref<800x32xf32, #tpu.memory_space<hbm>>)
    %dma_start3A_1352 = arith.constant 2 : i32
    %dma_start3A_1353 = arith.constant 0 : i32
    %dma_start3A_1354 = arith.constant 0 : i32
    %dma_start3A_1355 = tpu.memref_slice %arg6[%dma_start3A_1352, %dma_start3A_1353, %dma_start3A_1354] : memref<4x800x32xf32, #tpu.memory_space<vmem>> -> memref<1x800x32xf32, #tpu.memory_space<vmem>>
    %dma_start3A_1356 = tpu.memref_squeeze %dma_start3A_1355 : memref<1x800x32xf32, #tpu.memory_space<vmem>> -> memref<800x32xf32, #tpu.memory_space<vmem>>
    %dma_start3A_1357 = arith.constant 24000 : i32
    %dma_start3A_1358 = tpu.memref_slice %arg5[%dma_start3A_1357] : memref<25600xi32, #tpu.memory_space<vmem>> -> memref<800xi32, #tpu.memory_space<vmem>>
    %dma_start3A_1359 = arith.constant 0 : i32
    %dma_start3A_1360 = arith.constant 0 : i32
    %dma_start3A_1361 = tpu.memref_slice %arg3[%dma_start3A_1359, %dma_start3A_1360] : memref<1000000x32xf32, #tpu.memory_space<hbm>> -> memref<1000000x32xf32, #tpu.memory_space<hbm>>
    tpu.enqueue_indirect_dma source(%dma_start3A_1361 : memref<1000000x32xf32, #tpu.memory_space<hbm>>) target(%dma_start3A_1356 : memref<800x32xf32, #tpu.memory_space<vmem>>) offsets(%dma_start3A_1358 : memref<800xi32, #tpu.memory_space<vmem>>) semaphore(%arg9 : memref<!tpu.dma_semaphore, #tpu.memory_space<semaphore_mem>>)
    %dma_wait3A_1362 = arith.constant 0 : i32
    %dma_wait3A_1363 = arith.constant 0 : i32
    %dma_wait3A_1364 = arith.constant 0 : i32
    %dma_wait3A_1365 = tpu.memref_slice %arg6[%dma_wait3A_1362, %dma_wait3A_1363, %dma_wait3A_1364] : memref<4x800x32xf32, #tpu.memory_space<vmem>> -> memref<1x800x32xf32, #tpu.memory_space<vmem>>
    %dma_wait3A_1366 = tpu.memref_squeeze %dma_wait3A_1365 : memref<1x800x32xf32, #tpu.memory_space<vmem>> -> memref<800x32xf32, #tpu.memory_space<vmem>>
    %dma_wait3A_1367 = arith.constant 22400 : i32
    %dma_wait3A_1368 = tpu.memref_slice %arg5[%dma_wait3A_1367] : memref<25600xi32, #tpu.memory_space<vmem>> -> memref<800xi32, #tpu.memory_space<vmem>>
    %dma_wait3A_1369 = arith.constant 0 : i32
    %dma_wait3A_1370 = arith.constant 0 : i32
    %dma_wait3A_1371 = tpu.memref_slice %arg3[%dma_wait3A_1369, %dma_wait3A_1370] : memref<1000000x32xf32, #tpu.memory_space<hbm>> -> memref<1000000x32xf32, #tpu.memory_space<hbm>>
    tpu.wait_indirect_dma semaphore(%arg7 : memref<!tpu.dma_semaphore, #tpu.memory_space<semaphore_mem>>) src(%dma_wait3A_1371 : memref<1000000x32xf32, #tpu.memory_space<hbm>>) dst(%dma_wait3A_1366 : memref<800x32xf32, #tpu.memory_space<vmem>>)
    %add3A_1372 = arith.constant 22400 : i32
    %add3A_1373 = arith.addi %mul3A_2, %add3A_1372 : i32
    %dma_start3A_1374 = arith.constant 0 : i32
    %dma_start3A_1375 = arith.constant 0 : i32
    %dma_start3A_1376 = arith.constant 0 : i32
    %dma_start3A_1377 = tpu.memref_slice %arg6[%dma_start3A_1374, %dma_start3A_1375, %dma_start3A_1376] : memref<4x800x32xf32, #tpu.memory_space<vmem>> -> memref<1x800x32xf32, #tpu.memory_space<vmem>>
    %dma_start3A_1378 = tpu.memref_squeeze %dma_start3A_1377 : memref<1x800x32xf32, #tpu.memory_space<vmem>> -> memref<800x32xf32, #tpu.memory_space<vmem>>
    %dma_start3A_1379 = arith.constant 0 : i32
    %dma_start3A_1380 = tpu.memref_slice %arg4[%add3A_1373, %dma_start3A_1379] : memref<819200x32xf32, #tpu.memory_space<hbm>> -> memref<800x32xf32, #tpu.memory_space<hbm>>
    %dma_start3A_1381 = arith.constant 0 : i32
    %dma_start3A_1382 = tpu.memref_slice %arg4[%add3A_1373, %dma_start3A_1381] : memref<819200x32xf32, #tpu.memory_space<hbm>> -> memref<800x32xf32, #tpu.memory_space<hbm>>
    %dma_start3A_1383 = arith.constant 0 : i32
    %dma_start3A_1384 = arith.constant 0 : i32
    %dma_start3A_1385 = tpu.memref_slice %arg6[%dma_start3A_1374, %dma_start3A_1383, %dma_start3A_1384] : memref<4x800x32xf32, #tpu.memory_space<vmem>> -> memref<1x800x32xf32, #tpu.memory_space<vmem>>
    %dma_start3A_1386 = tpu.memref_squeeze %dma_start3A_1385 : memref<1x800x32xf32, #tpu.memory_space<vmem>> -> memref<800x32xf32, #tpu.memory_space<vmem>>
    tpu.enqueue_dma source(%dma_start3A_1386 : memref<800x32xf32, #tpu.memory_space<vmem>>) target(%dma_start3A_1382 : memref<800x32xf32, #tpu.memory_space<hbm>>) target_semaphore(%arg11 : memref<!tpu.dma_semaphore, #tpu.memory_space<semaphore_mem>>)
    %dma_wait3A_1387 = arith.constant 3 : i32
    %dma_wait3A_1388 = arith.constant 0 : i32
    %dma_wait3A_1389 = arith.constant 0 : i32
    %dma_wait3A_1390 = tpu.memref_slice %arg6[%dma_wait3A_1387, %dma_wait3A_1388, %dma_wait3A_1389] : memref<4x800x32xf32, #tpu.memory_space<vmem>> -> memref<1x800x32xf32, #tpu.memory_space<vmem>>
    %dma_wait3A_1391 = tpu.memref_squeeze %dma_wait3A_1390 : memref<1x800x32xf32, #tpu.memory_space<vmem>> -> memref<800x32xf32, #tpu.memory_space<vmem>>
    %dma_wait3A_1392 = arith.constant 0 : i32
    %dma_wait3A_1393 = tpu.memref_slice %arg4[%add3A_1325, %dma_wait3A_1392] : memref<819200x32xf32, #tpu.memory_space<hbm>> -> memref<800x32xf32, #tpu.memory_space<hbm>>
    %dma_wait3A_1394 = arith.constant 0 : i32
    %dma_wait3A_1395 = tpu.memref_slice %arg4[%add3A_1325, %dma_wait3A_1394] : memref<819200x32xf32, #tpu.memory_space<hbm>> -> memref<800x32xf32, #tpu.memory_space<hbm>>
    %dma_wait3A_1396 = arith.constant 0 : i32
    %dma_wait3A_1397 = arith.constant 0 : i32
    %dma_wait3A_1398 = tpu.memref_slice %arg6[%dma_wait3A_1387, %dma_wait3A_1396, %dma_wait3A_1397] : memref<4x800x32xf32, #tpu.memory_space<vmem>> -> memref<1x800x32xf32, #tpu.memory_space<vmem>>
    %dma_wait3A_1399 = tpu.memref_squeeze %dma_wait3A_1398 : memref<1x800x32xf32, #tpu.memory_space<vmem>> -> memref<800x32xf32, #tpu.memory_space<vmem>>
    tpu.wait_dma2 semaphore(%arg14 : memref<!tpu.dma_semaphore, #tpu.memory_space<semaphore_mem>>) src(%dma_wait3A_1399 : memref<800x32xf32, #tpu.memory_space<vmem>>) dst(%dma_wait3A_1395 : memref<800x32xf32, #tpu.memory_space<hbm>>)
    %dma_start3A_1400 = arith.constant 3 : i32
    %dma_start3A_1401 = arith.constant 0 : i32
    %dma_start3A_1402 = arith.constant 0 : i32
    %dma_start3A_1403 = tpu.memref_slice %arg6[%dma_start3A_1400, %dma_start3A_1401, %dma_start3A_1402] : memref<4x800x32xf32, #tpu.memory_space<vmem>> -> memref<1x800x32xf32, #tpu.memory_space<vmem>>
    %dma_start3A_1404 = tpu.memref_squeeze %dma_start3A_1403 : memref<1x800x32xf32, #tpu.memory_space<vmem>> -> memref<800x32xf32, #tpu.memory_space<vmem>>
    %dma_start3A_1405 = arith.constant 24800 : i32
    %dma_start3A_1406 = tpu.memref_slice %arg5[%dma_start3A_1405] : memref<25600xi32, #tpu.memory_space<vmem>> -> memref<800xi32, #tpu.memory_space<vmem>>
    %dma_start3A_1407 = arith.constant 0 : i32
    %dma_start3A_1408 = arith.constant 0 : i32
    %dma_start3A_1409 = tpu.memref_slice %arg3[%dma_start3A_1407, %dma_start3A_1408] : memref<1000000x32xf32, #tpu.memory_space<hbm>> -> memref<1000000x32xf32, #tpu.memory_space<hbm>>
    tpu.enqueue_indirect_dma source(%dma_start3A_1409 : memref<1000000x32xf32, #tpu.memory_space<hbm>>) target(%dma_start3A_1404 : memref<800x32xf32, #tpu.memory_space<vmem>>) offsets(%dma_start3A_1406 : memref<800xi32, #tpu.memory_space<vmem>>) semaphore(%arg10 : memref<!tpu.dma_semaphore, #tpu.memory_space<semaphore_mem>>)
    %dma_wait3A_1410 = arith.constant 1 : i32
    %dma_wait3A_1411 = arith.constant 0 : i32
    %dma_wait3A_1412 = arith.constant 0 : i32
    %dma_wait3A_1413 = tpu.memref_slice %arg6[%dma_wait3A_1410, %dma_wait3A_1411, %dma_wait3A_1412] : memref<4x800x32xf32, #tpu.memory_space<vmem>> -> memref<1x800x32xf32, #tpu.memory_space<vmem>>
    %dma_wait3A_1414 = tpu.memref_squeeze %dma_wait3A_1413 : memref<1x800x32xf32, #tpu.memory_space<vmem>> -> memref<800x32xf32, #tpu.memory_space<vmem>>
    %dma_wait3A_1415 = arith.constant 23200 : i32
    %dma_wait3A_1416 = tpu.memref_slice %arg5[%dma_wait3A_1415] : memref<25600xi32, #tpu.memory_space<vmem>> -> memref<800xi32, #tpu.memory_space<vmem>>
    %dma_wait3A_1417 = arith.constant 0 : i32
    %dma_wait3A_1418 = arith.constant 0 : i32
    %dma_wait3A_1419 = tpu.memref_slice %arg3[%dma_wait3A_1417, %dma_wait3A_1418] : memref<1000000x32xf32, #tpu.memory_space<hbm>> -> memref<1000000x32xf32, #tpu.memory_space<hbm>>
    tpu.wait_indirect_dma semaphore(%arg8 : memref<!tpu.dma_semaphore, #tpu.memory_space<semaphore_mem>>) src(%dma_wait3A_1419 : memref<1000000x32xf32, #tpu.memory_space<hbm>>) dst(%dma_wait3A_1414 : memref<800x32xf32, #tpu.memory_space<vmem>>)
    %add3A_1420 = arith.constant 23200 : i32
    %add3A_1421 = arith.addi %mul3A_2, %add3A_1420 : i32
    %dma_start3A_1422 = arith.constant 1 : i32
    %dma_start3A_1423 = arith.constant 0 : i32
    %dma_start3A_1424 = arith.constant 0 : i32
    %dma_start3A_1425 = tpu.memref_slice %arg6[%dma_start3A_1422, %dma_start3A_1423, %dma_start3A_1424] : memref<4x800x32xf32, #tpu.memory_space<vmem>> -> memref<1x800x32xf32, #tpu.memory_space<vmem>>
    %dma_start3A_1426 = tpu.memref_squeeze %dma_start3A_1425 : memref<1x800x32xf32, #tpu.memory_space<vmem>> -> memref<800x32xf32, #tpu.memory_space<vmem>>
    %dma_start3A_1427 = arith.constant 0 : i32
    %dma_start3A_1428 = tpu.memref_slice %arg4[%add3A_1421, %dma_start3A_1427] : memref<819200x32xf32, #tpu.memory_space<hbm>> -> memref<800x32xf32, #tpu.memory_space<hbm>>
    %dma_start3A_1429 = arith.constant 0 : i32
    %dma_start3A_1430 = tpu.memref_slice %arg4[%add3A_1421, %dma_start3A_1429] : memref<819200x32xf32, #tpu.memory_space<hbm>> -> memref<800x32xf32, #tpu.memory_space<hbm>>
    %dma_start3A_1431 = arith.constant 0 : i32
    %dma_start3A_1432 = arith.constant 0 : i32
    %dma_start3A_1433 = tpu.memref_slice %arg6[%dma_start3A_1422, %dma_start3A_1431, %dma_start3A_1432] : memref<4x800x32xf32, #tpu.memory_space<vmem>> -> memref<1x800x32xf32, #tpu.memory_space<vmem>>
    %dma_start3A_1434 = tpu.memref_squeeze %dma_start3A_1433 : memref<1x800x32xf32, #tpu.memory_space<vmem>> -> memref<800x32xf32, #tpu.memory_space<vmem>>
    tpu.enqueue_dma source(%dma_start3A_1434 : memref<800x32xf32, #tpu.memory_space<vmem>>) target(%dma_start3A_1430 : memref<800x32xf32, #tpu.memory_space<hbm>>) target_semaphore(%arg12 : memref<!tpu.dma_semaphore, #tpu.memory_space<semaphore_mem>>)
    %dma_wait3A_1435 = arith.constant 2 : i32
    %dma_wait3A_1436 = arith.constant 0 : i32
    %dma_wait3A_1437 = arith.constant 0 : i32
    %dma_wait3A_1438 = tpu.memref_slice %arg6[%dma_wait3A_1435, %dma_wait3A_1436, %dma_wait3A_1437] : memref<4x800x32xf32, #tpu.memory_space<vmem>> -> memref<1x800x32xf32, #tpu.memory_space<vmem>>
    %dma_wait3A_1439 = tpu.memref_squeeze %dma_wait3A_1438 : memref<1x800x32xf32, #tpu.memory_space<vmem>> -> memref<800x32xf32, #tpu.memory_space<vmem>>
    %dma_wait3A_1440 = arith.constant 24000 : i32
    %dma_wait3A_1441 = tpu.memref_slice %arg5[%dma_wait3A_1440] : memref<25600xi32, #tpu.memory_space<vmem>> -> memref<800xi32, #tpu.memory_space<vmem>>
    %dma_wait3A_1442 = arith.constant 0 : i32
    %dma_wait3A_1443 = arith.constant 0 : i32
    %dma_wait3A_1444 = tpu.memref_slice %arg3[%dma_wait3A_1442, %dma_wait3A_1443] : memref<1000000x32xf32, #tpu.memory_space<hbm>> -> memref<1000000x32xf32, #tpu.memory_space<hbm>>
    tpu.wait_indirect_dma semaphore(%arg9 : memref<!tpu.dma_semaphore, #tpu.memory_space<semaphore_mem>>) src(%dma_wait3A_1444 : memref<1000000x32xf32, #tpu.memory_space<hbm>>) dst(%dma_wait3A_1439 : memref<800x32xf32, #tpu.memory_space<vmem>>)
    %add3A_1445 = arith.constant 24000 : i32
    %add3A_1446 = arith.addi %mul3A_2, %add3A_1445 : i32
    %dma_start3A_1447 = arith.constant 2 : i32
    %dma_start3A_1448 = arith.constant 0 : i32
    %dma_start3A_1449 = arith.constant 0 : i32
    %dma_start3A_1450 = tpu.memref_slice %arg6[%dma_start3A_1447, %dma_start3A_1448, %dma_start3A_1449] : memref<4x800x32xf32, #tpu.memory_space<vmem>> -> memref<1x800x32xf32, #tpu.memory_space<vmem>>
    %dma_start3A_1451 = tpu.memref_squeeze %dma_start3A_1450 : memref<1x800x32xf32, #tpu.memory_space<vmem>> -> memref<800x32xf32, #tpu.memory_space<vmem>>
    %dma_start3A_1452 = arith.constant 0 : i32
    %dma_start3A_1453 = tpu.memref_slice %arg4[%add3A_1446, %dma_start3A_1452] : memref<819200x32xf32, #tpu.memory_space<hbm>> -> memref<800x32xf32, #tpu.memory_space<hbm>>
    %dma_start3A_1454 = arith.constant 0 : i32
    %dma_start3A_1455 = tpu.memref_slice %arg4[%add3A_1446, %dma_start3A_1454] : memref<819200x32xf32, #tpu.memory_space<hbm>> -> memref<800x32xf32, #tpu.memory_space<hbm>>
    %dma_start3A_1456 = arith.constant 0 : i32
    %dma_start3A_1457 = arith.constant 0 : i32
    %dma_start3A_1458 = tpu.memref_slice %arg6[%dma_start3A_1447, %dma_start3A_1456, %dma_start3A_1457] : memref<4x800x32xf32, #tpu.memory_space<vmem>> -> memref<1x800x32xf32, #tpu.memory_space<vmem>>
    %dma_start3A_1459 = tpu.memref_squeeze %dma_start3A_1458 : memref<1x800x32xf32, #tpu.memory_space<vmem>> -> memref<800x32xf32, #tpu.memory_space<vmem>>
    tpu.enqueue_dma source(%dma_start3A_1459 : memref<800x32xf32, #tpu.memory_space<vmem>>) target(%dma_start3A_1455 : memref<800x32xf32, #tpu.memory_space<hbm>>) target_semaphore(%arg13 : memref<!tpu.dma_semaphore, #tpu.memory_space<semaphore_mem>>)
    %dma_wait3A_1460 = arith.constant 3 : i32
    %dma_wait3A_1461 = arith.constant 0 : i32
    %dma_wait3A_1462 = arith.constant 0 : i32
    %dma_wait3A_1463 = tpu.memref_slice %arg6[%dma_wait3A_1460, %dma_wait3A_1461, %dma_wait3A_1462] : memref<4x800x32xf32, #tpu.memory_space<vmem>> -> memref<1x800x32xf32, #tpu.memory_space<vmem>>
    %dma_wait3A_1464 = tpu.memref_squeeze %dma_wait3A_1463 : memref<1x800x32xf32, #tpu.memory_space<vmem>> -> memref<800x32xf32, #tpu.memory_space<vmem>>
    %dma_wait3A_1465 = arith.constant 24800 : i32
    %dma_wait3A_1466 = tpu.memref_slice %arg5[%dma_wait3A_1465] : memref<25600xi32, #tpu.memory_space<vmem>> -> memref<800xi32, #tpu.memory_space<vmem>>
    %dma_wait3A_1467 = arith.constant 0 : i32
    %dma_wait3A_1468 = arith.constant 0 : i32
    %dma_wait3A_1469 = tpu.memref_slice %arg3[%dma_wait3A_1467, %dma_wait3A_1468] : memref<1000000x32xf32, #tpu.memory_space<hbm>> -> memref<1000000x32xf32, #tpu.memory_space<hbm>>
    tpu.wait_indirect_dma semaphore(%arg10 : memref<!tpu.dma_semaphore, #tpu.memory_space<semaphore_mem>>) src(%dma_wait3A_1469 : memref<1000000x32xf32, #tpu.memory_space<hbm>>) dst(%dma_wait3A_1464 : memref<800x32xf32, #tpu.memory_space<vmem>>)
    %add3A_1470 = arith.constant 24800 : i32
    %add3A_1471 = arith.addi %mul3A_2, %add3A_1470 : i32
    %dma_start3A_1472 = arith.constant 3 : i32
    %dma_start3A_1473 = arith.constant 0 : i32
    %dma_start3A_1474 = arith.constant 0 : i32
    %dma_start3A_1475 = tpu.memref_slice %arg6[%dma_start3A_1472, %dma_start3A_1473, %dma_start3A_1474] : memref<4x800x32xf32, #tpu.memory_space<vmem>> -> memref<1x800x32xf32, #tpu.memory_space<vmem>>
    %dma_start3A_1476 = tpu.memref_squeeze %dma_start3A_1475 : memref<1x800x32xf32, #tpu.memory_space<vmem>> -> memref<800x32xf32, #tpu.memory_space<vmem>>
    %dma_start3A_1477 = arith.constant 0 : i32
    %dma_start3A_1478 = tpu.memref_slice %arg4[%add3A_1471, %dma_start3A_1477] : memref<819200x32xf32, #tpu.memory_space<hbm>> -> memref<800x32xf32, #tpu.memory_space<hbm>>
    %dma_start3A_1479 = arith.constant 0 : i32
    %dma_start3A_1480 = tpu.memref_slice %arg4[%add3A_1471, %dma_start3A_1479] : memref<819200x32xf32, #tpu.memory_space<hbm>> -> memref<800x32xf32, #tpu.memory_space<hbm>>
    %dma_start3A_1481 = arith.constant 0 : i32
    %dma_start3A_1482 = arith.constant 0 : i32
    %dma_start3A_1483 = tpu.memref_slice %arg6[%dma_start3A_1472, %dma_start3A_1481, %dma_start3A_1482] : memref<4x800x32xf32, #tpu.memory_space<vmem>> -> memref<1x800x32xf32, #tpu.memory_space<vmem>>
    %dma_start3A_1484 = tpu.memref_squeeze %dma_start3A_1483 : memref<1x800x32xf32, #tpu.memory_space<vmem>> -> memref<800x32xf32, #tpu.memory_space<vmem>>
    tpu.enqueue_dma source(%dma_start3A_1484 : memref<800x32xf32, #tpu.memory_space<vmem>>) target(%dma_start3A_1480 : memref<800x32xf32, #tpu.memory_space<hbm>>) target_semaphore(%arg14 : memref<!tpu.dma_semaphore, #tpu.memory_space<semaphore_mem>>)
    %dma_wait3A_1485 = arith.constant 0 : i32
    %dma_wait3A_1486 = arith.constant 0 : i32
    %dma_wait3A_1487 = arith.constant 0 : i32
    %dma_wait3A_1488 = tpu.memref_slice %arg6[%dma_wait3A_1485, %dma_wait3A_1486, %dma_wait3A_1487] : memref<4x800x32xf32, #tpu.memory_space<vmem>> -> memref<1x800x32xf32, #tpu.memory_space<vmem>>
    %dma_wait3A_1489 = tpu.memref_squeeze %dma_wait3A_1488 : memref<1x800x32xf32, #tpu.memory_space<vmem>> -> memref<800x32xf32, #tpu.memory_space<vmem>>
    %dma_wait3A_1490 = arith.constant 0 : i32
    %dma_wait3A_1491 = tpu.memref_slice %arg4[%add3A_1373, %dma_wait3A_1490] : memref<819200x32xf32, #tpu.memory_space<hbm>> -> memref<800x32xf32, #tpu.memory_space<hbm>>
    %dma_wait3A_1492 = arith.constant 0 : i32
    %dma_wait3A_1493 = tpu.memref_slice %arg4[%add3A_1373, %dma_wait3A_1492] : memref<819200x32xf32, #tpu.memory_space<hbm>> -> memref<800x32xf32, #tpu.memory_space<hbm>>
    %dma_wait3A_1494 = arith.constant 0 : i32
    %dma_wait3A_1495 = arith.constant 0 : i32
    %dma_wait3A_1496 = tpu.memref_slice %arg6[%dma_wait3A_1485, %dma_wait3A_1494, %dma_wait3A_1495] : memref<4x800x32xf32, #tpu.memory_space<vmem>> -> memref<1x800x32xf32, #tpu.memory_space<vmem>>
    %dma_wait3A_1497 = tpu.memref_squeeze %dma_wait3A_1496 : memref<1x800x32xf32, #tpu.memory_space<vmem>> -> memref<800x32xf32, #tpu.memory_space<vmem>>
    tpu.wait_dma2 semaphore(%arg11 : memref<!tpu.dma_semaphore, #tpu.memory_space<semaphore_mem>>) src(%dma_wait3A_1497 : memref<800x32xf32, #tpu.memory_space<vmem>>) dst(%dma_wait3A_1493 : memref<800x32xf32, #tpu.memory_space<hbm>>)
    %dma_wait3A_1498 = arith.constant 1 : i32
    %dma_wait3A_1499 = arith.constant 0 : i32
    %dma_wait3A_1500 = arith.constant 0 : i32
    %dma_wait3A_1501 = tpu.memref_slice %arg6[%dma_wait3A_1498, %dma_wait3A_1499, %dma_wait3A_1500] : memref<4x800x32xf32, #tpu.memory_space<vmem>> -> memref<1x800x32xf32, #tpu.memory_space<vmem>>
    %dma_wait3A_1502 = tpu.memref_squeeze %dma_wait3A_1501 : memref<1x800x32xf32, #tpu.memory_space<vmem>> -> memref<800x32xf32, #tpu.memory_space<vmem>>
    %dma_wait3A_1503 = arith.constant 0 : i32
    %dma_wait3A_1504 = tpu.memref_slice %arg4[%add3A_1421, %dma_wait3A_1503] : memref<819200x32xf32, #tpu.memory_space<hbm>> -> memref<800x32xf32, #tpu.memory_space<hbm>>
    %dma_wait3A_1505 = arith.constant 0 : i32
    %dma_wait3A_1506 = tpu.memref_slice %arg4[%add3A_1421, %dma_wait3A_1505] : memref<819200x32xf32, #tpu.memory_space<hbm>> -> memref<800x32xf32, #tpu.memory_space<hbm>>
    %dma_wait3A_1507 = arith.constant 0 : i32
    %dma_wait3A_1508 = arith.constant 0 : i32
    %dma_wait3A_1509 = tpu.memref_slice %arg6[%dma_wait3A_1498, %dma_wait3A_1507, %dma_wait3A_1508] : memref<4x800x32xf32, #tpu.memory_space<vmem>> -> memref<1x800x32xf32, #tpu.memory_space<vmem>>
    %dma_wait3A_1510 = tpu.memref_squeeze %dma_wait3A_1509 : memref<1x800x32xf32, #tpu.memory_space<vmem>> -> memref<800x32xf32, #tpu.memory_space<vmem>>
    tpu.wait_dma2 semaphore(%arg12 : memref<!tpu.dma_semaphore, #tpu.memory_space<semaphore_mem>>) src(%dma_wait3A_1510 : memref<800x32xf32, #tpu.memory_space<vmem>>) dst(%dma_wait3A_1506 : memref<800x32xf32, #tpu.memory_space<hbm>>)
    %dma_wait3A_1511 = arith.constant 2 : i32
    %dma_wait3A_1512 = arith.constant 0 : i32
    %dma_wait3A_1513 = arith.constant 0 : i32
    %dma_wait3A_1514 = tpu.memref_slice %arg6[%dma_wait3A_1511, %dma_wait3A_1512, %dma_wait3A_1513] : memref<4x800x32xf32, #tpu.memory_space<vmem>> -> memref<1x800x32xf32, #tpu.memory_space<vmem>>
    %dma_wait3A_1515 = tpu.memref_squeeze %dma_wait3A_1514 : memref<1x800x32xf32, #tpu.memory_space<vmem>> -> memref<800x32xf32, #tpu.memory_space<vmem>>
    %dma_wait3A_1516 = arith.constant 0 : i32
    %dma_wait3A_1517 = tpu.memref_slice %arg4[%add3A_1446, %dma_wait3A_1516] : memref<819200x32xf32, #tpu.memory_space<hbm>> -> memref<800x32xf32, #tpu.memory_space<hbm>>
    %dma_wait3A_1518 = arith.constant 0 : i32
    %dma_wait3A_1519 = tpu.memref_slice %arg4[%add3A_1446, %dma_wait3A_1518] : memref<819200x32xf32, #tpu.memory_space<hbm>> -> memref<800x32xf32, #tpu.memory_space<hbm>>
    %dma_wait3A_1520 = arith.constant 0 : i32
    %dma_wait3A_1521 = arith.constant 0 : i32
    %dma_wait3A_1522 = tpu.memref_slice %arg6[%dma_wait3A_1511, %dma_wait3A_1520, %dma_wait3A_1521] : memref<4x800x32xf32, #tpu.memory_space<vmem>> -> memref<1x800x32xf32, #tpu.memory_space<vmem>>
    %dma_wait3A_1523 = tpu.memref_squeeze %dma_wait3A_1522 : memref<1x800x32xf32, #tpu.memory_space<vmem>> -> memref<800x32xf32, #tpu.memory_space<vmem>>
    tpu.wait_dma2 semaphore(%arg13 : memref<!tpu.dma_semaphore, #tpu.memory_space<semaphore_mem>>) src(%dma_wait3A_1523 : memref<800x32xf32, #tpu.memory_space<vmem>>) dst(%dma_wait3A_1519 : memref<800x32xf32, #tpu.memory_space<hbm>>)
    %dma_wait3A_1524 = arith.constant 3 : i32
    %dma_wait3A_1525 = arith.constant 0 : i32
    %dma_wait3A_1526 = arith.constant 0 : i32
    %dma_wait3A_1527 = tpu.memref_slice %arg6[%dma_wait3A_1524, %dma_wait3A_1525, %dma_wait3A_1526] : memref<4x800x32xf32, #tpu.memory_space<vmem>> -> memref<1x800x32xf32, #tpu.memory_space<vmem>>
    %dma_wait3A_1528 = tpu.memref_squeeze %dma_wait3A_1527 : memref<1x800x32xf32, #tpu.memory_space<vmem>> -> memref<800x32xf32, #tpu.memory_space<vmem>>
    %dma_wait3A_1529 = arith.constant 0 : i32
    %dma_wait3A_1530 = tpu.memref_slice %arg4[%add3A_1471, %dma_wait3A_1529] : memref<819200x32xf32, #tpu.memory_space<hbm>> -> memref<800x32xf32, #tpu.memory_space<hbm>>
    %dma_wait3A_1531 = arith.constant 0 : i32
    %dma_wait3A_1532 = tpu.memref_slice %arg4[%add3A_1471, %dma_wait3A_1531] : memref<819200x32xf32, #tpu.memory_space<hbm>> -> memref<800x32xf32, #tpu.memory_space<hbm>>
    %dma_wait3A_1533 = arith.constant 0 : i32
    %dma_wait3A_1534 = arith.constant 0 : i32
    %dma_wait3A_1535 = tpu.memref_slice %arg6[%dma_wait3A_1524, %dma_wait3A_1533, %dma_wait3A_1534] : memref<4x800x32xf32, #tpu.memory_space<vmem>> -> memref<1x800x32xf32, #tpu.memory_space<vmem>>
    %dma_wait3A_1536 = tpu.memref_squeeze %dma_wait3A_1535 : memref<1x800x32xf32, #tpu.memory_space<vmem>> -> memref<800x32xf32, #tpu.memory_space<vmem>>
    tpu.wait_dma2 semaphore(%arg14 : memref<!tpu.dma_semaphore, #tpu.memory_space<semaphore_mem>>) src(%dma_wait3A_1536 : memref<800x32xf32, #tpu.memory_space<vmem>>) dst(%dma_wait3A_1532 : memref<800x32xf32, #tpu.memory_space<hbm>>)
    return
  }
}

</mosaic_0001>

<sc_bundles>
// kernel: kernel.3.cloned.1.call-start
scs
__scs_entry_jumppad:
0x0: {  	(pc) =	sbr.rel $0x88, $3  }
0x1: {  	(tag) =	ssettag $0x0;
	lr =	simm.s32 $0x1  }
0x2: {  	[smem:$0x3F9F] =	sst lr;
	_ =	strace $0xD0000000  }
0x3: {  	_ = 	snop  }
0x4: {  	_ = 	snop  }
0x5: {  	_ = 	snop  }
0x6: {  	_ = 	snop  }
0x7: {  	_ = 	snop  }
__scs_overlays_trampoline_lowered:
0x8: {  	[smem:$0x3FAE] =	sst s0  }
0x9: {  	[smem:$0x3FAF] =	sst s1  }
0xa: {  	[smem:$0x3FB0] =	sst s2  }
0xb: {  	[smem:$0x3FB1] =	sst s3  }
0xc: {  	[smem:$0x3FB2] =	sst s4  }
0xd: {  	[smem:$0x3FB3] =	sst s5  }
0xe: {  	[smem:$0x3FB4] =	sst s6  }
0xf: {  	[smem:$0x3FB5] =	sst s7  }
0x10: {  	[smem:$0x3FB6] =	sst s8  }
0x11: {  	[smem:$0x3FB7] =	sst s9;
	s0 =	simm.s32 @!p0 $0x0  }
0x12: {  	s1 =	sld [smem:$0x3F9D];
	s0 =	simm.s32 @p0 $0x1  }
0x13: {  	[smem:$0x3FB8] =	sst s0;
	s0 =	simm.s32 @!p1 $0x0  }
0x14: {  	s2 =	sld [smem:$0x3F9C];
	s0 =	simm.s32 @p1 $0x1  }
0x15: {  	[smem:$0x3FB9] =	sst s0;
	s0 =	simm.s32 @!p2 $0x0  }
0x16: {  	s3 =	sld [smem:$0x3FDB];
	s0 =	simm.s32 @p2 $0x1  }
0x17: {  	s4 =	simm.s32 $0x1BF5;
	[smem:$0x3FBB] =	sst s0  }
0x18: {  	s0 =	sld [smem:$0x3F9E];
	_ =	swait.ge [sflag:s4], $0x0  }
0x19: {  	s7 =	sld [smem:$0x3F9F]  }
0x1a: {  	s8 =	sadd.s32 $0xFFFFE003, lr  }
0x1b: {  	s9 =	sadd.s32 $0xFFFFFEF7, lr;
	s5 =	simm.s32 $0xFFFFFFFF;
	p2 =	slt.u32 s8, $0xFFFFF086  }
0x1c: {  	p1 =	slt.u32 s9, $0xF7A;
	s5 =	simm.s32 @!p2 $0x0  }
0x1d: {  	s5 =	simm.s32 @p1 $0x1;
	p0 =	seq.s32 s7, s2  }
0x1e: {  	s7 =	smul.u32 @!p0 $0xF7A, s2;
	p2 =	seq.s32 @!p0 s5, $0x0  }
0x1f: {  	s9 =	smul.u32 $0xF7A, s1;
	s8 =	simm.s32 @!p0 $0x1BF5;
	p2 =	por !p2, p0  }
0x20: {  	[sflag:s8] =	ssyncset.s32 @!p0 $0xFFFFF086;
	s6 =	sadd.s32 @!p0 s3, s7;
	s7 =	simm.s32 @!p0 $0x108  }
0x21: {  	s3 =	sadd.s32 s3, s9;
	s6 =	sadd.s32 @!p0 $0x88, s6;
	s7 =	simm.s32 @p2 $0x1082  }
0x22: {  	[simem:s7], [sflag:s8] =	dma.local @!p0 [hbm:s6], $0xF7A  }
0x23: {  	s9 =	sor.u32 $0xD0000000, s2;
	s6 =	simm.s32 $0x108;
	_ =	swait.ge @!p0 [sflag:s8], $0x0  }
0x24: {  	s3 =	sadd.s32 $0x88, s3;
	s6 =	simm.s32 @!p1 $0x1082;
	[sflag:s4] =	ssyncset.s32 $0xFFFFF086  }
0x25: {  	[simem:s6], [sflag:s4] =	dma.local [hbm:s3], $0xF7A  }
0x26: {  	[smem:$0x3F9F] =	sst s1;
	(tag) =	ssettag s2;
	_ =	strace s9  }
0x27: {  	s1 =	sld [smem:$0x3FAF]  }
0x28: {  	s2 =	sld [smem:$0x3FB0]  }
0x29: {  	s4 =	sld [smem:$0x3FB2]  }
0x2a: {  	p0 =	seq.s32 s5, $0x0;
	s5 =	sld [smem:$0x3FB3]  }
0x2b: {  	s6 =	sld [smem:$0x3FB4]  }
0x2c: {  	s7 =	sld [smem:$0x3FB5]  }
0x2d: {  	s3 =	simm.s32 $0x108;
	s8 =	sld [smem:$0x3FB6]  }
0x2e: {  	s3 =	simm.s32 @!p0 $0x1082;
	s9 =	sld [smem:$0x3FB7]  }
0x2f: {  	lr =	sadd.s32 s0, s3;
	s0 =	sld [smem:$0x3FAE]  }
0x30: {  	s3 =	sld [smem:$0x3FB1]  }
0x31: {  	[smem:$0x3FBA] =	sst s10  }
0x32: {  	s10 =	sld [smem:$0x3FB8];
	_ =	sdelay $0x3  }
0x33: {  	p0 =	seq.s32 s10, $0x1;
	s10 =	sld [smem:$0x3FBA];
	_ =	sdelay $0x3  }
0x34: {  	[smem:$0x3FBA] =	sst s10  }
0x35: {  	s10 =	sld [smem:$0x3FB9];
	_ =	sdelay $0x3  }
0x36: {  	p1 =	seq.s32 s10, $0x1;
	s10 =	sld [smem:$0x3FBA];
	_ =	sdelay $0x3  }
0x37: {  	[smem:$0x3FBA] =	sst s10  }
0x38: {  	s10 =	sld [smem:$0x3FBB]  }
0x39: {  	_ = 	snop;
	(pc) =	sbr.ind lr, $3  }
0x3a: {  	_ = 	snop  }
0x3b: {  	_ = 	snop  }
0x3c: {  	p2 =	seq.s32 s10, $0x1;
	s10 =	sld [smem:$0x3FBA]  }
0x3d: {  	_ =	shalt  }
0x3e: {  	_ =	shalt  }
0x3f: {  	_ =	shalt  }
0x40: {  	_ =	shalt  }
0x41: {  	_ =	shalt  }
0x42: {  	_ =	shalt  }
0x43: {  	_ =	shalt  }
0x44: {  	_ =	shalt  }
0x45: {  	_ =	shalt  }
0x46: {  	_ =	shalt  }
0x47: {  	_ =	shalt  }
0x48: {  	_ =	shalt  }
0x49: {  	_ =	shalt  }
0x4a: {  	_ =	shalt  }
0x4b: {  	_ =	shalt  }
0x4c: {  	_ =	shalt  }
0x4d: {  	_ =	shalt  }
0x4e: {  	_ =	shalt  }
0x4f: {  	_ =	shalt  }
0x50: {  	_ =	shalt  }
0x51: {  	_ =	shalt  }
0x52: {  	_ =	shalt  }
0x53: {  	_ =	shalt  }
0x54: {  	_ =	shalt  }
0x55: {  	_ =	shalt  }
0x56: {  	_ =	shalt  }
0x57: {  	_ =	shalt  }
0x58: {  	_ =	shalt  }
0x59: {  	_ =	shalt  }
0x5a: {  	_ =	shalt  }
0x5b: {  	_ =	shalt  }
0x5c: {  	_ =	shalt  }
0x5d: {  	_ =	shalt  }
0x5e: {  	_ =	shalt  }
0x5f: {  	_ =	shalt  }
0x60: {  	_ =	shalt  }
0x61: {  	_ =	shalt  }
0x62: {  	_ =	shalt  }
0x63: {  	_ =	shalt  }
0x64: {  	_ =	shalt  }
0x65: {  	_ =	shalt  }
0x66: {  	_ =	shalt  }
0x67: {  	_ =	shalt  }
0x68: {  	_ =	shalt  }
0x69: {  	_ =	shalt  }
0x6a: {  	_ =	shalt  }
0x6b: {  	_ =	shalt  }
0x6c: {  	_ =	shalt  }
0x6d: {  	_ =	shalt  }
0x6e: {  	_ =	shalt  }
0x6f: {  	_ =	shalt  }
0x70: {  	_ =	shalt  }
0x71: {  	_ =	shalt  }
0x72: {  	_ =	shalt  }
0x73: {  	_ =	shalt  }
0x74: {  	_ =	shalt  }
0x75: {  	_ =	shalt  }
0x76: {  	_ =	shalt  }
0x77: {  	_ =	shalt  }
0x78: {  	_ =	shalt  }
0x79: {  	_ =	shalt  }
0x7a: {  	_ =	shalt  }
0x7b: {  	_ =	shalt  }
0x7c: {  	_ =	shalt  }
0x7d: {  	_ =	shalt  }
0x7e: {  	_ =	shalt  }
0x7f: {  	_ =	shalt  }
0x80: {  	_ =	shalt  }
0x81: {  	_ =	shalt  }
0x82: {  	_ =	shalt  }
0x83: {  	_ =	shalt  }
0x84: {  	_ =	shalt  }
0x85: {  	_ =	shalt  }
0x86: {  	_ =	shalt  }
0x87: {  	_ =	shalt  }
.Lfunc_end0:
.L_simem_size_0:
called_computation.1_lowered:
.L_overlay_start_0:
0x88: {  	s2 =	sld [smem:$0x3FD9]  }
0x89: {  	s3 =	sld [smem:$0x3FFE];
	_ =	sdelay $0x1  }
0x8a: {  	s1 =	srdreg.scid  }
0x8b: {  	s0 =	sand.u32 $0x1, s1  }
0x8c: {  	s17 =	sshll.u32 s0, $0xA;
	s2 =	sadd.s32 s3, s2  }
0x8d: {  	s2 =	sadd.s32 s2, s17  }
0x8e: {  	[smem:$0x3FC6] =	sst s2  }
0x8f: {  	_ = 	snop  }
0x90: {  	s2 =	sld [smem:$0x3FD0];
	(tm) =	ssettm $0x1  }
0x91: {  	s18 =	sld [smem:$0x3FFB];
	_ =	sdelay $0x3  }
0x92: {  	_ =	strace s18  }
0x93: {  	s3 =	sld [smem:$0x3FFC];
	_ =	sdelay $0x3  }
0x94: {  	_ =	strace s3  }
0x95: {  	s3 =	sld [smem:$0x3FFD];
	_ =	sdelay $0x3  }
0x96: {  	_ =	strace s3  }
0x97: {  	_ =	strace $0x8FFFFFFF  }
0x98: {  	s19 =	sld [smem:$0x3FDB];
	_ =	sdelay $0x1  }
0x99: {  	s4 =	simm.s32 $_scs_section_size  }
0x9a: {  	s5 =	simm.s32 $_size__tile_overlayer_lowered;
	s6 =	simm.s32 $_tile_overlayer_lowered  }
0x9b: {  	s22 =	simm.s32 $0x1BFF;
	s21 =	sshll.u32 s6, $0x1;
	s3 =	sadd.s32 s4, s19  }
0x9c: {  	s7 =	simm.s32 $0x0;
	s20 =	sshll.u32 s5, $0x1;
	s5 =	sadd.s32 s21, s3  }
0x9d: {  	[timem:s7], [sflag:s22] =	dma.local [hbm:s5], s20  }
0x9e: {  	_ =	swait.ge [sflag:s22], s20  }
0x9f: {  	s4 =	ssub.s32 $0x0, s20;
	[sflag:s22] =	ssyncset.done $0x0  }
0xa0: {  	[sflag:s22] =	ssyncadd.s32 s4;
	_ =	sdelay $0x1  }
0xa1: {  	s23 =	simm.s32 $0x1B8B  }
0xa2: {  	_ =	swait.ge [sflag:s23], $0x1  }
0xa3: {  	[sflag:s23] =	ssyncset.done $0x0  }
0xa4: {  	s25 =	simm.s32 $0x1B8E;
	s24 =	sld [smem:$0x3FFE];
	[sflag:s23] =	ssyncadd.s32 $0xFFFFFFFF  }
0xa5: {  	s26 =	simm.s32 $execute0_lowered;
	[smem:$0x3FD2] =	sst s25  }
0xa6: {  	s5 =	sshll.u32 s26, $0x1;
	_ =	strace $0x80000046;
	[dreg:$0x1] =	wrdreg $0xFFFFFFFF  }
0xa7: {  	s28 =	simm.s32 $_size_execute0_lowered;
	s3 =	sadd.s32 s3, s5;
	[dreg:$0x0] =	wrdreg $0x0  }
0xa8: {  	s5 =	sshll.u32 s28, $0x1;
	[dreg:$0x2] =	wrdreg s3  }
0xa9: {  	[dreg:$0x3] =	wrdreg s5  }
0xaa: {  	[dreg:$0x4] =	wrdreg $0xC0  }
0xab: {  	_ =	task [dreg:s7], $0x5FFFF  }
0xac: {  	[dreg:$0x1] =	wrdreg $0xFFFFFFFF  }
0xad: {  	[dreg:$0x0] =	wrdreg $0x60  }
0xae: {  	[dreg:$0x2] =	wrdreg s24  }
0xaf: {  	[dreg:$0x3] =	wrdreg s2  }
0xb0: {  	[dreg:$0x4] =	wrdreg $0x9  }
0xb1: {  	_ =	task.clear_ibuf [dreg:s7], $0x5FFFF;
	_ =	strace $0x90000046  }
0xb2: {  	s29 =	simm.s32 $0x9;
	_ =	strace $0x80000048  }
0xb3: {  	_ =	swait.ge [sflag:s29], $0x1  }
0xb4: {  	[sflag:s29] =	ssyncadd.s32 $0xFFFFFFFF  }
0xb5: {  	_ =	strace $0x90000048  }
0xb6: {  	_ =	sfence  }
0xb7: {  	s30 =	sld [smem:$0x0];
	_ =	sdelay $0x2  }
0xb8: {  	s31 =	sshll.u32 s1, $0xD;
	s1 =	sshrl.u32 s1, $0x2  }
0xb9: {  	s3 =	sand.u32 $0x4000, s31;
	s1 =	sadd.s32 s1, s30  }
0xba: {  	s0 =	sor.u32 s3, s0;
	s1 =	sshll.u32 s1, $0x11  }
0xbb: {  	s0 =	sor.u32 s1, s0  }
0xbc: {  	s0 =	sadd.s32 $0x8F2B, s0  }
0xbd: {  	[sflag:s0] =	ssyncadd.remote.s32 $0x1  }
0xbe: {  	_ =	sfence.sel $0xFFFF  }
0xbf: {  	[dreg:$0x0] =	wrdreg $0xFFFFFFFF;
	(pc) =	sbr.abs _section_cstart, $3  }
0xc0: {  	[dreg:$0x1] =	wrdreg $0xFFFFFFFF  }
0xc1: {  	_ =	task.clear_ibuf [dreg:s7], $0x2FFFF;
	_ =	strace $0x9FFFFFFF  }
0xc2: {  	(tm) =	ssettm $0x7FFFFFFF  }
0xc3: {  	_ =	shalt  }
tec
execute0_lowered:
.L_overlay_start_1:
0x0: {  	(tag) =	ssettag $0x1  }
0x1: {  	s0 =	srdreg.scid;
	s2 =	stileid.u32  }
0x2: {  	s1 =	sand.u32 $0x1, s0;
	s22 =	sshll.u32 s2, $0x1  }
0x3: {  	s0 =	sor.u32 s1, s22  }
0x4: {  	s5 =	smul.u32 $0xC80, s0  }
0x5: {  	s3 =	rddreg [dreg:$0x0];
	s2 =	simm.s32 $0x0;
	s6 =	smul.u32 $0x19000, s0  }
0x6: {  	[smem:$0x7FF] =	sst s2;
	s0 =	smul.u32 $0xC8000, s0  }
0x7: {  	s4 =	rddreg [dreg:$0x1];
	_ =	strace $0x80000047;
	s5 =	sadd.s32 s5, s3  }
0x8: {  	s30 =	sadd.s32 s4, s6;
	s0 =	sshrl.u32 s0, $0x3;
	s5 =	sadd.s32 $0xA00, s5  }
0x9: {  	s23 =	sadd.s32 $0xC80, s30;
	s0 =	sadd.s32 s4, s0;
	[dreg:$0x3] =	wrdreg s5  }
0xa: {  	[dreg:$0x4] =	wrdreg s23;
	s4 =	sadd.s32 $0x1900, s0  }
0xb: {  	s24 =	sadd.s32 $0x2580, s0;
	[dreg:$0x5] =	wrdreg s4  }
0xc: {  	s25 =	sadd.s32 $0x3200, s0;
	[dreg:$0x6] =	wrdreg s24  }
0xd: {  	s26 =	sadd.s32 $0x3E80, s0;
	[dreg:$0x7] =	wrdreg s25  }
0xe: {  	s5 =	sadd.s32 $0x4B00, s0;
	[dreg:$0x8] =	wrdreg s26  }
0xf: {  	s6 =	sadd.s32 $0x5780, s0;
	[dreg:$0x9] =	wrdreg s5  }
0x10: {  	s7 =	sadd.s32 $0x6400, s0;
	[dreg:$0xa] =	wrdreg s6  }
0x11: {  	s8 =	sadd.s32 $0x7080, s0;
	[dreg:$0xb] =	wrdreg s7  }
0x12: {  	s9 =	sadd.s32 $0x7D00, s0;
	[dreg:$0xc] =	wrdreg s8  }
0x13: {  	s10 =	sadd.s32 $0x8980, s0;
	[dreg:$0xd] =	wrdreg s9  }
0x14: {  	s11 =	sadd.s32 $0x9600, s0;
	[dreg:$0xe] =	wrdreg s10  }
0x15: {  	s12 =	sadd.s32 $0xA280, s0;
	[dreg:$0xf] =	wrdreg s11  }
0x16: {  	s13 =	sadd.s32 $0xAF00, s0;
	[dreg:$0x10] =	wrdreg s12  }
0x17: {  	s14 =	sadd.s32 $0xBB80, s0;
	[dreg:$0x11] =	wrdreg s13  }
0x18: {  	s15 =	sadd.s32 $0xC800, s0;
	[dreg:$0x12] =	wrdreg s14  }
0x19: {  	s16 =	sadd.s32 $0xD480, s0;
	[dreg:$0x13] =	wrdreg s15  }
0x1a: {  	s17 =	sadd.s32 $0xE100, s0;
	[dreg:$0x14] =	wrdreg s16  }
0x1b: {  	s18 =	sadd.s32 $0xED80, s0;
	[dreg:$0x15] =	wrdreg s17  }
0x1c: {  	s19 =	sadd.s32 $0xFA00, s0;
	[dreg:$0x16] =	wrdreg s18  }
0x1d: {  	s20 =	sadd.s32 $0x10680, s0;
	[dreg:$0x17] =	wrdreg s19  }
0x1e: {  	s21 =	sadd.s32 $0x11300, s0;
	[dreg:$0x18] =	wrdreg s20  }
0x1f: {  	s22 =	sadd.s32 $0x11F80, s0;
	[dreg:$0x19] =	wrdreg s21  }
0x20: {  	s23 =	sadd.s32 $0x12C00, s0;
	[dreg:$0x1a] =	wrdreg s22  }
0x21: {  	[dreg:$0x1b] =	wrdreg s23;
	s24 =	sadd.s32 $0x13880, s0  }
0x22: {  	s25 =	sadd.s32 $0x14500, s0;
	[dreg:$0x1c] =	wrdreg s24  }
0x23: {  	s26 =	sadd.s32 $0x15180, s0;
	[dreg:$0x1d] =	wrdreg s25  }
0x24: {  	s5 =	sadd.s32 $0x15E00, s0;
	[dreg:$0x1e] =	wrdreg s26  }
0x25: {  	s6 =	sadd.s32 $0x16A80, s0;
	[dreg:$0x1f] =	wrdreg s5  }
0x26: {  	s7 =	sadd.s32 $0x17700, s0;
	[smem:$0x7E9] =	sst s6  }
0x27: {  	s31 =	simm.s32 $0x9;
	s0 =	sadd.s32 $0x18380, s0;
	[smem:$0x7EA] =	sst s7  }
0x28: {  	s29 =	simm.s32 $0x3E80;
	s8 =	simm.s32 $0x640;
	[smem:$0x7EB] =	sst s0  }
0x29: {  	s28 =	simm.s32 $0x41A0;
	s9 =	simm.s32 $0x960;
	[smem:$0x7EC] =	sst s8  }
0x2a: {  	p0 =	por $0x0, $0x0;
	s11 =	simm.s32 $0xC80;
	[smem:$0x7ED] =	sst s9  }
0x2b: {  	s1 =	ssub.s32 $0x2, s1;
	s12 =	simm.s32 $0xFA0;
	[smem:$0x7EE] =	sst s11  }
0x2c: {  	s3 =	sadd.s32 $0xF42E00, s3;
	s13 =	simm.s32 $0x12C0;
	[smem:$0x7EF] =	sst s12  }
0x2d: {  	s10 =	sshrl.u32 s1, $0x1;
	s14 =	simm.s32 $0x15E0;
	[smem:$0x7F0] =	sst s13  }
0x2e: {  	s15 =	simm.s32 $0x1900;
	s16 =	simm.s32 $0x1C20;
	[smem:$0x7F1] =	sst s14  }
0x2f: {  	s17 =	simm.s32 $0x1F40;
	s4 =	simm.s32 $0x12C00;
	[smem:$0x7F2] =	sst s15  }
0x30: {  	s18 =	simm.s32 $0x2260;
	s19 =	simm.s32 $0x2580;
	[smem:$0x7F3] =	sst s16  }
0x31: {  	s20 =	simm.s32 $0x28A0;
	s21 =	simm.s32 $0x2BC0;
	[smem:$0x7F4] =	sst s17  }
0x32: {  	s22 =	simm.s32 $0x2EE0;
	s23 =	simm.s32 $0x3200;
	[smem:$0x7F5] =	sst s18  }
0x33: {  	s1 =	ssub.s32 s1, s10;
	s5 =	simm.s32 $0x320;
	[smem:$0x7F6] =	sst s19  }
0x34: {  	s10 =	simm.s32 $0x6400;
	s7 =	simm.s32 $0xC800;
	[smem:$0x7F7] =	sst s20  }
0x35: {  	s16 =	simm.s32 $0x1;
	s6 =	simm.s32 $0x19000;
	[smem:$0x7F8] =	sst s21  }
0x36: {  	s13 =	simm.s32 $0x2;
	s8 =	simm.s32 $0x5;
	[smem:$0x7F9] =	sst s22  }
0x37: {  	s14 =	simm.s32 $0x3;
	s9 =	simm.s32 $0x6;
	[smem:$0x7FA] =	sst s23  }
0x38: {  	s24 =	simm.s32 $0x3520;
	s15 =	simm.s32 $0x4;
	s25 =	simm.s32 $0x3840  }
0x39: {  	s11 =	simm.s32 $0x7;
	s26 =	simm.s32 $0x3B60;
	s1 =	smax.u32 s1, $0x1  }
0x3a: {  	s12 =	simm.s32 $0x8;
	s23 =	simm.s32 $0x4E20;
	p1 =	sne.s32 s1, $0x1  }
.Ltmp0:
0x3b: {  	s22 =	simm.s32 $0x5140;
	s0 =	rddreg [dreg:$0x3];
	(pc) =	sbr.rel @!p1 .LBB2_3-.Ltmp0, $4  }
0x3c: {  	s21 =	simm.s32 $0x5460;
	s20 =	simm.s32 $0x5780;
	[smem:$0x7FB] =	sst s24  }
0x3d: {  	s19 =	simm.s32 $0x5AA0;
	s18 =	simm.s32 $0x5DC0;
	[smem:$0x7FC] =	sst s25  }
0x3e: {  	s17 =	simm.s32 $0x60E0;
	[smem:$0x7FD] =	sst s26;
	s26 =	simm.s32 $0x44C0  }
0x3f: {  	s25 =	simm.s32 $0x47E0;
	s24 =	simm.s32 $0x4B00;
	s1 =	sadd.s32 $0xFFFFFFFF, s1  }
0x40: {  	[tilespmem:s2], [sflag:$0x9] =	stream.linear.gather [hbm4b:s0+s2], $0x6400, $0x38;
	[tilespmem:$0x1F400] =	vst v63  }
0x41: {  	_ =	swait.ge [sflag:s31], $0x6400  }
0x42: {  	[sflag:s31] =	ssyncset.done $0x0  }
0x43: {  	[sflag:s31] =	ssyncadd.s32 $0xFFFF9C00  }
0x44: {  	[tilespmem:s10], [sflag:$0x1] =	stream.indirect.gather [hbm4b:s3+s5], $0x20, s2, s5, $0xb8;
	[tilespmem:$0x1F400] =	vst v63  }
0x45: {  	s0 =	sld [smem:$0x7EC]  }
0x46: {  	[tilespmem:s7], [sflag:$0x2] =	stream.indirect.gather [hbm4b:s3+s5], $0x20, s5, s5, $0xb8;
	[tilespmem:$0x1F400] =	vst v63  }
0x47: {  	_ = 	snop  }
0x48: {  	[tilespmem:s4], [sflag:$0x3] =	stream.indirect.gather [hbm4b:s3+s5], $0x20, s0, s5, $0xb8;
	[tilespmem:$0x1F400] =	vst v63  }
0x49: {  	_ =	swait.ge [sflag:s16], $0x6400  }
0x4a: {  	[sflag:s16] =	ssyncset.done $0x0  }
0x4b: {  	s0 =	sld [smem:$0x7ED];
	[sflag:s16] =	ssyncadd.s32 $0xFFFF9C00  }
0x4c: {  	[hbm4b:s30+s2] =	stream.linear.scatter [tilespmem:s10], [sflag:$0x5], $0x6400, $0x38;
	[tilespmem:$0x1F400] =	vst v63  }
0x4d: {  	_ = 	snop  }
0x4e: {  	[tilespmem:s6], [sflag:$0x4] =	stream.indirect.gather [hbm4b:s3+s5], $0x20, s0, s5, $0xb8;
	[tilespmem:$0x1F400] =	vst v63  }
0x4f: {  	_ =	swait.ge [sflag:s13], $0x6400  }
0x50: {  	[sflag:s13] =	ssyncset.done $0x0  }
0x51: {  	s0 =	rddreg [dreg:$0x4];
	[sflag:s13] =	ssyncadd.s32 $0xFFFF9C00  }
0x52: {  	[hbm4b:s0+s2] =	stream.linear.scatter [tilespmem:s7], [sflag:$0x6], $0x6400, $0x38;
	[tilespmem:$0x1F400] =	vst v63  }
0x53: {  	_ =	swait.ge [sflag:s8], $0x6400  }
0x54: {  	s0 =	sld [smem:$0x7EE]  }
0x55: {  	[sflag:s8] =	ssyncset.done $0x0  }
0x56: {  	[sflag:s8] =	ssyncadd.s32 $0xFFFF9C00  }
0x57: {  	[tilespmem:s10], [sflag:$0x1] =	stream.indirect.gather [hbm4b:s3+s5], $0x20, s0, s5, $0xb8;
	[tilespmem:$0x1F400] =	vst v63  }
0x58: {  	_ =	swait.ge [sflag:s14], $0x6400  }
0x59: {  	[sflag:s14] =	ssyncset.done $0x0  }
0x5a: {  	s0 =	rddreg [dreg:$0x5];
	[sflag:s14] =	ssyncadd.s32 $0xFFFF9C00  }
0x5b: {  	[hbm4b:s0+s2] =	stream.linear.scatter [tilespmem:s4], [sflag:$0x7], $0x6400, $0x38;
	[tilespmem:$0x1F400] =	vst v63  }
0x5c: {  	_ =	swait.ge [sflag:s9], $0x6400  }
0x5d: {  	s0 =	sld [smem:$0x7EF]  }
0x5e: {  	[sflag:s9] =	ssyncset.done $0x0  }
0x5f: {  	[sflag:s9] =	ssyncadd.s32 $0xFFFF9C00  }
0x60: {  	[tilespmem:s7], [sflag:$0x2] =	stream.indirect.gather [hbm4b:s3+s5], $0x20, s0, s5, $0xb8;
	[tilespmem:$0x1F400] =	vst v63  }
0x61: {  	_ =	swait.ge [sflag:s15], $0x6400  }
0x62: {  	[sflag:s15] =	ssyncset.done $0x0  }
0x63: {  	s0 =	rddreg [dreg:$0x6];
	[sflag:s15] =	ssyncadd.s32 $0xFFFF9C00  }
0x64: {  	[hbm4b:s0+s2] =	stream.linear.scatter [tilespmem:s6], [sflag:$0x8], $0x6400, $0x38;
	[tilespmem:$0x1F400] =	vst v63  }
0x65: {  	_ =	swait.ge [sflag:s11], $0x6400  }
0x66: {  	s0 =	sld [smem:$0x7F0]  }
0x67: {  	[sflag:s11] =	ssyncset.done $0x0  }
0x68: {  	[sflag:s11] =	ssyncadd.s32 $0xFFFF9C00  }
0x69: {  	[tilespmem:s4], [sflag:$0x3] =	stream.indirect.gather [hbm4b:s3+s5], $0x20, s0, s5, $0xb8;
	[tilespmem:$0x1F400] =	vst v63  }
0x6a: {  	_ =	swait.ge [sflag:s16], $0x6400  }
0x6b: {  	[sflag:s16] =	ssyncset.done $0x0  }
0x6c: {  	s0 =	rddreg [dreg:$0x7];
	[sflag:s16] =	ssyncadd.s32 $0xFFFF9C00  }
0x6d: {  	[hbm4b:s0+s2] =	stream.linear.scatter [tilespmem:s10], [sflag:$0x5], $0x6400, $0x38;
	[tilespmem:$0x1F400] =	vst v63  }
0x6e: {  	_ =	swait.ge [sflag:s12], $0x6400  }
0x6f: {  	s0 =	sld [smem:$0x7F1]  }
0x70: {  	[sflag:s12] =	ssyncset.done $0x0  }
0x71: {  	[sflag:s12] =	ssyncadd.s32 $0xFFFF9C00  }
0x72: {  	[tilespmem:s6], [sflag:$0x4] =	stream.indirect.gather [hbm4b:s3+s5], $0x20, s0, s5, $0xb8;
	[tilespmem:$0x1F400] =	vst v63  }
0x73: {  	_ =	swait.ge [sflag:s13], $0x6400  }
0x74: {  	[sflag:s13] =	ssyncset.done $0x0  }
0x75: {  	s0 =	rddreg [dreg:$0x8];
	[sflag:s13] =	ssyncadd.s32 $0xFFFF9C00  }
0x76: {  	[hbm4b:s0+s2] =	stream.linear.scatter [tilespmem:s7], [sflag:$0x6], $0x6400, $0x38;
	[tilespmem:$0x1F400] =	vst v63  }
0x77: {  	_ =	swait.ge [sflag:s8], $0x6400  }
0x78: {  	s0 =	sld [smem:$0x7F2]  }
0x79: {  	[sflag:s8] =	ssyncset.done $0x0  }
0x7a: {  	[sflag:s8] =	ssyncadd.s32 $0xFFFF9C00  }
0x7b: {  	[tilespmem:s10], [sflag:$0x1] =	stream.indirect.gather [hbm4b:s3+s5], $0x20, s0, s5, $0xb8;
	[tilespmem:$0x1F400] =	vst v63  }
0x7c: {  	_ =	swait.ge [sflag:s14], $0x6400  }
0x7d: {  	[sflag:s14] =	ssyncset.done $0x0  }
0x7e: {  	s0 =	rddreg [dreg:$0x9];
	[sflag:s14] =	ssyncadd.s32 $0xFFFF9C00  }
0x7f: {  	[hbm4b:s0+s2] =	stream.linear.scatter [tilespmem:s4], [sflag:$0x7], $0x6400, $0x38;
	[tilespmem:$0x1F400] =	vst v63  }
0x80: {  	_ =	swait.ge [sflag:s9], $0x6400  }
0x81: {  	s0 =	sld [smem:$0x7F3]  }
0x82: {  	[sflag:s9] =	ssyncset.done $0x0  }
0x83: {  	[sflag:s9] =	ssyncadd.s32 $0xFFFF9C00  }
0x84: {  	[tilespmem:s7], [sflag:$0x2] =	stream.indirect.gather [hbm4b:s3+s5], $0x20, s0, s5, $0xb8;
	[tilespmem:$0x1F400] =	vst v63  }
0x85: {  	_ =	swait.ge [sflag:s15], $0x6400  }
0x86: {  	[sflag:s15] =	ssyncset.done $0x0  }
0x87: {  	s0 =	rddreg [dreg:$0xa];
	[sflag:s15] =	ssyncadd.s32 $0xFFFF9C00  }
0x88: {  	[hbm4b:s0+s2] =	stream.linear.scatter [tilespmem:s6], [sflag:$0x8], $0x6400, $0x38;
	[tilespmem:$0x1F400] =	vst v63  }
0x89: {  	_ =	swait.ge [sflag:s11], $0x6400  }
0x8a: {  	s0 =	sld [smem:$0x7F4]  }
0x8b: {  	[sflag:s11] =	ssyncset.done $0x0  }
0x8c: {  	[sflag:s11] =	ssyncadd.s32 $0xFFFF9C00  }
0x8d: {  	[tilespmem:s4], [sflag:$0x3] =	stream.indirect.gather [hbm4b:s3+s5], $0x20, s0, s5, $0xb8;
	[tilespmem:$0x1F400] =	vst v63  }
0x8e: {  	_ =	swait.ge [sflag:s16], $0x6400  }
0x8f: {  	[sflag:s16] =	ssyncset.done $0x0  }
0x90: {  	s0 =	rddreg [dreg:$0xb];
	[sflag:s16] =	ssyncadd.s32 $0xFFFF9C00  }
0x91: {  	[hbm4b:s0+s2] =	stream.linear.scatter [tilespmem:s10], [sflag:$0x5], $0x6400, $0x38;
	[tilespmem:$0x1F400] =	vst v63  }
0x92: {  	_ =	swait.ge [sflag:s12], $0x6400  }
0x93: {  	s0 =	sld [smem:$0x7F5]  }
0x94: {  	[sflag:s12] =	ssyncset.done $0x0  }
0x95: {  	[sflag:s12] =	ssyncadd.s32 $0xFFFF9C00  }
0x96: {  	[tilespmem:s6], [sflag:$0x4] =	stream.indirect.gather [hbm4b:s3+s5], $0x20, s0, s5, $0xb8;
	[tilespmem:$0x1F400] =	vst v63  }
0x97: {  	_ =	swait.ge [sflag:s13], $0x6400  }
0x98: {  	[sflag:s13] =	ssyncset.done $0x0  }
0x99: {  	s0 =	rddreg [dreg:$0xc];
	[sflag:s13] =	ssyncadd.s32 $0xFFFF9C00  }
0x9a: {  	[hbm4b:s0+s2] =	stream.linear.scatter [tilespmem:s7], [sflag:$0x6], $0x6400, $0x38;
	[tilespmem:$0x1F400] =	vst v63  }
0x9b: {  	_ =	swait.ge [sflag:s8], $0x6400  }
0x9c: {  	s0 =	sld [smem:$0x7F6]  }
0x9d: {  	[sflag:s8] =	ssyncset.done $0x0  }
0x9e: {  	[sflag:s8] =	ssyncadd.s32 $0xFFFF9C00  }
0x9f: {  	[tilespmem:s10], [sflag:$0x1] =	stream.indirect.gather [hbm4b:s3+s5], $0x20, s0, s5, $0xb8;
	[tilespmem:$0x1F400] =	vst v63  }
0xa0: {  	_ =	swait.ge [sflag:s14], $0x6400  }
0xa1: {  	[sflag:s14] =	ssyncset.done $0x0  }
0xa2: {  	s0 =	rddreg [dreg:$0xd];
	[sflag:s14] =	ssyncadd.s32 $0xFFFF9C00  }
0xa3: {  	[hbm4b:s0+s2] =	stream.linear.scatter [tilespmem:s4], [sflag:$0x7], $0x6400, $0x38;
	[tilespmem:$0x1F400] =	vst v63  }
0xa4: {  	_ =	swait.ge [sflag:s9], $0x6400  }
0xa5: {  	s0 =	sld [smem:$0x7F7]  }
0xa6: {  	[sflag:s9] =	ssyncset.done $0x0  }
0xa7: {  	[sflag:s9] =	ssyncadd.s32 $0xFFFF9C00  }
0xa8: {  	[tilespmem:s7], [sflag:$0x2] =	stream.indirect.gather [hbm4b:s3+s5], $0x20, s0, s5, $0xb8;
	[tilespmem:$0x1F400] =	vst v63  }
0xa9: {  	_ =	swait.ge [sflag:s15], $0x6400  }
0xaa: {  	[sflag:s15] =	ssyncset.done $0x0  }
0xab: {  	s0 =	rddreg [dreg:$0xe];
	[sflag:s15] =	ssyncadd.s32 $0xFFFF9C00  }
0xac: {  	[hbm4b:s0+s2] =	stream.linear.scatter [tilespmem:s6], [sflag:$0x8], $0x6400, $0x38;
	[tilespmem:$0x1F400] =	vst v63  }
0xad: {  	_ =	swait.ge [sflag:s11], $0x6400  }
0xae: {  	s0 =	sld [smem:$0x7F8]  }
0xaf: {  	[sflag:s11] =	ssyncset.done $0x0  }
0xb0: {  	[sflag:s11] =	ssyncadd.s32 $0xFFFF9C00  }
0xb1: {  	[tilespmem:s4], [sflag:$0x3] =	stream.indirect.gather [hbm4b:s3+s5], $0x20, s0, s5, $0xb8;
	[tilespmem:$0x1F400] =	vst v63  }
0xb2: {  	_ =	swait.ge [sflag:s16], $0x6400  }
0xb3: {  	[sflag:s16] =	ssyncset.done $0x0  }
0xb4: {  	s0 =	rddreg [dreg:$0xf];
	[sflag:s16] =	ssyncadd.s32 $0xFFFF9C00  }
0xb5: {  	[hbm4b:s0+s2] =	stream.linear.scatter [tilespmem:s10], [sflag:$0x5], $0x6400, $0x38;
	[tilespmem:$0x1F400] =	vst v63  }
0xb6: {  	_ =	swait.ge [sflag:s12], $0x6400  }
0xb7: {  	s0 =	sld [smem:$0x7F9]  }
0xb8: {  	[sflag:s12] =	ssyncset.done $0x0  }
0xb9: {  	[sflag:s12] =	ssyncadd.s32 $0xFFFF9C00  }
0xba: {  	[tilespmem:s6], [sflag:$0x4] =	stream.indirect.gather [hbm4b:s3+s5], $0x20, s0, s5, $0xb8;
	[tilespmem:$0x1F400] =	vst v63  }
0xbb: {  	_ =	swait.ge [sflag:s13], $0x6400  }
0xbc: {  	[sflag:s13] =	ssyncset.done $0x0  }
0xbd: {  	s0 =	rddreg [dreg:$0x10];
	[sflag:s13] =	ssyncadd.s32 $0xFFFF9C00  }
0xbe: {  	[hbm4b:s0+s2] =	stream.linear.scatter [tilespmem:s7], [sflag:$0x6], $0x6400, $0x38;
	[tilespmem:$0x1F400] =	vst v63  }
0xbf: {  	_ =	swait.ge [sflag:s8], $0x6400  }
0xc0: {  	s0 =	sld [smem:$0x7FA]  }
0xc1: {  	[sflag:s8] =	ssyncset.done $0x0  }
0xc2: {  	[sflag:s8] =	ssyncadd.s32 $0xFFFF9C00  }
0xc3: {  	[tilespmem:s10], [sflag:$0x1] =	stream.indirect.gather [hbm4b:s3+s5], $0x20, s0, s5, $0xb8;
	[tilespmem:$0x1F400] =	vst v63  }
0xc4: {  	_ =	swait.ge [sflag:s14], $0x6400  }
0xc5: {  	[sflag:s14] =	ssyncset.done $0x0  }
0xc6: {  	s0 =	rddreg [dreg:$0x11];
	[sflag:s14] =	ssyncadd.s32 $0xFFFF9C00  }
0xc7: {  	[hbm4b:s0+s2] =	stream.linear.scatter [tilespmem:s4], [sflag:$0x7], $0x6400, $0x38;
	[tilespmem:$0x1F400] =	vst v63  }
0xc8: {  	_ =	swait.ge [sflag:s9], $0x6400  }
0xc9: {  	s0 =	sld [smem:$0x7FB]  }
0xca: {  	[sflag:s9] =	ssyncset.done $0x0  }
0xcb: {  	[sflag:s9] =	ssyncadd.s32 $0xFFFF9C00  }
0xcc: {  	[tilespmem:s7], [sflag:$0x2] =	stream.indirect.gather [hbm4b:s3+s5], $0x20, s0, s5, $0xb8;
	[tilespmem:$0x1F400] =	vst v63  }
0xcd: {  	_ =	swait.ge [sflag:s15], $0x6400  }
0xce: {  	[sflag:s15] =	ssyncset.done $0x0  }
0xcf: {  	s0 =	rddreg [dreg:$0x12];
	[sflag:s15] =	ssyncadd.s32 $0xFFFF9C00  }
0xd0: {  	[hbm4b:s0+s2] =	stream.linear.scatter [tilespmem:s6], [sflag:$0x8], $0x6400, $0x38;
	[tilespmem:$0x1F400] =	vst v63  }
0xd1: {  	_ =	swait.ge [sflag:s11], $0x6400  }
0xd2: {  	s0 =	sld [smem:$0x7FC]  }
0xd3: {  	[sflag:s11] =	ssyncset.done $0x0  }
0xd4: {  	[sflag:s11] =	ssyncadd.s32 $0xFFFF9C00  }
0xd5: {  	[tilespmem:s4], [sflag:$0x3] =	stream.indirect.gather [hbm4b:s3+s5], $0x20, s0, s5, $0xb8;
	[tilespmem:$0x1F400] =	vst v63  }
0xd6: {  	_ =	swait.ge [sflag:s16], $0x6400  }
0xd7: {  	[sflag:s16] =	ssyncset.done $0x0  }
0xd8: {  	s0 =	rddreg [dreg:$0x13];
	[sflag:s16] =	ssyncadd.s32 $0xFFFF9C00  }
0xd9: {  	[hbm4b:s0+s2] =	stream.linear.scatter [tilespmem:s10], [sflag:$0x5], $0x6400, $0x38;
	[tilespmem:$0x1F400] =	vst v63  }
0xda: {  	_ =	swait.ge [sflag:s12], $0x6400  }
0xdb: {  	s0 =	sld [smem:$0x7FD]  }
0xdc: {  	[sflag:s12] =	ssyncset.done $0x0  }
0xdd: {  	[sflag:s12] =	ssyncadd.s32 $0xFFFF9C00  }
0xde: {  	[tilespmem:s6], [sflag:$0x4] =	stream.indirect.gather [hbm4b:s3+s5], $0x20, s0, s5, $0xb8;
	[tilespmem:$0x1F400] =	vst v63  }
0xdf: {  	_ =	swait.ge [sflag:s13], $0x6400  }
0xe0: {  	[sflag:s13] =	ssyncset.done $0x0  }
0xe1: {  	s0 =	rddreg [dreg:$0x14];
	[sflag:s13] =	ssyncadd.s32 $0xFFFF9C00  }
0xe2: {  	[hbm4b:s0+s2] =	stream.linear.scatter [tilespmem:s7], [sflag:$0x6], $0x6400, $0x38;
	[tilespmem:$0x1F400] =	vst v63  }
0xe3: {  	_ =	swait.ge [sflag:s8], $0x6400  }
0xe4: {  	[sflag:s8] =	ssyncset.done $0x0  }
0xe5: {  	[sflag:s8] =	ssyncadd.s32 $0xFFFF9C00  }
0xe6: {  	[tilespmem:s10], [sflag:$0x1] =	stream.indirect.gather [hbm4b:s3+s5], $0x20, s29, s5, $0xb8;
	[tilespmem:$0x1F400] =	vst v63  }
0xe7: {  	_ =	swait.ge [sflag:s14], $0x6400  }
0xe8: {  	[sflag:s14] =	ssyncset.done $0x0  }
0xe9: {  	s0 =	rddreg [dreg:$0x15];
	[sflag:s14] =	ssyncadd.s32 $0xFFFF9C00  }
0xea: {  	[hbm4b:s0+s2] =	stream.linear.scatter [tilespmem:s4], [sflag:$0x7], $0x6400, $0x38;
	[tilespmem:$0x1F400] =	vst v63  }
0xeb: {  	_ =	swait.ge [sflag:s9], $0x6400  }
0xec: {  	[sflag:s9] =	ssyncset.done $0x0  }
0xed: {  	[sflag:s9] =	ssyncadd.s32 $0xFFFF9C00  }
0xee: {  	[tilespmem:s7], [sflag:$0x2] =	stream.indirect.gather [hbm4b:s3+s5], $0x20, s28, s5, $0xb8;
	[tilespmem:$0x1F400] =	vst v63  }
0xef: {  	_ =	swait.ge [sflag:s15], $0x6400  }
0xf0: {  	[sflag:s15] =	ssyncset.done $0x0  }
0xf1: {  	s0 =	rddreg [dreg:$0x16];
	[sflag:s15] =	ssyncadd.s32 $0xFFFF9C00  }
0xf2: {  	[hbm4b:s0+s2] =	stream.linear.scatter [tilespmem:s6], [sflag:$0x8], $0x6400, $0x38;
	[tilespmem:$0x1F400] =	vst v63  }
0xf3: {  	_ =	swait.ge [sflag:s11], $0x6400  }
0xf4: {  	[sflag:s11] =	ssyncset.done $0x0  }
0xf5: {  	[sflag:s11] =	ssyncadd.s32 $0xFFFF9C00  }
0xf6: {  	[tilespmem:s4], [sflag:$0x3] =	stream.indirect.gather [hbm4b:s3+s5], $0x20, s26, s5, $0xb8;
	[tilespmem:$0x1F400] =	vst v63  }
0xf7: {  	_ =	swait.ge [sflag:s16], $0x6400  }
0xf8: {  	[sflag:s16] =	ssyncset.done $0x0  }
0xf9: {  	s0 =	rddreg [dreg:$0x17];
	[sflag:s16] =	ssyncadd.s32 $0xFFFF9C00  }
0xfa: {  	[hbm4b:s0+s2] =	stream.linear.scatter [tilespmem:s10], [sflag:$0x5], $0x6400, $0x38;
	[tilespmem:$0x1F400] =	vst v63  }
0xfb: {  	_ =	swait.ge [sflag:s12], $0x6400  }
0xfc: {  	[sflag:s12] =	ssyncset.done $0x0  }
0xfd: {  	[sflag:s12] =	ssyncadd.s32 $0xFFFF9C00  }
0xfe: {  	[tilespmem:s6], [sflag:$0x4] =	stream.indirect.gather [hbm4b:s3+s5], $0x20, s25, s5, $0xb8;
	[tilespmem:$0x1F400] =	vst v63  }
0xff: {  	_ =	swait.ge [sflag:s13], $0x6400  }
0x100: {  	[sflag:s13] =	ssyncset.done $0x0  }
0x101: {  	s0 =	rddreg [dreg:$0x18];
	[sflag:s13] =	ssyncadd.s32 $0xFFFF9C00  }
0x102: {  	[hbm4b:s0+s2] =	stream.linear.scatter [tilespmem:s7], [sflag:$0x6], $0x6400, $0x38;
	[tilespmem:$0x1F400] =	vst v63  }
0x103: {  	_ =	swait.ge [sflag:s8], $0x6400  }
0x104: {  	[sflag:s8] =	ssyncset.done $0x0  }
0x105: {  	[sflag:s8] =	ssyncadd.s32 $0xFFFF9C00  }
0x106: {  	[tilespmem:s10], [sflag:$0x1] =	stream.indirect.gather [hbm4b:s3+s5], $0x20, s24, s5, $0xb8;
	[tilespmem:$0x1F400] =	vst v63  }
0x107: {  	_ =	swait.ge [sflag:s14], $0x6400  }
0x108: {  	[sflag:s14] =	ssyncset.done $0x0  }
0x109: {  	s0 =	rddreg [dreg:$0x19];
	[sflag:s14] =	ssyncadd.s32 $0xFFFF9C00  }
0x10a: {  	[hbm4b:s0+s2] =	stream.linear.scatter [tilespmem:s4], [sflag:$0x7], $0x6400, $0x38;
	[tilespmem:$0x1F400] =	vst v63  }
0x10b: {  	_ =	swait.ge [sflag:s9], $0x6400  }
0x10c: {  	[sflag:s9] =	ssyncset.done $0x0  }
0x10d: {  	[sflag:s9] =	ssyncadd.s32 $0xFFFF9C00  }
0x10e: {  	[tilespmem:s7], [sflag:$0x2] =	stream.indirect.gather [hbm4b:s3+s5], $0x20, s23, s5, $0xb8;
	[tilespmem:$0x1F400] =	vst v63  }
0x10f: {  	_ =	swait.ge [sflag:s15], $0x6400  }
0x110: {  	[sflag:s15] =	ssyncset.done $0x0  }
0x111: {  	s0 =	rddreg [dreg:$0x1a];
	[sflag:s15] =	ssyncadd.s32 $0xFFFF9C00  }
0x112: {  	[hbm4b:s0+s2] =	stream.linear.scatter [tilespmem:s6], [sflag:$0x8], $0x6400, $0x38;
	[tilespmem:$0x1F400] =	vst v63  }
0x113: {  	_ =	swait.ge [sflag:s11], $0x6400  }
0x114: {  	[sflag:s11] =	ssyncset.done $0x0  }
0x115: {  	[sflag:s11] =	ssyncadd.s32 $0xFFFF9C00  }
0x116: {  	[tilespmem:s4], [sflag:$0x3] =	stream.indirect.gather [hbm4b:s3+s5], $0x20, s22, s5, $0xb8;
	[tilespmem:$0x1F400] =	vst v63  }
0x117: {  	_ =	swait.ge [sflag:s16], $0x6400  }
0x118: {  	[sflag:s16] =	ssyncset.done $0x0  }
0x119: {  	s0 =	rddreg [dreg:$0x1b];
	[sflag:s16] =	ssyncadd.s32 $0xFFFF9C00  }
0x11a: {  	[hbm4b:s0+s2] =	stream.linear.scatter [tilespmem:s10], [sflag:$0x5], $0x6400, $0x38;
	[tilespmem:$0x1F400] =	vst v63  }
0x11b: {  	_ =	swait.ge [sflag:s12], $0x6400  }
0x11c: {  	[sflag:s12] =	ssyncset.done $0x0  }
0x11d: {  	[sflag:s12] =	ssyncadd.s32 $0xFFFF9C00  }
0x11e: {  	[tilespmem:s6], [sflag:$0x4] =	stream.indirect.gather [hbm4b:s3+s5], $0x20, s21, s5, $0xb8;
	[tilespmem:$0x1F400] =	vst v63  }
0x11f: {  	_ =	swait.ge [sflag:s13], $0x6400  }
0x120: {  	[sflag:s13] =	ssyncset.done $0x0  }
0x121: {  	s0 =	rddreg [dreg:$0x1c];
	[sflag:s13] =	ssyncadd.s32 $0xFFFF9C00  }
0x122: {  	[hbm4b:s0+s2] =	stream.linear.scatter [tilespmem:s7], [sflag:$0x6], $0x6400, $0x38;
	[tilespmem:$0x1F400] =	vst v63  }
0x123: {  	_ =	swait.ge [sflag:s8], $0x6400  }
0x124: {  	[sflag:s8] =	ssyncset.done $0x0  }
0x125: {  	[sflag:s8] =	ssyncadd.s32 $0xFFFF9C00  }
0x126: {  	[tilespmem:s10], [sflag:$0x1] =	stream.indirect.gather [hbm4b:s3+s5], $0x20, s20, s5, $0xb8;
	[tilespmem:$0x1F400] =	vst v63  }
0x127: {  	_ =	swait.ge [sflag:s14], $0x6400  }
0x128: {  	[sflag:s14] =	ssyncset.done $0x0  }
0x129: {  	s0 =	rddreg [dreg:$0x1d];
	[sflag:s14] =	ssyncadd.s32 $0xFFFF9C00  }
0x12a: {  	[hbm4b:s0+s2] =	stream.linear.scatter [tilespmem:s4], [sflag:$0x7], $0x6400, $0x38;
	[tilespmem:$0x1F400] =	vst v63  }
0x12b: {  	_ =	swait.ge [sflag:s9], $0x6400  }
0x12c: {  	[sflag:s9] =	ssyncset.done $0x0  }
0x12d: {  	[sflag:s9] =	ssyncadd.s32 $0xFFFF9C00  }
0x12e: {  	[tilespmem:s7], [sflag:$0x2] =	stream.indirect.gather [hbm4b:s3+s5], $0x20, s19, s5, $0xb8;
	[tilespmem:$0x1F400] =	vst v63  }
0x12f: {  	_ =	swait.ge [sflag:s15], $0x6400  }
0x130: {  	[sflag:s15] =	ssyncset.done $0x0  }
0x131: {  	s0 =	rddreg [dreg:$0x1e];
	[sflag:s15] =	ssyncadd.s32 $0xFFFF9C00  }
0x132: {  	[hbm4b:s0+s2] =	stream.linear.scatter [tilespmem:s6], [sflag:$0x8], $0x6400, $0x38;
	[tilespmem:$0x1F400] =	vst v63  }
0x133: {  	_ =	swait.ge [sflag:s11], $0x6400  }
0x134: {  	[sflag:s11] =	ssyncset.done $0x0  }
0x135: {  	[sflag:s11] =	ssyncadd.s32 $0xFFFF9C00  }
0x136: {  	[tilespmem:s4], [sflag:$0x3] =	stream.indirect.gather [hbm4b:s3+s5], $0x20, s18, s5, $0xb8;
	[tilespmem:$0x1F400] =	vst v63  }
0x137: {  	_ =	swait.ge [sflag:s16], $0x6400  }
0x138: {  	[sflag:s16] =	ssyncset.done $0x0  }
0x139: {  	s0 =	rddreg [dreg:$0x1f];
	[sflag:s16] =	ssyncadd.s32 $0xFFFF9C00  }
0x13a: {  	[hbm4b:s0+s2] =	stream.linear.scatter [tilespmem:s10], [sflag:$0x5], $0x6400, $0x38;
	[tilespmem:$0x1F400] =	vst v63  }
0x13b: {  	_ =	swait.ge [sflag:s12], $0x6400  }
0x13c: {  	[sflag:s12] =	ssyncset.done $0x0  }
0x13d: {  	[sflag:s12] =	ssyncadd.s32 $0xFFFF9C00  }
0x13e: {  	[tilespmem:s6], [sflag:$0x4] =	stream.indirect.gather [hbm4b:s3+s5], $0x20, s17, s5, $0xb8;
	[tilespmem:$0x1F400] =	vst v63  }
0x13f: {  	_ =	swait.ge [sflag:s13], $0x6400  }
0x140: {  	s0 =	sld [smem:$0x7E9]  }
0x141: {  	[sflag:s13] =	ssyncset.done $0x0  }
0x142: {  	[sflag:s13] =	ssyncadd.s32 $0xFFFF9C00  }
0x143: {  	[hbm4b:s0+s2] =	stream.linear.scatter [tilespmem:s7], [sflag:$0x6], $0x6400, $0x38;
	[tilespmem:$0x1F400] =	vst v63  }
0x144: {  	_ =	swait.ge [sflag:s14], $0x6400  }
0x145: {  	s0 =	sld [smem:$0x7EA]  }
0x146: {  	[sflag:s14] =	ssyncset.done $0x0  }
0x147: {  	[sflag:s14] =	ssyncadd.s32 $0xFFFF9C00  }
0x148: {  	[hbm4b:s0+s2] =	stream.linear.scatter [tilespmem:s4], [sflag:$0x7], $0x6400, $0x38;
	[tilespmem:$0x1F400] =	vst v63  }
0x149: {  	_ =	swait.ge [sflag:s15], $0x6400  }
0x14a: {  	s0 =	sld [smem:$0x7EB]  }
0x14b: {  	[sflag:s15] =	ssyncset.done $0x0  }
0x14c: {  	[sflag:s15] =	ssyncadd.s32 $0xFFFF9C00  }
0x14d: {  	[hbm4b:s0+s2] =	stream.linear.scatter [tilespmem:s6], [sflag:$0x8], $0x6400, $0x38;
	[tilespmem:$0x1F400] =	vst v63  }
0x14e: {  	_ =	swait.ge [sflag:s8], $0x6400  }
0x14f: {  	[sflag:s8] =	ssyncset.done $0x0  }
0x150: {  	[sflag:s8] =	ssyncadd.s32 $0xFFFF9C00  }
0x151: {  	_ =	swait.ge [sflag:s9], $0x6400  }
0x152: {  	[sflag:s9] =	ssyncset.done $0x0  }
0x153: {  	p1 =	sne.s32 s1, $0x1;
	[sflag:s9] =	ssyncadd.s32 $0xFFFF9C00  }
.Ltmp1:
0x154: {  	_ =	swait.ge [sflag:s11], $0x6400;
	(pc) =	sbr.rel @!p1 .LBB2_3-.Ltmp1, $4  }
0x155: {  	[sflag:s11] =	ssyncset.done $0x0  }
0x156: {  	[sflag:s11] =	ssyncadd.s32 $0xFFFF9C00  }
0x157: {  	s1 =	sadd.s32 $0xFFFFFFFF, s1;
	_ =	swait.ge [sflag:s12], $0x6400  }
0x158: {  	p0 =	por $0x1, $0x1;
	s0 =	rddreg [dreg:$0x3];
	[sflag:s12] =	ssyncset.done $0x0  }
.LBB2_2:
0x159: {  	[sflag:s12] =	ssyncadd.s32 $0xFFFF9C00  }
0x15a: {  	[tilespmem:s2], [sflag:$0x9] =	stream.linear.gather [hbm4b:s0+s2], $0x6400, $0x38;
	[tilespmem:$0x1F400] =	vst v63  }
0x15b: {  	_ =	swait.ge [sflag:s31], $0x6400  }
0x15c: {  	[sflag:s31] =	ssyncset.done $0x0  }
0x15d: {  	[sflag:s31] =	ssyncadd.s32 $0xFFFF9C00  }
0x15e: {  	[tilespmem:s10], [sflag:$0x1] =	stream.indirect.gather [hbm4b:s3+s5], $0x20, s2, s5, $0xb8;
	[tilespmem:$0x1F400] =	vst v63  }
0x15f: {  	s0 =	sld [smem:$0x7EC]  }
0x160: {  	[tilespmem:s7], [sflag:$0x2] =	stream.indirect.gather [hbm4b:s3+s5], $0x20, s5, s5, $0xb8;
	[tilespmem:$0x1F400] =	vst v63  }
0x161: {  	_ = 	snop  }
0x162: {  	[tilespmem:s4], [sflag:$0x3] =	stream.indirect.gather [hbm4b:s3+s5], $0x20, s0, s5, $0xb8;
	[tilespmem:$0x1F400] =	vst v63  }
0x163: {  	_ =	swait.ge [sflag:s16], $0x6400  }
0x164: {  	[sflag:s16] =	ssyncset.done $0x0  }
0x165: {  	s0 =	sld [smem:$0x7ED];
	[sflag:s16] =	ssyncadd.s32 $0xFFFF9C00  }
0x166: {  	[hbm4b:s30+s2] =	stream.linear.scatter [tilespmem:s10], [sflag:$0x5], $0x6400, $0x38;
	[tilespmem:$0x1F400] =	vst v63  }
0x167: {  	_ = 	snop  }
0x168: {  	[tilespmem:s6], [sflag:$0x4] =	stream.indirect.gather [hbm4b:s3+s5], $0x20, s0, s5, $0xb8;
	[tilespmem:$0x1F400] =	vst v63  }
0x169: {  	_ =	swait.ge [sflag:s13], $0x6400  }
0x16a: {  	[sflag:s13] =	ssyncset.done $0x0  }
0x16b: {  	s0 =	rddreg [dreg:$0x4];
	[sflag:s13] =	ssyncadd.s32 $0xFFFF9C00  }
0x16c: {  	[hbm4b:s0+s2] =	stream.linear.scatter [tilespmem:s7], [sflag:$0x6], $0x6400, $0x38;
	[tilespmem:$0x1F400] =	vst v63  }
0x16d: {  	_ =	swait.ge [sflag:s8], $0x6400  }
0x16e: {  	s0 =	sld [smem:$0x7EE]  }
0x16f: {  	[sflag:s8] =	ssyncset.done $0x0  }
0x170: {  	[sflag:s8] =	ssyncadd.s32 $0xFFFF9C00  }
0x171: {  	[tilespmem:s10], [sflag:$0x1] =	stream.indirect.gather [hbm4b:s3+s5], $0x20, s0, s5, $0xb8;
	[tilespmem:$0x1F400] =	vst v63  }
0x172: {  	_ =	swait.ge [sflag:s14], $0x6400  }
0x173: {  	[sflag:s14] =	ssyncset.done $0x0  }
0x174: {  	s0 =	rddreg [dreg:$0x5];
	[sflag:s14] =	ssyncadd.s32 $0xFFFF9C00  }
0x175: {  	[hbm4b:s0+s2] =	stream.linear.scatter [tilespmem:s4], [sflag:$0x7], $0x6400, $0x38;
	[tilespmem:$0x1F400] =	vst v63  }
0x176: {  	_ =	swait.ge [sflag:s9], $0x6400  }
0x177: {  	s0 =	sld [smem:$0x7EF]  }
0x178: {  	[sflag:s9] =	ssyncset.done $0x0  }
0x179: {  	[sflag:s9] =	ssyncadd.s32 $0xFFFF9C00  }
0x17a: {  	[tilespmem:s7], [sflag:$0x2] =	stream.indirect.gather [hbm4b:s3+s5], $0x20, s0, s5, $0xb8;
	[tilespmem:$0x1F400] =	vst v63  }
0x17b: {  	_ =	swait.ge [sflag:s15], $0x6400  }
0x17c: {  	[sflag:s15] =	ssyncset.done $0x0  }
0x17d: {  	s0 =	rddreg [dreg:$0x6];
	[sflag:s15] =	ssyncadd.s32 $0xFFFF9C00  }
0x17e: {  	[hbm4b:s0+s2] =	stream.linear.scatter [tilespmem:s6], [sflag:$0x8], $0x6400, $0x38;
	[tilespmem:$0x1F400] =	vst v63  }
0x17f: {  	_ =	swait.ge [sflag:s11], $0x6400  }
0x180: {  	s0 =	sld [smem:$0x7F0]  }
0x181: {  	[sflag:s11] =	ssyncset.done $0x0  }
0x182: {  	[sflag:s11] =	ssyncadd.s32 $0xFFFF9C00  }
0x183: {  	[tilespmem:s4], [sflag:$0x3] =	stream.indirect.gather [hbm4b:s3+s5], $0x20, s0, s5, $0xb8;
	[tilespmem:$0x1F400] =	vst v63  }
0x184: {  	_ =	swait.ge [sflag:s16], $0x6400  }
0x185: {  	[sflag:s16] =	ssyncset.done $0x0  }
0x186: {  	s0 =	rddreg [dreg:$0x7];
	[sflag:s16] =	ssyncadd.s32 $0xFFFF9C00  }
0x187: {  	[hbm4b:s0+s2] =	stream.linear.scatter [tilespmem:s10], [sflag:$0x5], $0x6400, $0x38;
	[tilespmem:$0x1F400] =	vst v63  }
0x188: {  	_ =	swait.ge [sflag:s12], $0x6400  }
0x189: {  	s0 =	sld [smem:$0x7F1]  }
0x18a: {  	[sflag:s12] =	ssyncset.done $0x0  }
0x18b: {  	[sflag:s12] =	ssyncadd.s32 $0xFFFF9C00  }
0x18c: {  	[tilespmem:s6], [sflag:$0x4] =	stream.indirect.gather [hbm4b:s3+s5], $0x20, s0, s5, $0xb8;
	[tilespmem:$0x1F400] =	vst v63  }
0x18d: {  	_ =	swait.ge [sflag:s13], $0x6400  }
0x18e: {  	[sflag:s13] =	ssyncset.done $0x0  }
0x18f: {  	s0 =	rddreg [dreg:$0x8];
	[sflag:s13] =	ssyncadd.s32 $0xFFFF9C00  }
0x190: {  	[hbm4b:s0+s2] =	stream.linear.scatter [tilespmem:s7], [sflag:$0x6], $0x6400, $0x38;
	[tilespmem:$0x1F400] =	vst v63  }
0x191: {  	_ =	swait.ge [sflag:s8], $0x6400  }
0x192: {  	s0 =	sld [smem:$0x7F2]  }
0x193: {  	[sflag:s8] =	ssyncset.done $0x0  }
0x194: {  	[sflag:s8] =	ssyncadd.s32 $0xFFFF9C00  }
0x195: {  	[tilespmem:s10], [sflag:$0x1] =	stream.indirect.gather [hbm4b:s3+s5], $0x20, s0, s5, $0xb8;
	[tilespmem:$0x1F400] =	vst v63  }
0x196: {  	_ =	swait.ge [sflag:s14], $0x6400  }
0x197: {  	[sflag:s14] =	ssyncset.done $0x0  }
0x198: {  	s0 =	rddreg [dreg:$0x9];
	[sflag:s14] =	ssyncadd.s32 $0xFFFF9C00  }
0x199: {  	[hbm4b:s0+s2] =	stream.linear.scatter [tilespmem:s4], [sflag:$0x7], $0x6400, $0x38;
	[tilespmem:$0x1F400] =	vst v63  }
0x19a: {  	_ =	swait.ge [sflag:s9], $0x6400  }
0x19b: {  	s0 =	sld [smem:$0x7F3]  }
0x19c: {  	[sflag:s9] =	ssyncset.done $0x0  }
0x19d: {  	[sflag:s9] =	ssyncadd.s32 $0xFFFF9C00  }
0x19e: {  	[tilespmem:s7], [sflag:$0x2] =	stream.indirect.gather [hbm4b:s3+s5], $0x20, s0, s5, $0xb8;
	[tilespmem:$0x1F400] =	vst v63  }
0x19f: {  	_ =	swait.ge [sflag:s15], $0x6400  }
0x1a0: {  	[sflag:s15] =	ssyncset.done $0x0  }
0x1a1: {  	s0 =	rddreg [dreg:$0xa];
	[sflag:s15] =	ssyncadd.s32 $0xFFFF9C00  }
0x1a2: {  	[hbm4b:s0+s2] =	stream.linear.scatter [tilespmem:s6], [sflag:$0x8], $0x6400, $0x38;
	[tilespmem:$0x1F400] =	vst v63  }
0x1a3: {  	_ =	swait.ge [sflag:s11], $0x6400  }
0x1a4: {  	s0 =	sld [smem:$0x7F4]  }
0x1a5: {  	[sflag:s11] =	ssyncset.done $0x0  }
0x1a6: {  	[sflag:s11] =	ssyncadd.s32 $0xFFFF9C00  }
0x1a7: {  	[tilespmem:s4], [sflag:$0x3] =	stream.indirect.gather [hbm4b:s3+s5], $0x20, s0, s5, $0xb8;
	[tilespmem:$0x1F400] =	vst v63  }
0x1a8: {  	_ =	swait.ge [sflag:s16], $0x6400  }
0x1a9: {  	[sflag:s16] =	ssyncset.done $0x0  }
0x1aa: {  	s0 =	rddreg [dreg:$0xb];
	[sflag:s16] =	ssyncadd.s32 $0xFFFF9C00  }
0x1ab: {  	[hbm4b:s0+s2] =	stream.linear.scatter [tilespmem:s10], [sflag:$0x5], $0x6400, $0x38;
	[tilespmem:$0x1F400] =	vst v63  }
0x1ac: {  	_ =	swait.ge [sflag:s12], $0x6400  }
0x1ad: {  	s0 =	sld [smem:$0x7F5]  }
0x1ae: {  	[sflag:s12] =	ssyncset.done $0x0  }
0x1af: {  	[sflag:s12] =	ssyncadd.s32 $0xFFFF9C00  }
0x1b0: {  	[tilespmem:s6], [sflag:$0x4] =	stream.indirect.gather [hbm4b:s3+s5], $0x20, s0, s5, $0xb8;
	[tilespmem:$0x1F400] =	vst v63  }
0x1b1: {  	_ =	swait.ge [sflag:s13], $0x6400  }
0x1b2: {  	[sflag:s13] =	ssyncset.done $0x0  }
0x1b3: {  	s0 =	rddreg [dreg:$0xc];
	[sflag:s13] =	ssyncadd.s32 $0xFFFF9C00  }
0x1b4: {  	[hbm4b:s0+s2] =	stream.linear.scatter [tilespmem:s7], [sflag:$0x6], $0x6400, $0x38;
	[tilespmem:$0x1F400] =	vst v63  }
0x1b5: {  	_ =	swait.ge [sflag:s8], $0x6400  }
0x1b6: {  	s0 =	sld [smem:$0x7F6]  }
0x1b7: {  	[sflag:s8] =	ssyncset.done $0x0  }
0x1b8: {  	[sflag:s8] =	ssyncadd.s32 $0xFFFF9C00  }
0x1b9: {  	[tilespmem:s10], [sflag:$0x1] =	stream.indirect.gather [hbm4b:s3+s5], $0x20, s0, s5, $0xb8;
	[tilespmem:$0x1F400] =	vst v63  }
0x1ba: {  	_ =	swait.ge [sflag:s14], $0x6400  }
0x1bb: {  	[sflag:s14] =	ssyncset.done $0x0  }
0x1bc: {  	s0 =	rddreg [dreg:$0xd];
	[sflag:s14] =	ssyncadd.s32 $0xFFFF9C00  }
0x1bd: {  	[hbm4b:s0+s2] =	stream.linear.scatter [tilespmem:s4], [sflag:$0x7], $0x6400, $0x38;
	[tilespmem:$0x1F400] =	vst v63  }
0x1be: {  	_ =	swait.ge [sflag:s9], $0x6400  }
0x1bf: {  	s0 =	sld [smem:$0x7F7]  }
0x1c0: {  	[sflag:s9] =	ssyncset.done $0x0  }
0x1c1: {  	[sflag:s9] =	ssyncadd.s32 $0xFFFF9C00  }
0x1c2: {  	[tilespmem:s7], [sflag:$0x2] =	stream.indirect.gather [hbm4b:s3+s5], $0x20, s0, s5, $0xb8;
	[tilespmem:$0x1F400] =	vst v63  }
0x1c3: {  	_ =	swait.ge [sflag:s15], $0x6400  }
0x1c4: {  	[sflag:s15] =	ssyncset.done $0x0  }
0x1c5: {  	s0 =	rddreg [dreg:$0xe];
	[sflag:s15] =	ssyncadd.s32 $0xFFFF9C00  }
0x1c6: {  	[hbm4b:s0+s2] =	stream.linear.scatter [tilespmem:s6], [sflag:$0x8], $0x6400, $0x38;
	[tilespmem:$0x1F400] =	vst v63  }
0x1c7: {  	_ =	swait.ge [sflag:s11], $0x6400  }
0x1c8: {  	s0 =	sld [smem:$0x7F8]  }
0x1c9: {  	[sflag:s11] =	ssyncset.done $0x0  }
0x1ca: {  	[sflag:s11] =	ssyncadd.s32 $0xFFFF9C00  }
0x1cb: {  	[tilespmem:s4], [sflag:$0x3] =	stream.indirect.gather [hbm4b:s3+s5], $0x20, s0, s5, $0xb8;
	[tilespmem:$0x1F400] =	vst v63  }
0x1cc: {  	_ =	swait.ge [sflag:s16], $0x6400  }
0x1cd: {  	[sflag:s16] =	ssyncset.done $0x0  }
0x1ce: {  	s0 =	rddreg [dreg:$0xf];
	[sflag:s16] =	ssyncadd.s32 $0xFFFF9C00  }
0x1cf: {  	[hbm4b:s0+s2] =	stream.linear.scatter [tilespmem:s10], [sflag:$0x5], $0x6400, $0x38;
	[tilespmem:$0x1F400] =	vst v63  }
0x1d0: {  	_ =	swait.ge [sflag:s12], $0x6400  }
0x1d1: {  	s0 =	sld [smem:$0x7F9]  }
0x1d2: {  	[sflag:s12] =	ssyncset.done $0x0  }
0x1d3: {  	[sflag:s12] =	ssyncadd.s32 $0xFFFF9C00  }
0x1d4: {  	[tilespmem:s6], [sflag:$0x4] =	stream.indirect.gather [hbm4b:s3+s5], $0x20, s0, s5, $0xb8;
	[tilespmem:$0x1F400] =	vst v63  }
0x1d5: {  	_ =	swait.ge [sflag:s13], $0x6400  }
0x1d6: {  	[sflag:s13] =	ssyncset.done $0x0  }
0x1d7: {  	s0 =	rddreg [dreg:$0x10];
	[sflag:s13] =	ssyncadd.s32 $0xFFFF9C00  }
0x1d8: {  	[hbm4b:s0+s2] =	stream.linear.scatter [tilespmem:s7], [sflag:$0x6], $0x6400, $0x38;
	[tilespmem:$0x1F400] =	vst v63  }
0x1d9: {  	_ =	swait.ge [sflag:s8], $0x6400  }
0x1da: {  	s0 =	sld [smem:$0x7FA]  }
0x1db: {  	[sflag:s8] =	ssyncset.done $0x0  }
0x1dc: {  	[sflag:s8] =	ssyncadd.s32 $0xFFFF9C00  }
0x1dd: {  	[tilespmem:s10], [sflag:$0x1] =	stream.indirect.gather [hbm4b:s3+s5], $0x20, s0, s5, $0xb8;
	[tilespmem:$0x1F400] =	vst v63  }
0x1de: {  	_ =	swait.ge [sflag:s14], $0x6400  }
0x1df: {  	[sflag:s14] =	ssyncset.done $0x0  }
0x1e0: {  	s0 =	rddreg [dreg:$0x11];
	[sflag:s14] =	ssyncadd.s32 $0xFFFF9C00  }
0x1e1: {  	[hbm4b:s0+s2] =	stream.linear.scatter [tilespmem:s4], [sflag:$0x7], $0x6400, $0x38;
	[tilespmem:$0x1F400] =	vst v63  }
0x1e2: {  	_ =	swait.ge [sflag:s9], $0x6400  }
0x1e3: {  	s0 =	sld [smem:$0x7FB]  }
0x1e4: {  	[sflag:s9] =	ssyncset.done $0x0  }
0x1e5: {  	[sflag:s9] =	ssyncadd.s32 $0xFFFF9C00  }
0x1e6: {  	[tilespmem:s7], [sflag:$0x2] =	stream.indirect.gather [hbm4b:s3+s5], $0x20, s0, s5, $0xb8;
	[tilespmem:$0x1F400] =	vst v63  }
0x1e7: {  	_ =	swait.ge [sflag:s15], $0x6400  }
0x1e8: {  	[sflag:s15] =	ssyncset.done $0x0  }
0x1e9: {  	s0 =	rddreg [dreg:$0x12];
	[sflag:s15] =	ssyncadd.s32 $0xFFFF9C00  }
0x1ea: {  	[hbm4b:s0+s2] =	stream.linear.scatter [tilespmem:s6], [sflag:$0x8], $0x6400, $0x38;
	[tilespmem:$0x1F400] =	vst v63  }
0x1eb: {  	_ =	swait.ge [sflag:s11], $0x6400  }
0x1ec: {  	s0 =	sld [smem:$0x7FC]  }
0x1ed: {  	[sflag:s11] =	ssyncset.done $0x0  }
0x1ee: {  	[sflag:s11] =	ssyncadd.s32 $0xFFFF9C00  }
0x1ef: {  	[tilespmem:s4], [sflag:$0x3] =	stream.indirect.gather [hbm4b:s3+s5], $0x20, s0, s5, $0xb8;
	[tilespmem:$0x1F400] =	vst v63  }
0x1f0: {  	_ =	swait.ge [sflag:s16], $0x6400  }
0x1f1: {  	[sflag:s16] =	ssyncset.done $0x0  }
0x1f2: {  	s0 =	rddreg [dreg:$0x13];
	[sflag:s16] =	ssyncadd.s32 $0xFFFF9C00  }
0x1f3: {  	[hbm4b:s0+s2] =	stream.linear.scatter [tilespmem:s10], [sflag:$0x5], $0x6400, $0x38;
	[tilespmem:$0x1F400] =	vst v63  }
0x1f4: {  	_ =	swait.ge [sflag:s12], $0x6400  }
0x1f5: {  	s0 =	sld [smem:$0x7FD]  }
0x1f6: {  	[sflag:s12] =	ssyncset.done $0x0  }
0x1f7: {  	[sflag:s12] =	ssyncadd.s32 $0xFFFF9C00  }
0x1f8: {  	[tilespmem:s6], [sflag:$0x4] =	stream.indirect.gather [hbm4b:s3+s5], $0x20, s0, s5, $0xb8;
	[tilespmem:$0x1F400] =	vst v63  }
0x1f9: {  	_ =	swait.ge [sflag:s13], $0x6400  }
0x1fa: {  	[sflag:s13] =	ssyncset.done $0x0  }
0x1fb: {  	s0 =	rddreg [dreg:$0x14];
	[sflag:s13] =	ssyncadd.s32 $0xFFFF9C00  }
0x1fc: {  	[hbm4b:s0+s2] =	stream.linear.scatter [tilespmem:s7], [sflag:$0x6], $0x6400, $0x38;
	[tilespmem:$0x1F400] =	vst v63  }
0x1fd: {  	_ =	swait.ge [sflag:s8], $0x6400  }
0x1fe: {  	[sflag:s8] =	ssyncset.done $0x0  }
0x1ff: {  	[sflag:s8] =	ssyncadd.s32 $0xFFFF9C00  }
0x200: {  	[tilespmem:s10], [sflag:$0x1] =	stream.indirect.gather [hbm4b:s3+s5], $0x20, s29, s5, $0xb8;
	[tilespmem:$0x1F400] =	vst v63  }
0x201: {  	_ =	swait.ge [sflag:s14], $0x6400  }
0x202: {  	[sflag:s14] =	ssyncset.done $0x0  }
0x203: {  	s0 =	rddreg [dreg:$0x15];
	[sflag:s14] =	ssyncadd.s32 $0xFFFF9C00  }
0x204: {  	[hbm4b:s0+s2] =	stream.linear.scatter [tilespmem:s4], [sflag:$0x7], $0x6400, $0x38;
	[tilespmem:$0x1F400] =	vst v63  }
0x205: {  	_ =	swait.ge [sflag:s9], $0x6400  }
0x206: {  	[sflag:s9] =	ssyncset.done $0x0  }
0x207: {  	[sflag:s9] =	ssyncadd.s32 $0xFFFF9C00  }
0x208: {  	[tilespmem:s7], [sflag:$0x2] =	stream.indirect.gather [hbm4b:s3+s5], $0x20, s28, s5, $0xb8;
	[tilespmem:$0x1F400] =	vst v63  }
0x209: {  	_ =	swait.ge [sflag:s15], $0x6400  }
0x20a: {  	[sflag:s15] =	ssyncset.done $0x0  }
0x20b: {  	s0 =	rddreg [dreg:$0x16];
	[sflag:s15] =	ssyncadd.s32 $0xFFFF9C00  }
0x20c: {  	[hbm4b:s0+s2] =	stream.linear.scatter [tilespmem:s6], [sflag:$0x8], $0x6400, $0x38;
	[tilespmem:$0x1F400] =	vst v63  }
0x20d: {  	_ =	swait.ge [sflag:s11], $0x6400  }
0x20e: {  	[sflag:s11] =	ssyncset.done $0x0  }
0x20f: {  	[sflag:s11] =	ssyncadd.s32 $0xFFFF9C00  }
0x210: {  	[tilespmem:s4], [sflag:$0x3] =	stream.indirect.gather [hbm4b:s3+s5], $0x20, s26, s5, $0xb8;
	[tilespmem:$0x1F400] =	vst v63  }
0x211: {  	_ =	swait.ge [sflag:s16], $0x6400  }
0x212: {  	[sflag:s16] =	ssyncset.done $0x0  }
0x213: {  	s0 =	rddreg [dreg:$0x17];
	[sflag:s16] =	ssyncadd.s32 $0xFFFF9C00  }
0x214: {  	[hbm4b:s0+s2] =	stream.linear.scatter [tilespmem:s10], [sflag:$0x5], $0x6400, $0x38;
	[tilespmem:$0x1F400] =	vst v63  }
0x215: {  	_ =	swait.ge [sflag:s12], $0x6400  }
0x216: {  	[sflag:s12] =	ssyncset.done $0x0  }
0x217: {  	[sflag:s12] =	ssyncadd.s32 $0xFFFF9C00  }
0x218: {  	[tilespmem:s6], [sflag:$0x4] =	stream.indirect.gather [hbm4b:s3+s5], $0x20, s25, s5, $0xb8;
	[tilespmem:$0x1F400] =	vst v63  }
0x219: {  	_ =	swait.ge [sflag:s13], $0x6400  }
0x21a: {  	[sflag:s13] =	ssyncset.done $0x0  }
0x21b: {  	s0 =	rddreg [dreg:$0x18];
	[sflag:s13] =	ssyncadd.s32 $0xFFFF9C00  }
0x21c: {  	[hbm4b:s0+s2] =	stream.linear.scatter [tilespmem:s7], [sflag:$0x6], $0x6400, $0x38;
	[tilespmem:$0x1F400] =	vst v63  }
0x21d: {  	_ =	swait.ge [sflag:s8], $0x6400  }
0x21e: {  	[sflag:s8] =	ssyncset.done $0x0  }
0x21f: {  	[sflag:s8] =	ssyncadd.s32 $0xFFFF9C00  }
0x220: {  	[tilespmem:s10], [sflag:$0x1] =	stream.indirect.gather [hbm4b:s3+s5], $0x20, s24, s5, $0xb8;
	[tilespmem:$0x1F400] =	vst v63  }
0x221: {  	_ =	swait.ge [sflag:s14], $0x6400  }
0x222: {  	[sflag:s14] =	ssyncset.done $0x0  }
0x223: {  	s0 =	rddreg [dreg:$0x19];
	[sflag:s14] =	ssyncadd.s32 $0xFFFF9C00  }
0x224: {  	[hbm4b:s0+s2] =	stream.linear.scatter [tilespmem:s4], [sflag:$0x7], $0x6400, $0x38;
	[tilespmem:$0x1F400] =	vst v63  }
0x225: {  	_ =	swait.ge [sflag:s9], $0x6400  }
0x226: {  	[sflag:s9] =	ssyncset.done $0x0  }
0x227: {  	[sflag:s9] =	ssyncadd.s32 $0xFFFF9C00  }
0x228: {  	[tilespmem:s7], [sflag:$0x2] =	stream.indirect.gather [hbm4b:s3+s5], $0x20, s23, s5, $0xb8;
	[tilespmem:$0x1F400] =	vst v63  }
0x229: {  	_ =	swait.ge [sflag:s15], $0x6400  }
0x22a: {  	[sflag:s15] =	ssyncset.done $0x0  }
0x22b: {  	s0 =	rddreg [dreg:$0x1a];
	[sflag:s15] =	ssyncadd.s32 $0xFFFF9C00  }
0x22c: {  	[hbm4b:s0+s2] =	stream.linear.scatter [tilespmem:s6], [sflag:$0x8], $0x6400, $0x38;
	[tilespmem:$0x1F400] =	vst v63  }
0x22d: {  	_ =	swait.ge [sflag:s11], $0x6400  }
0x22e: {  	[sflag:s11] =	ssyncset.done $0x0  }
0x22f: {  	[sflag:s11] =	ssyncadd.s32 $0xFFFF9C00  }
0x230: {  	[tilespmem:s4], [sflag:$0x3] =	stream.indirect.gather [hbm4b:s3+s5], $0x20, s22, s5, $0xb8;
	[tilespmem:$0x1F400] =	vst v63  }
0x231: {  	_ =	swait.ge [sflag:s16], $0x6400  }
0x232: {  	[sflag:s16] =	ssyncset.done $0x0  }
0x233: {  	s0 =	rddreg [dreg:$0x1b];
	[sflag:s16] =	ssyncadd.s32 $0xFFFF9C00  }
0x234: {  	[hbm4b:s0+s2] =	stream.linear.scatter [tilespmem:s10], [sflag:$0x5], $0x6400, $0x38;
	[tilespmem:$0x1F400] =	vst v63  }
0x235: {  	_ =	swait.ge [sflag:s12], $0x6400  }
0x236: {  	[sflag:s12] =	ssyncset.done $0x0  }
0x237: {  	[sflag:s12] =	ssyncadd.s32 $0xFFFF9C00  }
0x238: {  	[tilespmem:s6], [sflag:$0x4] =	stream.indirect.gather [hbm4b:s3+s5], $0x20, s21, s5, $0xb8;
	[tilespmem:$0x1F400] =	vst v63  }
0x239: {  	_ =	swait.ge [sflag:s13], $0x6400  }
0x23a: {  	[sflag:s13] =	ssyncset.done $0x0  }
0x23b: {  	s0 =	rddreg [dreg:$0x1c];
	[sflag:s13] =	ssyncadd.s32 $0xFFFF9C00  }
0x23c: {  	[hbm4b:s0+s2] =	stream.linear.scatter [tilespmem:s7], [sflag:$0x6], $0x6400, $0x38;
	[tilespmem:$0x1F400] =	vst v63  }
0x23d: {  	_ =	swait.ge [sflag:s8], $0x6400  }
0x23e: {  	[sflag:s8] =	ssyncset.done $0x0  }
0x23f: {  	[sflag:s8] =	ssyncadd.s32 $0xFFFF9C00  }
0x240: {  	[tilespmem:s10], [sflag:$0x1] =	stream.indirect.gather [hbm4b:s3+s5], $0x20, s20, s5, $0xb8;
	[tilespmem:$0x1F400] =	vst v63  }
0x241: {  	_ =	swait.ge [sflag:s14], $0x6400  }
0x242: {  	[sflag:s14] =	ssyncset.done $0x0  }
0x243: {  	s0 =	rddreg [dreg:$0x1d];
	[sflag:s14] =	ssyncadd.s32 $0xFFFF9C00  }
0x244: {  	[hbm4b:s0+s2] =	stream.linear.scatter [tilespmem:s4], [sflag:$0x7], $0x6400, $0x38;
	[tilespmem:$0x1F400] =	vst v63  }
0x245: {  	_ =	swait.ge [sflag:s9], $0x6400  }
0x246: {  	[sflag:s9] =	ssyncset.done $0x0  }
0x247: {  	[sflag:s9] =	ssyncadd.s32 $0xFFFF9C00  }
0x248: {  	[tilespmem:s7], [sflag:$0x2] =	stream.indirect.gather [hbm4b:s3+s5], $0x20, s19, s5, $0xb8;
	[tilespmem:$0x1F400] =	vst v63  }
0x249: {  	_ =	swait.ge [sflag:s15], $0x6400  }
0x24a: {  	[sflag:s15] =	ssyncset.done $0x0  }
0x24b: {  	s0 =	rddreg [dreg:$0x1e];
	[sflag:s15] =	ssyncadd.s32 $0xFFFF9C00  }
0x24c: {  	[hbm4b:s0+s2] =	stream.linear.scatter [tilespmem:s6], [sflag:$0x8], $0x6400, $0x38;
	[tilespmem:$0x1F400] =	vst v63  }
0x24d: {  	_ =	swait.ge [sflag:s11], $0x6400  }
0x24e: {  	[sflag:s11] =	ssyncset.done $0x0  }
0x24f: {  	[sflag:s11] =	ssyncadd.s32 $0xFFFF9C00  }
0x250: {  	[tilespmem:s4], [sflag:$0x3] =	stream.indirect.gather [hbm4b:s3+s5], $0x20, s18, s5, $0xb8;
	[tilespmem:$0x1F400] =	vst v63  }
0x251: {  	_ =	swait.ge [sflag:s16], $0x6400  }
0x252: {  	[sflag:s16] =	ssyncset.done $0x0  }
0x253: {  	s0 =	rddreg [dreg:$0x1f];
	[sflag:s16] =	ssyncadd.s32 $0xFFFF9C00  }
0x254: {  	[hbm4b:s0+s2] =	stream.linear.scatter [tilespmem:s10], [sflag:$0x5], $0x6400, $0x38;
	[tilespmem:$0x1F400] =	vst v63  }
0x255: {  	_ =	swait.ge [sflag:s12], $0x6400  }
0x256: {  	[sflag:s12] =	ssyncset.done $0x0  }
0x257: {  	[sflag:s12] =	ssyncadd.s32 $0xFFFF9C00  }
0x258: {  	[tilespmem:s6], [sflag:$0x4] =	stream.indirect.gather [hbm4b:s3+s5], $0x20, s17, s5, $0xb8;
	[tilespmem:$0x1F400] =	vst v63  }
0x259: {  	_ =	swait.ge [sflag:s13], $0x6400  }
0x25a: {  	s0 =	sld [smem:$0x7E9]  }
0x25b: {  	[sflag:s13] =	ssyncset.done $0x0  }
0x25c: {  	[sflag:s13] =	ssyncadd.s32 $0xFFFF9C00  }
0x25d: {  	[hbm4b:s0+s2] =	stream.linear.scatter [tilespmem:s7], [sflag:$0x6], $0x6400, $0x38;
	[tilespmem:$0x1F400] =	vst v63  }
0x25e: {  	_ =	swait.ge [sflag:s14], $0x6400  }
0x25f: {  	s0 =	sld [smem:$0x7EA]  }
0x260: {  	[sflag:s14] =	ssyncset.done $0x0  }
0x261: {  	[sflag:s14] =	ssyncadd.s32 $0xFFFF9C00  }
0x262: {  	[hbm4b:s0+s2] =	stream.linear.scatter [tilespmem:s4], [sflag:$0x7], $0x6400, $0x38;
	[tilespmem:$0x1F400] =	vst v63  }
0x263: {  	_ =	swait.ge [sflag:s15], $0x6400  }
0x264: {  	s0 =	sld [smem:$0x7EB]  }
0x265: {  	[sflag:s15] =	ssyncset.done $0x0  }
0x266: {  	[sflag:s15] =	ssyncadd.s32 $0xFFFF9C00  }
0x267: {  	[hbm4b:s0+s2] =	stream.linear.scatter [tilespmem:s6], [sflag:$0x8], $0x6400, $0x38;
	[tilespmem:$0x1F400] =	vst v63  }
0x268: {  	_ =	swait.ge [sflag:s8], $0x6400  }
0x269: {  	[sflag:s8] =	ssyncset.done $0x0  }
0x26a: {  	[sflag:s8] =	ssyncadd.s32 $0xFFFF9C00  }
0x26b: {  	_ =	swait.ge [sflag:s9], $0x6400  }
0x26c: {  	[sflag:s9] =	ssyncset.done $0x0  }
0x26d: {  	p1 =	sne.s32 s1, $0x1;
	[sflag:s9] =	ssyncadd.s32 $0xFFFF9C00  }
.Ltmp2:
0x26e: {  	_ =	swait.ge [sflag:s11], $0x6400;
	(pc) =	sbr.rel @p1 .LBB2_2-.Ltmp2, $4  }
0x26f: {  	[sflag:s11] =	ssyncset.done $0x0  }
0x270: {  	[sflag:s11] =	ssyncadd.s32 $0xFFFF9C00  }
0x271: {  	_ =	swait.ge [sflag:s12], $0x6400  }
0x272: {  	s1 =	sadd.s32 $0xFFFFFFFF, s1;
	s0 =	rddreg [dreg:$0x3];
	[sflag:s12] =	ssyncset.done $0x0  }
.LBB2_3:
0x273: {  	[sflag:s12] =	ssyncadd.s32 @p0 $0xFFFF9C00  }
0x274: {  	[tilespmem:s2], [sflag:$0x9] =	stream.linear.gather [hbm4b:s0+s2], $0x6400, $0x38;
	[tilespmem:$0x1F400] =	vst v63  }
0x275: {  	_ =	swait.ge [sflag:s31], $0x6400  }
0x276: {  	[sflag:s31] =	ssyncset.done $0x0  }
0x277: {  	[sflag:s31] =	ssyncadd.s32 $0xFFFF9C00  }
0x278: {  	[tilespmem:s10], [sflag:$0x1] =	stream.indirect.gather [hbm4b:s3+s5], $0x20, s2, s5, $0xb8;
	[tilespmem:$0x1F400] =	vst v63  }
0x279: {  	s1 =	sld [smem:$0x7EC]  }
0x27a: {  	[tilespmem:s7], [sflag:$0x2] =	stream.indirect.gather [hbm4b:s3+s5], $0x20, s5, s5, $0xb8;
	[tilespmem:$0x1F400] =	vst v63  }
0x27b: {  	_ = 	snop  }
0x27c: {  	[tilespmem:s4], [sflag:$0x3] =	stream.indirect.gather [hbm4b:s3+s5], $0x20, s1, s5, $0xb8;
	[tilespmem:$0x1F400] =	vst v63  }
0x27d: {  	_ =	swait.ge [sflag:s16], $0x6400  }
0x27e: {  	[sflag:s16] =	ssyncset.done $0x0  }
0x27f: {  	s31 =	sld [smem:$0x7ED];
	[sflag:s16] =	ssyncadd.s32 $0xFFFF9C00  }
0x280: {  	[hbm4b:s30+s2] =	stream.linear.scatter [tilespmem:s10], [sflag:$0x5], $0x6400, $0x38;
	[tilespmem:$0x1F400] =	vst v63  }
0x281: {  	_ = 	snop  }
0x282: {  	[tilespmem:s6], [sflag:$0x4] =	stream.indirect.gather [hbm4b:s3+s5], $0x20, s31, s5, $0xb8;
	[tilespmem:$0x1F400] =	vst v63  }
0x283: {  	_ =	swait.ge [sflag:s13], $0x6400  }
0x284: {  	[sflag:s13] =	ssyncset.done $0x0  }
0x285: {  	s1 =	rddreg [dreg:$0x4];
	[sflag:s13] =	ssyncadd.s32 $0xFFFF9C00  }
0x286: {  	[hbm4b:s1+s2] =	stream.linear.scatter [tilespmem:s7], [sflag:$0x6], $0x6400, $0x38;
	[tilespmem:$0x1F400] =	vst v63  }
0x287: {  	_ =	swait.ge [sflag:s8], $0x6400  }
0x288: {  	s30 =	sld [smem:$0x7EE]  }
0x289: {  	[sflag:s8] =	ssyncset.done $0x0  }
0x28a: {  	[sflag:s8] =	ssyncadd.s32 $0xFFFF9C00  }
0x28b: {  	[tilespmem:s10], [sflag:$0x1] =	stream.indirect.gather [hbm4b:s3+s5], $0x20, s30, s5, $0xb8;
	[tilespmem:$0x1F400] =	vst v63  }
0x28c: {  	_ =	swait.ge [sflag:s14], $0x6400  }
0x28d: {  	[sflag:s14] =	ssyncset.done $0x0  }
0x28e: {  	s31 =	rddreg [dreg:$0x5];
	[sflag:s14] =	ssyncadd.s32 $0xFFFF9C00  }
0x28f: {  	[hbm4b:s31+s2] =	stream.linear.scatter [tilespmem:s4], [sflag:$0x7], $0x6400, $0x38;
	[tilespmem:$0x1F400] =	vst v63  }
0x290: {  	_ =	swait.ge [sflag:s9], $0x6400  }
0x291: {  	s1 =	sld [smem:$0x7EF]  }
0x292: {  	[sflag:s9] =	ssyncset.done $0x0  }
0x293: {  	[sflag:s9] =	ssyncadd.s32 $0xFFFF9C00  }
0x294: {  	[tilespmem:s7], [sflag:$0x2] =	stream.indirect.gather [hbm4b:s3+s5], $0x20, s1, s5, $0xb8;
	[tilespmem:$0x1F400] =	vst v63  }
0x295: {  	_ =	swait.ge [sflag:s15], $0x6400  }
0x296: {  	[sflag:s15] =	ssyncset.done $0x0  }
0x297: {  	s30 =	rddreg [dreg:$0x6];
	[sflag:s15] =	ssyncadd.s32 $0xFFFF9C00  }
0x298: {  	[hbm4b:s30+s2] =	stream.linear.scatter [tilespmem:s6], [sflag:$0x8], $0x6400, $0x38;
	[tilespmem:$0x1F400] =	vst v63  }
0x299: {  	_ =	swait.ge [sflag:s11], $0x6400  }
0x29a: {  	s31 =	sld [smem:$0x7F0]  }
0x29b: {  	[sflag:s11] =	ssyncset.done $0x0  }
0x29c: {  	[sflag:s11] =	ssyncadd.s32 $0xFFFF9C00  }
0x29d: {  	[tilespmem:s4], [sflag:$0x3] =	stream.indirect.gather [hbm4b:s3+s5], $0x20, s31, s5, $0xb8;
	[tilespmem:$0x1F400] =	vst v63  }
0x29e: {  	_ =	swait.ge [sflag:s16], $0x6400  }
0x29f: {  	[sflag:s16] =	ssyncset.done $0x0  }
0x2a0: {  	s1 =	rddreg [dreg:$0x7];
	[sflag:s16] =	ssyncadd.s32 $0xFFFF9C00  }
0x2a1: {  	[hbm4b:s1+s2] =	stream.linear.scatter [tilespmem:s10], [sflag:$0x5], $0x6400, $0x38;
	[tilespmem:$0x1F400] =	vst v63  }
0x2a2: {  	_ =	swait.ge [sflag:s12], $0x6400  }
0x2a3: {  	s30 =	sld [smem:$0x7F1]  }
0x2a4: {  	[sflag:s12] =	ssyncset.done $0x0  }
0x2a5: {  	[sflag:s12] =	ssyncadd.s32 $0xFFFF9C00  }
0x2a6: {  	[tilespmem:s6], [sflag:$0x4] =	stream.indirect.gather [hbm4b:s3+s5], $0x20, s30, s5, $0xb8;
	[tilespmem:$0x1F400] =	vst v63  }
0x2a7: {  	_ =	swait.ge [sflag:s13], $0x6400  }
0x2a8: {  	[sflag:s13] =	ssyncset.done $0x0  }
0x2a9: {  	s31 =	rddreg [dreg:$0x8];
	[sflag:s13] =	ssyncadd.s32 $0xFFFF9C00  }
0x2aa: {  	[hbm4b:s31+s2] =	stream.linear.scatter [tilespmem:s7], [sflag:$0x6], $0x6400, $0x38;
	[tilespmem:$0x1F400] =	vst v63  }
0x2ab: {  	_ =	swait.ge [sflag:s8], $0x6400  }
0x2ac: {  	s1 =	sld [smem:$0x7F2]  }
0x2ad: {  	[sflag:s8] =	ssyncset.done $0x0  }
0x2ae: {  	[sflag:s8] =	ssyncadd.s32 $0xFFFF9C00  }
0x2af: {  	[tilespmem:s10], [sflag:$0x1] =	stream.indirect.gather [hbm4b:s3+s5], $0x20, s1, s5, $0xb8;
	[tilespmem:$0x1F400] =	vst v63  }
0x2b0: {  	_ =	swait.ge [sflag:s14], $0x6400  }
0x2b1: {  	[sflag:s14] =	ssyncset.done $0x0  }
0x2b2: {  	s30 =	rddreg [dreg:$0x9];
	[sflag:s14] =	ssyncadd.s32 $0xFFFF9C00  }
0x2b3: {  	[hbm4b:s30+s2] =	stream.linear.scatter [tilespmem:s4], [sflag:$0x7], $0x6400, $0x38;
	[tilespmem:$0x1F400] =	vst v63  }
0x2b4: {  	_ =	swait.ge [sflag:s9], $0x6400  }
0x2b5: {  	s31 =	sld [smem:$0x7F3]  }
0x2b6: {  	[sflag:s9] =	ssyncset.done $0x0  }
0x2b7: {  	[sflag:s9] =	ssyncadd.s32 $0xFFFF9C00  }
0x2b8: {  	[tilespmem:s7], [sflag:$0x2] =	stream.indirect.gather [hbm4b:s3+s5], $0x20, s31, s5, $0xb8;
	[tilespmem:$0x1F400] =	vst v63  }
0x2b9: {  	_ =	swait.ge [sflag:s15], $0x6400  }
0x2ba: {  	[sflag:s15] =	ssyncset.done $0x0  }
0x2bb: {  	s1 =	rddreg [dreg:$0xa];
	[sflag:s15] =	ssyncadd.s32 $0xFFFF9C00  }
0x2bc: {  	[hbm4b:s1+s2] =	stream.linear.scatter [tilespmem:s6], [sflag:$0x8], $0x6400, $0x38;
	[tilespmem:$0x1F400] =	vst v63  }
0x2bd: {  	_ =	swait.ge [sflag:s11], $0x6400  }
0x2be: {  	s30 =	sld [smem:$0x7F4]  }
0x2bf: {  	[sflag:s11] =	ssyncset.done $0x0  }
0x2c0: {  	[sflag:s11] =	ssyncadd.s32 $0xFFFF9C00  }
0x2c1: {  	[tilespmem:s4], [sflag:$0x3] =	stream.indirect.gather [hbm4b:s3+s5], $0x20, s30, s5, $0xb8;
	[tilespmem:$0x1F400] =	vst v63  }
0x2c2: {  	_ =	swait.ge [sflag:s16], $0x6400  }
0x2c3: {  	[sflag:s16] =	ssyncset.done $0x0  }
0x2c4: {  	s31 =	rddreg [dreg:$0xb];
	[sflag:s16] =	ssyncadd.s32 $0xFFFF9C00  }
0x2c5: {  	[hbm4b:s31+s2] =	stream.linear.scatter [tilespmem:s10], [sflag:$0x5], $0x6400, $0x38;
	[tilespmem:$0x1F400] =	vst v63  }
0x2c6: {  	_ =	swait.ge [sflag:s12], $0x6400  }
0x2c7: {  	s1 =	sld [smem:$0x7F5]  }
0x2c8: {  	[sflag:s12] =	ssyncset.done $0x0  }
0x2c9: {  	[sflag:s12] =	ssyncadd.s32 $0xFFFF9C00  }
0x2ca: {  	[tilespmem:s6], [sflag:$0x4] =	stream.indirect.gather [hbm4b:s3+s5], $0x20, s1, s5, $0xb8;
	[tilespmem:$0x1F400] =	vst v63  }
0x2cb: {  	_ =	swait.ge [sflag:s13], $0x6400  }
0x2cc: {  	[sflag:s13] =	ssyncset.done $0x0  }
0x2cd: {  	s30 =	rddreg [dreg:$0xc];
	[sflag:s13] =	ssyncadd.s32 $0xFFFF9C00  }
0x2ce: {  	[hbm4b:s30+s2] =	stream.linear.scatter [tilespmem:s7], [sflag:$0x6], $0x6400, $0x38;
	[tilespmem:$0x1F400] =	vst v63  }
0x2cf: {  	_ =	swait.ge [sflag:s8], $0x6400  }
0x2d0: {  	s31 =	sld [smem:$0x7F6]  }
0x2d1: {  	[sflag:s8] =	ssyncset.done $0x0  }
0x2d2: {  	[sflag:s8] =	ssyncadd.s32 $0xFFFF9C00  }
0x2d3: {  	[tilespmem:s10], [sflag:$0x1] =	stream.indirect.gather [hbm4b:s3+s5], $0x20, s31, s5, $0xb8;
	[tilespmem:$0x1F400] =	vst v63  }
0x2d4: {  	_ =	swait.ge [sflag:s14], $0x6400  }
0x2d5: {  	[sflag:s14] =	ssyncset.done $0x0  }
0x2d6: {  	s1 =	rddreg [dreg:$0xd];
	[sflag:s14] =	ssyncadd.s32 $0xFFFF9C00  }
0x2d7: {  	[hbm4b:s1+s2] =	stream.linear.scatter [tilespmem:s4], [sflag:$0x7], $0x6400, $0x38;
	[tilespmem:$0x1F400] =	vst v63  }
0x2d8: {  	_ =	swait.ge [sflag:s9], $0x6400  }
0x2d9: {  	s30 =	sld [smem:$0x7F7]  }
0x2da: {  	[sflag:s9] =	ssyncset.done $0x0  }
0x2db: {  	[sflag:s9] =	ssyncadd.s32 $0xFFFF9C00  }
0x2dc: {  	[tilespmem:s7], [sflag:$0x2] =	stream.indirect.gather [hbm4b:s3+s5], $0x20, s30, s5, $0xb8;
	[tilespmem:$0x1F400] =	vst v63  }
0x2dd: {  	_ =	swait.ge [sflag:s15], $0x6400  }
0x2de: {  	[sflag:s15] =	ssyncset.done $0x0  }
0x2df: {  	s31 =	rddreg [dreg:$0xe];
	[sflag:s15] =	ssyncadd.s32 $0xFFFF9C00  }
0x2e0: {  	[hbm4b:s31+s2] =	stream.linear.scatter [tilespmem:s6], [sflag:$0x8], $0x6400, $0x38;
	[tilespmem:$0x1F400] =	vst v63  }
0x2e1: {  	_ =	swait.ge [sflag:s11], $0x6400  }
0x2e2: {  	s1 =	sld [smem:$0x7F8]  }
0x2e3: {  	[sflag:s11] =	ssyncset.done $0x0  }
0x2e4: {  	[sflag:s11] =	ssyncadd.s32 $0xFFFF9C00  }
0x2e5: {  	[tilespmem:s4], [sflag:$0x3] =	stream.indirect.gather [hbm4b:s3+s5], $0x20, s1, s5, $0xb8;
	[tilespmem:$0x1F400] =	vst v63  }
0x2e6: {  	_ =	swait.ge [sflag:s16], $0x6400  }
0x2e7: {  	[sflag:s16] =	ssyncset.done $0x0  }
0x2e8: {  	s30 =	rddreg [dreg:$0xf];
	[sflag:s16] =	ssyncadd.s32 $0xFFFF9C00  }
0x2e9: {  	[hbm4b:s30+s2] =	stream.linear.scatter [tilespmem:s10], [sflag:$0x5], $0x6400, $0x38;
	[tilespmem:$0x1F400] =	vst v63  }
0x2ea: {  	_ =	swait.ge [sflag:s12], $0x6400  }
0x2eb: {  	s31 =	sld [smem:$0x7F9]  }
0x2ec: {  	[sflag:s12] =	ssyncset.done $0x0  }
0x2ed: {  	[sflag:s12] =	ssyncadd.s32 $0xFFFF9C00  }
0x2ee: {  	[tilespmem:s6], [sflag:$0x4] =	stream.indirect.gather [hbm4b:s3+s5], $0x20, s31, s5, $0xb8;
	[tilespmem:$0x1F400] =	vst v63  }
0x2ef: {  	_ =	swait.ge [sflag:s13], $0x6400  }
0x2f0: {  	[sflag:s13] =	ssyncset.done $0x0  }
0x2f1: {  	s1 =	rddreg [dreg:$0x10];
	[sflag:s13] =	ssyncadd.s32 $0xFFFF9C00  }
0x2f2: {  	[hbm4b:s1+s2] =	stream.linear.scatter [tilespmem:s7], [sflag:$0x6], $0x6400, $0x38;
	[tilespmem:$0x1F400] =	vst v63  }
0x2f3: {  	_ =	swait.ge [sflag:s8], $0x6400  }
0x2f4: {  	s30 =	sld [smem:$0x7FA]  }
0x2f5: {  	[sflag:s8] =	ssyncset.done $0x0  }
0x2f6: {  	[sflag:s8] =	ssyncadd.s32 $0xFFFF9C00  }
0x2f7: {  	[tilespmem:s10], [sflag:$0x1] =	stream.indirect.gather [hbm4b:s3+s5], $0x20, s30, s5, $0xb8;
	[tilespmem:$0x1F400] =	vst v63  }
0x2f8: {  	_ =	swait.ge [sflag:s14], $0x6400  }
0x2f9: {  	[sflag:s14] =	ssyncset.done $0x0  }
0x2fa: {  	s31 =	rddreg [dreg:$0x11];
	[sflag:s14] =	ssyncadd.s32 $0xFFFF9C00  }
0x2fb: {  	[hbm4b:s31+s2] =	stream.linear.scatter [tilespmem:s4], [sflag:$0x7], $0x6400, $0x38;
	[tilespmem:$0x1F400] =	vst v63  }
0x2fc: {  	_ =	swait.ge [sflag:s9], $0x6400  }
0x2fd: {  	s1 =	sld [smem:$0x7FB]  }
0x2fe: {  	[sflag:s9] =	ssyncset.done $0x0  }
0x2ff: {  	[sflag:s9] =	ssyncadd.s32 $0xFFFF9C00  }
0x300: {  	[tilespmem:s7], [sflag:$0x2] =	stream.indirect.gather [hbm4b:s3+s5], $0x20, s1, s5, $0xb8;
	[tilespmem:$0x1F400] =	vst v63  }
0x301: {  	_ =	swait.ge [sflag:s15], $0x6400  }
0x302: {  	[sflag:s15] =	ssyncset.done $0x0  }
0x303: {  	s30 =	rddreg [dreg:$0x12];
	[sflag:s15] =	ssyncadd.s32 $0xFFFF9C00  }
0x304: {  	[hbm4b:s30+s2] =	stream.linear.scatter [tilespmem:s6], [sflag:$0x8], $0x6400, $0x38;
	[tilespmem:$0x1F400] =	vst v63  }
0x305: {  	_ =	swait.ge [sflag:s11], $0x6400  }
0x306: {  	s31 =	sld [smem:$0x7FC]  }
0x307: {  	[sflag:s11] =	ssyncset.done $0x0  }
0x308: {  	[sflag:s11] =	ssyncadd.s32 $0xFFFF9C00  }
0x309: {  	[tilespmem:s4], [sflag:$0x3] =	stream.indirect.gather [hbm4b:s3+s5], $0x20, s31, s5, $0xb8;
	[tilespmem:$0x1F400] =	vst v63  }
0x30a: {  	_ =	swait.ge [sflag:s16], $0x6400  }
0x30b: {  	[sflag:s16] =	ssyncset.done $0x0  }
0x30c: {  	s1 =	rddreg [dreg:$0x13];
	[sflag:s16] =	ssyncadd.s32 $0xFFFF9C00  }
0x30d: {  	[hbm4b:s1+s2] =	stream.linear.scatter [tilespmem:s10], [sflag:$0x5], $0x6400, $0x38;
	[tilespmem:$0x1F400] =	vst v63  }
0x30e: {  	_ =	swait.ge [sflag:s12], $0x6400  }
0x30f: {  	s30 =	sld [smem:$0x7FD]  }
0x310: {  	[sflag:s12] =	ssyncset.done $0x0  }
0x311: {  	[sflag:s12] =	ssyncadd.s32 $0xFFFF9C00  }
0x312: {  	[tilespmem:s6], [sflag:$0x4] =	stream.indirect.gather [hbm4b:s3+s5], $0x20, s30, s5, $0xb8;
	[tilespmem:$0x1F400] =	vst v63  }
0x313: {  	_ =	swait.ge [sflag:s13], $0x6400  }
0x314: {  	[sflag:s13] =	ssyncset.done $0x0  }
0x315: {  	s31 =	rddreg [dreg:$0x14];
	[sflag:s13] =	ssyncadd.s32 $0xFFFF9C00  }
0x316: {  	[hbm4b:s31+s2] =	stream.linear.scatter [tilespmem:s7], [sflag:$0x6], $0x6400, $0x38;
	[tilespmem:$0x1F400] =	vst v63  }
0x317: {  	_ =	swait.ge [sflag:s8], $0x6400  }
0x318: {  	[sflag:s8] =	ssyncset.done $0x0  }
0x319: {  	[sflag:s8] =	ssyncadd.s32 $0xFFFF9C00  }
0x31a: {  	[tilespmem:s10], [sflag:$0x1] =	stream.indirect.gather [hbm4b:s3+s5], $0x20, s29, s5, $0xb8;
	[tilespmem:$0x1F400] =	vst v63  }
0x31b: {  	_ =	swait.ge [sflag:s14], $0x6400  }
0x31c: {  	[sflag:s14] =	ssyncset.done $0x0  }
0x31d: {  	s1 =	rddreg [dreg:$0x15];
	[sflag:s14] =	ssyncadd.s32 $0xFFFF9C00  }
0x31e: {  	[hbm4b:s1+s2] =	stream.linear.scatter [tilespmem:s4], [sflag:$0x7], $0x6400, $0x38;
	[tilespmem:$0x1F400] =	vst v63  }
0x31f: {  	_ =	swait.ge [sflag:s9], $0x6400  }
0x320: {  	[sflag:s9] =	ssyncset.done $0x0  }
0x321: {  	[sflag:s9] =	ssyncadd.s32 $0xFFFF9C00  }
0x322: {  	[tilespmem:s7], [sflag:$0x2] =	stream.indirect.gather [hbm4b:s3+s5], $0x20, s28, s5, $0xb8;
	[tilespmem:$0x1F400] =	vst v63  }
0x323: {  	_ =	swait.ge [sflag:s15], $0x6400  }
0x324: {  	[sflag:s15] =	ssyncset.done $0x0  }
0x325: {  	s28 =	rddreg [dreg:$0x16];
	[sflag:s15] =	ssyncadd.s32 $0xFFFF9C00  }
0x326: {  	[hbm4b:s28+s2] =	stream.linear.scatter [tilespmem:s6], [sflag:$0x8], $0x6400, $0x38;
	[tilespmem:$0x1F400] =	vst v63  }
0x327: {  	_ =	swait.ge [sflag:s11], $0x6400  }
0x328: {  	[sflag:s11] =	ssyncset.done $0x0  }
0x329: {  	[sflag:s11] =	ssyncadd.s32 $0xFFFF9C00  }
0x32a: {  	[tilespmem:s4], [sflag:$0x3] =	stream.indirect.gather [hbm4b:s3+s5], $0x20, s26, s5, $0xb8;
	[tilespmem:$0x1F400] =	vst v63  }
0x32b: {  	_ =	swait.ge [sflag:s16], $0x6400  }
0x32c: {  	[sflag:s16] =	ssyncset.done $0x0  }
0x32d: {  	s29 =	rddreg [dreg:$0x17];
	[sflag:s16] =	ssyncadd.s32 $0xFFFF9C00  }
0x32e: {  	[hbm4b:s29+s2] =	stream.linear.scatter [tilespmem:s10], [sflag:$0x5], $0x6400, $0x38;
	[tilespmem:$0x1F400] =	vst v63  }
0x32f: {  	_ =	swait.ge [sflag:s12], $0x6400  }
0x330: {  	[sflag:s12] =	ssyncset.done $0x0  }
0x331: {  	[sflag:s12] =	ssyncadd.s32 $0xFFFF9C00  }
0x332: {  	[tilespmem:s6], [sflag:$0x4] =	stream.indirect.gather [hbm4b:s3+s5], $0x20, s25, s5, $0xb8;
	[tilespmem:$0x1F400] =	vst v63  }
0x333: {  	_ =	swait.ge [sflag:s13], $0x6400  }
0x334: {  	[sflag:s13] =	ssyncset.done $0x0  }
0x335: {  	s30 =	rddreg [dreg:$0x18];
	[sflag:s13] =	ssyncadd.s32 $0xFFFF9C00  }
0x336: {  	[hbm4b:s30+s2] =	stream.linear.scatter [tilespmem:s7], [sflag:$0x6], $0x6400, $0x38;
	[tilespmem:$0x1F400] =	vst v63  }
0x337: {  	_ =	swait.ge [sflag:s8], $0x6400  }
0x338: {  	[sflag:s8] =	ssyncset.done $0x0  }
0x339: {  	[sflag:s8] =	ssyncadd.s32 $0xFFFF9C00  }
0x33a: {  	[tilespmem:s10], [sflag:$0x1] =	stream.indirect.gather [hbm4b:s3+s5], $0x20, s24, s5, $0xb8;
	[tilespmem:$0x1F400] =	vst v63  }
0x33b: {  	_ =	swait.ge [sflag:s14], $0x6400  }
0x33c: {  	[sflag:s14] =	ssyncset.done $0x0  }
0x33d: {  	s31 =	rddreg [dreg:$0x19];
	[sflag:s14] =	ssyncadd.s32 $0xFFFF9C00  }
0x33e: {  	[hbm4b:s31+s2] =	stream.linear.scatter [tilespmem:s4], [sflag:$0x7], $0x6400, $0x38;
	[tilespmem:$0x1F400] =	vst v63  }
0x33f: {  	_ =	swait.ge [sflag:s9], $0x6400  }
0x340: {  	[sflag:s9] =	ssyncset.done $0x0  }
0x341: {  	[sflag:s9] =	ssyncadd.s32 $0xFFFF9C00  }
0x342: {  	[tilespmem:s7], [sflag:$0x2] =	stream.indirect.gather [hbm4b:s3+s5], $0x20, s23, s5, $0xb8;
	[tilespmem:$0x1F400] =	vst v63  }
0x343: {  	_ =	swait.ge [sflag:s15], $0x6400  }
0x344: {  	[sflag:s15] =	ssyncset.done $0x0  }
0x345: {  	s1 =	rddreg [dreg:$0x1a];
	[sflag:s15] =	ssyncadd.s32 $0xFFFF9C00  }
0x346: {  	[hbm4b:s1+s2] =	stream.linear.scatter [tilespmem:s6], [sflag:$0x8], $0x6400, $0x38;
	[tilespmem:$0x1F400] =	vst v63  }
0x347: {  	_ =	swait.ge [sflag:s11], $0x6400  }
0x348: {  	[sflag:s11] =	ssyncset.done $0x0  }
0x349: {  	[sflag:s11] =	ssyncadd.s32 $0xFFFF9C00  }
0x34a: {  	[tilespmem:s4], [sflag:$0x3] =	stream.indirect.gather [hbm4b:s3+s5], $0x20, s22, s5, $0xb8;
	[tilespmem:$0x1F400] =	vst v63  }
0x34b: {  	_ =	swait.ge [sflag:s16], $0x6400  }
0x34c: {  	[sflag:s16] =	ssyncset.done $0x0  }
0x34d: {  	s22 =	rddreg [dreg:$0x1b];
	[sflag:s16] =	ssyncadd.s32 $0xFFFF9C00  }
0x34e: {  	[hbm4b:s22+s2] =	stream.linear.scatter [tilespmem:s10], [sflag:$0x5], $0x6400, $0x38;
	[tilespmem:$0x1F400] =	vst v63  }
0x34f: {  	_ =	swait.ge [sflag:s12], $0x6400  }
0x350: {  	[sflag:s12] =	ssyncset.done $0x0  }
0x351: {  	[sflag:s12] =	ssyncadd.s32 $0xFFFF9C00  }
0x352: {  	[tilespmem:s6], [sflag:$0x4] =	stream.indirect.gather [hbm4b:s3+s5], $0x20, s21, s5, $0xb8;
	[tilespmem:$0x1F400] =	vst v63  }
0x353: {  	_ =	swait.ge [sflag:s13], $0x6400  }
0x354: {  	[sflag:s13] =	ssyncset.done $0x0  }
0x355: {  	s23 =	rddreg [dreg:$0x1c];
	[sflag:s13] =	ssyncadd.s32 $0xFFFF9C00  }
0x356: {  	[hbm4b:s23+s2] =	stream.linear.scatter [tilespmem:s7], [sflag:$0x6], $0x6400, $0x38;
	[tilespmem:$0x1F400] =	vst v63  }
0x357: {  	_ =	swait.ge [sflag:s8], $0x6400  }
0x358: {  	[sflag:s8] =	ssyncset.done $0x0  }
0x359: {  	[sflag:s8] =	ssyncadd.s32 $0xFFFF9C00  }
0x35a: {  	[tilespmem:s10], [sflag:$0x1] =	stream.indirect.gather [hbm4b:s3+s5], $0x20, s20, s5, $0xb8;
	[tilespmem:$0x1F400] =	vst v63  }
0x35b: {  	_ =	swait.ge [sflag:s14], $0x6400  }
0x35c: {  	[sflag:s14] =	ssyncset.done $0x0  }
0x35d: {  	s24 =	rddreg [dreg:$0x1d];
	[sflag:s14] =	ssyncadd.s32 $0xFFFF9C00  }
0x35e: {  	[hbm4b:s24+s2] =	stream.linear.scatter [tilespmem:s4], [sflag:$0x7], $0x6400, $0x38;
	[tilespmem:$0x1F400] =	vst v63  }
0x35f: {  	_ =	swait.ge [sflag:s9], $0x6400  }
0x360: {  	[sflag:s9] =	ssyncset.done $0x0  }
0x361: {  	[sflag:s9] =	ssyncadd.s32 $0xFFFF9C00  }
0x362: {  	[tilespmem:s7], [sflag:$0x2] =	stream.indirect.gather [hbm4b:s3+s5], $0x20, s19, s5, $0xb8;
	[tilespmem:$0x1F400] =	vst v63  }
0x363: {  	_ =	swait.ge [sflag:s15], $0x6400  }
0x364: {  	[sflag:s15] =	ssyncset.done $0x0  }
0x365: {  	s25 =	rddreg [dreg:$0x1e];
	[sflag:s15] =	ssyncadd.s32 $0xFFFF9C00  }
0x366: {  	[hbm4b:s25+s2] =	stream.linear.scatter [tilespmem:s6], [sflag:$0x8], $0x6400, $0x38;
	[tilespmem:$0x1F400] =	vst v63  }
0x367: {  	_ =	swait.ge [sflag:s11], $0x6400  }
0x368: {  	[sflag:s11] =	ssyncset.done $0x0  }
0x369: {  	[sflag:s11] =	ssyncadd.s32 $0xFFFF9C00  }
0x36a: {  	[tilespmem:s4], [sflag:$0x3] =	stream.indirect.gather [hbm4b:s3+s5], $0x20, s18, s5, $0xb8;
	[tilespmem:$0x1F400] =	vst v63  }
0x36b: {  	_ =	swait.ge [sflag:s16], $0x6400  }
0x36c: {  	[sflag:s16] =	ssyncset.done $0x0  }
0x36d: {  	s26 =	rddreg [dreg:$0x1f];
	[sflag:s16] =	ssyncadd.s32 $0xFFFF9C00  }
0x36e: {  	[hbm4b:s26+s2] =	stream.linear.scatter [tilespmem:s10], [sflag:$0x5], $0x6400, $0x38;
	[tilespmem:$0x1F400] =	vst v63  }
0x36f: {  	_ =	swait.ge [sflag:s12], $0x6400  }
0x370: {  	[sflag:s12] =	ssyncset.done $0x0  }
0x371: {  	[sflag:s12] =	ssyncadd.s32 $0xFFFF9C00  }
0x372: {  	[tilespmem:s6], [sflag:$0x4] =	stream.indirect.gather [hbm4b:s3+s5], $0x20, s17, s5, $0xb8;
	[tilespmem:$0x1F400] =	vst v63  }
0x373: {  	_ =	swait.ge [sflag:s13], $0x6400  }
0x374: {  	s28 =	sld [smem:$0x7E9]  }
0x375: {  	[sflag:s13] =	ssyncset.done $0x0  }
0x376: {  	[sflag:s13] =	ssyncadd.s32 $0xFFFF9C00  }
0x377: {  	[hbm4b:s28+s2] =	stream.linear.scatter [tilespmem:s7], [sflag:$0x6], $0x6400, $0x38;
	[tilespmem:$0x1F400] =	vst v63  }
0x378: {  	_ =	swait.ge [sflag:s14], $0x6400  }
0x379: {  	s29 =	sld [smem:$0x7EA]  }
0x37a: {  	[sflag:s14] =	ssyncset.done $0x0  }
0x37b: {  	[sflag:s14] =	ssyncadd.s32 $0xFFFF9C00  }
0x37c: {  	[hbm4b:s29+s2] =	stream.linear.scatter [tilespmem:s4], [sflag:$0x7], $0x6400, $0x38;
	[tilespmem:$0x1F400] =	vst v63  }
0x37d: {  	_ =	swait.ge [sflag:s15], $0x6400  }
0x37e: {  	s30 =	sld [smem:$0x7EB]  }
0x37f: {  	[sflag:s15] =	ssyncset.done $0x0  }
0x380: {  	[sflag:s15] =	ssyncadd.s32 $0xFFFF9C00  }
0x381: {  	[hbm4b:s30+s2] =	stream.linear.scatter [tilespmem:s6], [sflag:$0x8], $0x6400, $0x38;
	[tilespmem:$0x1F400] =	vst v63  }
0x382: {  	_ =	swait.ge [sflag:s8], $0x6400  }
0x383: {  	[sflag:s8] =	ssyncset.done $0x0  }
0x384: {  	[sflag:s8] =	ssyncadd.s32 $0xFFFF9C00  }
0x385: {  	_ =	swait.ge [sflag:s9], $0x6400  }
0x386: {  	[sflag:s9] =	ssyncset.done $0x0  }
0x387: {  	[sflag:s9] =	ssyncadd.s32 $0xFFFF9C00  }
0x388: {  	_ =	swait.ge [sflag:s11], $0x6400  }
0x389: {  	[sflag:s11] =	ssyncset.done $0x0  }
0x38a: {  	[sflag:s11] =	ssyncadd.s32 $0xFFFF9C00  }
0x38b: {  	_ =	swait.ge [sflag:s12], $0x6400  }
0x38c: {  	[sflag:s12] =	ssyncset.done $0x0  }
0x38d: {  	[sflag:s12] =	ssyncadd.s32 $0xFFFF9C00  }
0x38e: {  	_ =	sfence.sel $0x180000  }
0x38f: {  	[bflag:$0x0] =	sbarrier.arrive $0xFFFF  }
0x390: {  	_ =	strace $0x90000047  }
0x391: {  	s31 =	stileid.u32;
	[bflag:$0x2] =	sbarrier.arrive $0xFFFF  }
0x392: {  	p0 =	sne.s32 s31, $0x0;
	s0 =	rddreg [dreg:$0x2]  }
0x393: {  	s0 =	sadd.s32 @!p0 $0x100000, s0  }
0x394: {  	[sflag:s0] =	ssyncadd.tile.s32 @!p0 $0x1;
	_ =	shalt  }
.Lfunc_end2:
_tile_overlayer_lowered:
.L_overlay_start_2:
0x395: {  	(tag) =	ssettag $0x2  }
0x396: {  	s0 =	rddreg [dreg:$0x0];
	s2 =	stileid.u32  }
0x397: {  	s1 =	rddreg [dreg:$0x1];
	p0 =	sne.s32 s2, $0x0  }
0x398: {  	s3 =	rddreg [dreg:$0x2];
	[bflag:$0x3] =	sbarrier.arrive $0xFFFF;
	s2 =	simm.s32 @!p0 $0x1C09  }
0x399: {  	[timem:s3], [sflag:s2] =	dma.local @!p0 [hbm:s0], s1  }
0x39a: {  	s0 =	simm.s32 @!p0 $0x9  }
0x39b: {  	_ =	swait.ge @!p0 [sflag:s0], s1  }
0x39c: {  	s1 =	ssub.s32 @!p0 $0x0, s1;
	[sflag:s0] =	ssyncset.done @!p0 $0x0  }
0x39d: {  	[sflag:s0] =	ssyncadd.s32 @!p0 s1  }
0x39e: {  	[bflag:$0x3] =	sbarrier.arrive $0xFFFF  }
0x39f: {  	_ =	shalt  }

// kernel: sparse-core-data-format-call.cloned.1.call-start
scs
called_computation_lowered:
.L_overlay_start_0:
0x0: {  	s2 =	sld [smem:$0x3FD9]  }
0x1: {  	s3 =	sld [smem:$0x3FFE];
	_ =	sdelay $0x1  }
0x2: {  	s1 =	srdreg.scid  }
0x3: {  	s0 =	sand.u32 $0x1, s1  }
0x4: {  	s18 =	sshll.u32 s0, $0xA;
	s2 =	sadd.s32 s3, s2  }
0x5: {  	s2 =	sadd.s32 s2, s18  }
0x6: {  	[smem:$0x3FC6] =	sst s2  }
0x7: {  	_ = 	snop  }
0x8: {  	s2 =	sld [smem:$0x3FD0];
	(tm) =	ssettm $0x1  }
0x9: {  	s19 =	sld [smem:$0x3FFB];
	_ =	sdelay $0x3  }
0xa: {  	_ =	strace s19  }
0xb: {  	s3 =	sld [smem:$0x3FFC];
	_ =	sdelay $0x3  }
0xc: {  	_ =	strace s3  }
0xd: {  	s3 =	sld [smem:$0x3FFD];
	_ =	sdelay $0x3  }
0xe: {  	_ =	strace s3  }
0xf: {  	_ =	strace $0x8FFFFFFF  }
0x10: {  	s20 =	sld [smem:$0x3FDB];
	_ =	sdelay $0x1  }
0x11: {  	s4 =	simm.s32 $_scs_section_size  }
0x12: {  	s5 =	simm.s32 $_size__tile_overlayer_lowered;
	s6 =	simm.s32 $_tile_overlayer_lowered  }
0x13: {  	s23 =	simm.s32 $0x1BFF;
	s22 =	sshll.u32 s6, $0x1;
	s3 =	sadd.s32 s4, s20  }
0x14: {  	s7 =	simm.s32 $0x0;
	s21 =	sshll.u32 s5, $0x1;
	s5 =	sadd.s32 s22, s3  }
0x15: {  	[timem:s7], [sflag:s23] =	dma.local [hbm:s5], s21  }
0x16: {  	_ =	swait.ge [sflag:s23], s21  }
0x17: {  	s4 =	ssub.s32 $0x0, s21;
	[sflag:s23] =	ssyncset.done $0x0  }
0x18: {  	[sflag:s23] =	ssyncadd.s32 s4;
	_ =	sdelay $0x1  }
0x19: {  	s24 =	simm.s32 $0x1B8B  }
0x1a: {  	_ =	swait.ge [sflag:s24], $0x1  }
0x1b: {  	[sflag:s24] =	ssyncset.done $0x0  }
0x1c: {  	s26 =	simm.s32 $0x1B8E;
	s25 =	sld [smem:$0x3FFE];
	[sflag:s24] =	ssyncadd.s32 $0xFFFFFFFF  }
0x1d: {  	s27 =	simm.s32 $execute0_lowered;
	[smem:$0x3FD2] =	sst s26  }
0x1e: {  	s5 =	sshll.u32 s27, $0x1;
	_ =	strace $0x80000049;
	[dreg:$0x1] =	wrdreg $0xFFFFFFFF  }
0x1f: {  	s28 =	simm.s32 $_size_execute0_lowered;
	s3 =	sadd.s32 s3, s5;
	[dreg:$0x0] =	wrdreg $0x0  }
0x20: {  	s5 =	sshll.u32 s28, $0x1;
	[dreg:$0x2] =	wrdreg s3  }
0x21: {  	[dreg:$0x3] =	wrdreg s5  }
0x22: {  	[dreg:$0x4] =	wrdreg $0xC0  }
0x23: {  	_ =	task [dreg:s7], $0x5FFFF  }
0x24: {  	[dreg:$0x1] =	wrdreg $0xFFFFFFFF  }
0x25: {  	[dreg:$0x0] =	wrdreg $0x60  }
0x26: {  	[dreg:$0x2] =	wrdreg s25  }
0x27: {  	[dreg:$0x3] =	wrdreg s2  }
0x28: {  	[dreg:$0x4] =	wrdreg $0x9  }
0x29: {  	_ =	task.clear_ibuf [dreg:s7], $0x5FFFF;
	_ =	strace $0x90000049  }
0x2a: {  	s29 =	simm.s32 $0x9;
	_ =	strace $0x8000004B  }
0x2b: {  	_ =	swait.ge [sflag:s29], $0x1  }
0x2c: {  	[sflag:s29] =	ssyncadd.s32 $0xFFFFFFFF  }
0x2d: {  	_ =	strace $0x9000004B  }
0x2e: {  	_ =	sfence  }
0x2f: {  	s30 =	sld [smem:$0x0];
	_ =	sdelay $0x2  }
0x30: {  	s31 =	sshll.u32 s1, $0xD;
	s1 =	sshrl.u32 s1, $0x2  }
0x31: {  	s3 =	sand.u32 $0x4000, s31;
	s1 =	sadd.s32 s1, s30  }
0x32: {  	s0 =	sor.u32 s3, s0;
	s1 =	sshll.u32 s1, $0x11  }
0x33: {  	s0 =	sor.u32 s1, s0  }
0x34: {  	s0 =	sadd.s32 $0x8F2B, s0  }
0x35: {  	[sflag:s0] =	ssyncadd.remote.s32 $0x1  }
0x36: {  	_ =	sfence.sel $0xFFFF  }
0x37: {  	[dreg:$0x0] =	wrdreg $0xFFFFFFFF;
	(pc) =	sbr.abs _section_cstart, $3  }
0x38: {  	[dreg:$0x1] =	wrdreg $0xFFFFFFFF  }
0x39: {  	_ =	task.clear_ibuf [dreg:s7], $0x2FFFF;
	_ =	strace $0x9FFFFFFF  }
0x3a: {  	(tm) =	ssettm $0x7FFFFFFF  }
0x3b: {  	_ =	shalt  }
tec
execute0_lowered:
.L_overlay_start_1:
0x0: {  	(tag) =	ssettag $0x1  }
0x1: {  	s0 =	srdreg.scid  }
0x2: {  	s1 =	sshll.u32 s0, $0x4  }
0x3: {  	s0 =	stileid.u32;
	s1 =	sand.u32 $0x10, s1  }
0x4: {  	s1 =	sor.u32 s0, s1  }
0x5: {  	s6 =	rddreg [dreg:$0x0];
	s4 =	simm.s32 $0x1;
	s2 =	sshll.u32 s1, $0x7  }
0x6: {  	s7 =	simm.s32 $0x2;
	s12 =	simm.s32 $0x0;
	s1 =	ssub.s32 $0x1000, s2  }
0x7: {  	s8 =	simm.s32 $0x8000;
	s13 =	simm.s32 $0x0;
	s3 =	sand.u32 $0xF80, s1  }
0x8: {  	s9 =	simm.s32 $0x0;
	s5 =	sshrl.u32 s1, $0xC;
	p0 =	sne.s32 s3, $0x0  }
.Ltmp0:
0x9: {  	s1 =	rddreg [dreg:$0x2];
	s4 =	simm.s32 @!p0 $0x0;
	(pc) =	sbr.rel .LBB1_1-.Ltmp0, $4  }
0xa: {  	s11 =	simm.s32 $0x0;
	s3 =	rddreg [dreg:$0x1];
	s5 =	sadd.s32 s4, s5  }
0xb: {  	_ =	strace $0x8000004A;
	s4 =	simm.s32 $0x1;
	s5 =	smul.u32 $0xC8, s5  }
0xc: {  	s6 =	sadd.s32 $0xA00, s6;
	s10 =	smov.u32 s2;
	[sflag:s4] =	ssyncpa.u1 $0x0  }
0xd: {  	p0 =	por $0x0, $0x0;
	[sflag:s7] =	ssyncpa.u1 $0x0;
	s7 =	sor.u32 $0x1, s5  }
.LBB1_4:
0xe: {  	s16 =	sshll.u32 s13, $0x3;
	s17 =	sand.u32 $0x78, s13  }
0xf: {  	s30 =	sand.u32 $0x3E00, s13;
	s12 =	sshll.u32 s12, $0xE;
	s16 =	sand.u32 $0xC00, s16  }
0x10: {  	s31 =	sand.u32 $0x7, s13;
	s16 =	sor.u32 s17, s16;
	s17 =	sadd.s32 s3, s30  }
0x11: {  	s13 =	sshll.u32 s31, $0x12;
	s16 =	sshrl.u32 s16, $0x3;
	s12 =	sadd.s32 s12, s17  }
0x12: {  	[tilespmem:s15+$0x0 ss:$0x81] =	vst.msk $0xffff, v0;
	s13 =	sor.u32 $0x400, s13;
	s12 =	sadd.s32 s16, s12  }
0x13: {  	[hbm4b:s12+s13] =	stream.strided.scatter [tilespmem:s14], [sflag:$0x2], $0x1000, s8, s13, $0x20;
	[tilespmem:$0x4040] =	vst v63  }
.LBB1_5:
0x14: {  	s14 =	sadd.s32 $0x1, s9  }
0x15: {  	s12 =	sadd.s32 $0x1000, s10;
	s16 =	smov.u32 s10;
	p2 =	sgt.s32 s14, $0xC7  }
0x16: {  	s16 =	smov.u32 @p2 s12  }
0x17: {  	s14 =	simm.s32 @p2 $0x0;
	p2 =	sgt.s32 s16, $0xFFF  }
0x18: {  	s16 =	smov.u32 @p2 s2;
	p2 =	sne.s32 s11, s7  }
.Ltmp1:
0x19: {  	p1 =	slt.u32 s11, $0x2;
	(pc) =	sbr.rel @!p2 .LBB1_6-.Ltmp1, $4  }
0x1a: {  	s15 =	simm.s32 @!p1 $0x2  }
0x1b: {  	s13 =	smov.u32 s10;
	p0 =	por !p0, !p0;
	_ =	swait.ge @!p1 [sflag:s15], $0x1000  }
0x1c: {  	s12 =	smov.u32 s9;
	[sflag:s15] =	ssyncset.done @!p1 $0x0;
	s9 =	smov.u32 s14  }
0x1d: {  	s11 =	sadd.s32 $0x1, s11;
	[sflag:s15] =	ssyncadd.s32 @!p1 $0xFFFFF000;
	s10 =	smov.u32 s16  }
.LBB1_1:
0x1e: {  	p1 =	sge.u32 s11, s5  }
0x1f: {  	s14 =	sand.u32 @!p1 $0x1FFFFFF, s9  }
0x20: {  	s15 =	smulhi.u32 @!p1 $0x147AE15, s14;
	_ =	sdelay $0x1  }
0x21: {  	s15 =	smul.u32 @!p1 $0xC8, s15  }
0x22: {  	s16 =	sxor.u32 @!p1 $0xFFFFFFFF, s11;
	s17 =	smul.u32 @!p1 $0xC80, s10  }
0x23: {  	s31 =	sadd.s32 $0xFFFFFFFF, s11;
	s16 =	sshll.u32 @!p1 s16, $0xC;
	s14 =	ssub.s32 @!p1 s14, s15  }
0x24: {  	s15 =	sand.u32 @!p1 $0x1000, s16;
	s16 =	sadd.s32 @!p1 s6, s17;
	s14 =	sshll.u32 @!p1 s14, $0x4  }
0x25: {  	s17 =	simm.s32 @!p1 $0x6400;
	s14 =	sadd.s32 @!p1 s14, s16;
	s16 =	simm.s32 @!p1 $0x20  }
0x26: {  	[tilespmem:s15], [sflag:$0x1] =	stream.strided.gather @!p1 [hbm4b:s14+s16], $0x1000, s17, s16, $0x38;
	[tilespmem:$0x4040] =	vst v63  }
0x27: {  	p1 =	sge.u32 s31, s5  }
.Ltmp2:
0x28: {  	_ = 	snop;
	(pc) =	sbr.rel @p1 .LBB1_5-.Ltmp2, $1  }
0x29: {  	_ =	sdelay $0x3  }
0x2a: {  	s14 =	simm.s32 $0x1  }
0x2b: {  	_ =	swait.ge [sflag:s4], $0x1000;
	s14 =	simm.s32 @!p0 $0x0  }
0x2c: {  	[sflag:s4] =	ssyncset.done $0x0;
	s15 =	sshll.u32 s14, $0xC  }
0x2d: {  	[sflag:s4] =	ssyncadd.s32 $0xFFFFF000;
	s18 =	sor.u32 $0x10, s15  }
0x2e: {  	s14 =	smul.u32 $0x4080, s14;
	v1 =	vld [tilespmem:s18+$0x0]  }
0x2f: {  	s30 =	sand.u32 $0x1, s11;
	v0 =	vld [tilespmem:s18+$0xFFFFFFF0]  }
0x30: {  	s15 =	smul.u32 $0x4080, s30;
	s14 =	sshrl.u32 s14, $0x2  }
0x31: {  	s16 =	sor.u32 $0x2000, s14  }
0x32: {  	s31 =	sshrl.u32 s15, $0x2;
	s15 =	sadd.s32 $0x0, s16  }
0x33: {  	s17 =	simm.s32 $0x4;
	s18 =	sadd.s32 $0x20, s18;
	s14 =	sor.u32 $0x2000, s31;
	[tilespmem:s15+$0x810 ss:$0x81] =	vst.msk $0xffff, v1  }
.LBB1_3:
0x34: {  	v1 =	vld [tilespmem:s18+$0x0];
	p1 =	sne.s32 s17, $0x1FC;
	[tilespmem:s15+$0x0 ss:$0x81] =	vst.msk $0xffff, v0;
	s15 =	smov.u32 s17;
	s17 =	sadd.s32 $0x4, s17  }
.Ltmp3:
0x35: {  	v0 =	vld [tilespmem:s18+$0xFFFFFFF0];
	(pc) =	sbr.rel @p1 .LBB1_3-.Ltmp3, $4  }
0x36: {  	_ = 	snop  }
0x37: {  	s15 =	sshra.s32 s15, $0x2  }
0x38: {  	s15 =	sadd.s32 s15, s16  }
0x39: {  	s18 =	sadd.s32 $0x20, s18;
	[tilespmem:s15+$0x810 ss:$0x81] =	vst.msk $0xffff, v1  }
.Ltmp4:
0x3a: {  	_ = 	snop;
	(pc) =	sbr.rel .LBB1_4-.Ltmp4, $1  }
0x3b: {  	_ =	sdelay $0x3  }
.LBB1_6:
0x3c: {  	_ =	sfence.sel $0x180000  }
0x3d: {  	s2 =	simm.s32 $0x1;
	[bflag:$0x0] =	sbarrier.arrive $0xFFFF  }
0x3e: {  	s31 =	simm.s32 $0x2;
	[sflag:s2] =	ssyncpa.u1 $0x1  }
0x3f: {  	[sflag:s31] =	ssyncpa.u1 $0x1  }
0x40: {  	p0 =	sne.s32 s0, $0x0;
	_ =	strace $0x9000004A  }
0x41: {  	s0 =	sadd.s32 @!p0 $0x100000, s1;
	[bflag:$0x2] =	sbarrier.arrive $0xFFFF  }
0x42: {  	[sflag:s0] =	ssyncadd.tile.s32 @!p0 $0x1;
	_ =	shalt  }
.Lfunc_end1:
_tile_overlayer_lowered:
.L_overlay_start_2:
0x43: {  	(tag) =	ssettag $0x2  }
0x44: {  	s0 =	rddreg [dreg:$0x0];
	s2 =	stileid.u32  }
0x45: {  	s1 =	rddreg [dreg:$0x1];
	p0 =	sne.s32 s2, $0x0  }
0x46: {  	s3 =	rddreg [dreg:$0x2];
	[bflag:$0x3] =	sbarrier.arrive $0xFFFF;
	s2 =	simm.s32 @!p0 $0x1C01  }
0x47: {  	[timem:s3], [sflag:s2] =	dma.local @!p0 [hbm:s0], s1  }
0x48: {  	s0 =	simm.s32 @!p0 $0x1  }
0x49: {  	_ =	swait.ge @!p0 [sflag:s0], s1  }
0x4a: {  	s1 =	ssub.s32 @!p0 $0x0, s1;
	[sflag:s0] =	ssyncset.done @!p0 $0x0  }
0x4b: {  	[sflag:s0] =	ssyncadd.s32 @!p0 s1  }
0x4c: {  	[bflag:$0x3] =	sbarrier.arrive $0xFFFF  }
0x4d: {  	_ =	shalt  }

</sc_bundles>
